<compile_context>
chip_gen: v7x
topology: tpu7x:2x2x1
jax: 0.10.2.dev20260603
libtpu: 0.0.44.dev20260713+nightly
codegen_flags: <defaults>
</compile_context>

<pallas_src>
import functools

import jax
import jax.numpy as jnp
from jax import lax
from jax.experimental import pallas as pl
from jax.experimental.pallas import tpu as pltpu
from jax.experimental.pallas import tpu_sc as plsc

V = 1000000
D = 32
B = 16384
GAMMA = 0.5
NW = 32
BPW = B // NW
NBLK = BPW // 16


def _vrsqrt(x):
    i = plsc.bitcast(x, jnp.int32)
    i = jnp.int32(0x5F3759DF) - (i >> 1)
    y = plsc.bitcast(i, jnp.float32)
    half_x = 0.5 * x
    for _ in range(3):
        y = y * (1.5 - half_x * y * y)
    return y


def _sc_kernel(idx_hbm, pt_hbm, ct_hbm, wb_hbm,
               rating_hbm, scale_hbm, dirt_hbm,
               idx_v, tiles_p, tiles_c, tiles_p2, tiles_c2, blk_p, blk_c,
               wb_v, scale_v, rating_v, dirt_v, sem, sem2):
    wid = lax.axis_index("s") * 2 + lax.axis_index("c")
    base = wid * BPW

    pltpu.sync_copy(idx_hbm.at[wid], idx_v)
    pltpu.sync_copy(wb_hbm, wb_v)

    d_ids = lax.iota(jnp.int32, 16)
    wlow = wb_v[0, pl.ds(0, 16)]
    whigh = wb_v[0, pl.ds(16, 16)]
    bias = jnp.full((16,), 1.0, jnp.float32) * wb_v[1, pl.ds(0, 16)][0]

    def blk_body(blk, carry):
        b16 = blk * 16
        vec = idx_v[pl.ds(b16, 16)]
        jvec = (vec >> 7) * 128
        cvec = vec & 127

        sid = lax.axis_index("s")

        def fire(q, t_p, t_c, s):
            cps = []
            for l4 in range(4):
                j = pl.multiple_of(jvec[q * 4 + l4], 128)
                cps.append(pltpu.async_copy(
                    pt_hbm.at[:, pl.ds(j, 128)], t_p.at[sid, l4], s))
                cps.append(pltpu.async_copy(
                    ct_hbm.at[:, pl.ds(j, 128)], t_c.at[sid, l4], s))
            return cps

        def extract(q, t_p, t_c):
            pass

        sets = ((tiles_p, tiles_c, sem), (tiles_p2, tiles_c2, sem2))
        pend = fire(0, *sets[0])
        for q in range(4):
            nxt = fire(q + 1, *sets[(q + 1) % 2]) if q < 3 else []
            for cp in pend:
                cp.wait()
            extract(q, sets[q % 2][0], sets[q % 2][1])
            pend = nxt

        acc_c2 = jnp.full((16,), 0.0, jnp.float32)
        acc_v2 = jnp.full((16,), 0.0, jnp.float32)
        for d in range(D):
            pc = blk_p[d, pl.ds(0, 16)]
            cc = blk_c[d, pl.ds(0, 16)]
            vc = GAMMA * pc + cc
            acc_c2 = acc_c2 + cc * cc
            acc_v2 = acc_v2 + vc * vc
            dirt_v[d, pl.ds(b16, 16)] = vc
        scale = acc_c2 * _vrsqrt(jnp.maximum(acc_c2, jnp.float32(1e-30)))
        rinv = _vrsqrt(jnp.maximum(acc_v2, jnp.float32(1e-24)))
        logit = jnp.full((16,), 0.0, jnp.float32)
        for d in range(D):
            dirc = dirt_v[d, pl.ds(b16, 16)] * rinv
            dirt_v[d, pl.ds(b16, 16)] = dirc
            wsrc = wlow if d < 16 else whigh
            wd = jnp.full((16,), 1.0, jnp.float32) * wsrc[d % 16]
            logit = logit + dirc * wd
        logit = scale * logit + bias
        rating = 1.0 / (1.0 + jnp.exp(-logit))
        scale_v[pl.ds(b16, 16)] = scale
        rating_v[pl.ds(b16, 16)] = rating
        return carry

    lax.fori_loop(0, NBLK, blk_body, 0)

    pltpu.sync_copy(rating_v, rating_hbm.at[pl.ds(base, BPW)])
    pltpu.sync_copy(scale_v, scale_hbm.at[pl.ds(base, BPW)])
    pltpu.sync_copy(dirt_v, dirt_hbm.at[:, pl.ds(base, BPW)])


@jax.jit
def _run(idx2, Pt, Ct, wb):
    mesh = plsc.VectorSubcoreMesh(core_axis_name="c", subcore_axis_name="s")
    k = functools.partial(
        pl.kernel, mesh=mesh,
        compiler_params=pltpu.CompilerParams(
            needs_layout_passes=False, use_tc_tiling_on_sc=True),
        out_type=(
            jax.ShapeDtypeStruct((B,), jnp.float32),
            jax.ShapeDtypeStruct((B,), jnp.float32),
            jax.ShapeDtypeStruct((D, B), jnp.float32),
        ),
        scratch_types=[
            pltpu.VMEM((BPW,), jnp.int32),
            pltpu.VMEM_SHARED((16, 4, D, 128), jnp.float32),
            pltpu.VMEM_SHARED((16, 4, D, 128), jnp.float32),
            pltpu.VMEM_SHARED((16, 4, D, 128), jnp.float32),
            pltpu.VMEM_SHARED((16, 4, D, 128), jnp.float32),
            pltpu.VMEM((D, 128), jnp.float32),
            pltpu.VMEM((D, 128), jnp.float32),
            pltpu.VMEM((8, 128), jnp.float32),
            pltpu.VMEM((BPW,), jnp.float32),
            pltpu.VMEM((BPW,), jnp.float32),
            pltpu.VMEM((D, BPW), jnp.float32),
            pltpu.SemaphoreType.DMA,
            pltpu.SemaphoreType.DMA,
        ],
    )(_sc_kernel)
    return k(idx2, Pt, Ct, wb)


def kernel(item_indices, P, C, W, b):
    idx2 = item_indices.reshape(NW, BPW).astype(jnp.int32)
    wb = jnp.zeros((8, 128), jnp.float32)
    wb = wb.at[0, :D].set(W.reshape(D))
    wb = wb.at[1, 0].set(b[0])
    rating, scale, dirt = _run(idx2, P.T, C.T, wb)
    return (rating.reshape(B, 1), scale.reshape(B, 1), dirt.T)

# --- scband reference (transcript-rebuilt; emitter-appended) ---
"""Pipeline reference for scband-fed-pormo-69449621176327 (READ-ONLY COPY).

The authoritative reference and input builder live on the scoring server;
editing this copy changes nothing except your own understanding.
"""

import jax, jax.numpy as jnp
import numpy as np

V = 1000000
D = 32
B = 16384
GAMMA = 0.5
EPS = 1e-12

def setup_inputs(seed: int = 0) -> dict:
    key = jax.random.key(seed)
    k1, k2, k3, k4, k5 = jax.random.split(key, 5)
    item_indices = jax.random.randint(k1, (B,), 0, V)
    # item_personality: torch Embedding init N(0,1), then L2-normalized rows at init
    P = jax.random.normal(k2, (V, D), dtype=jnp.float32)
    P = P / jnp.maximum(jnp.linalg.norm(P, axis=1, keepdims=True), EPS)
    # item_commonality: torch Embedding init N(0,1)
    C = jax.random.normal(k3, (V, D), dtype=jnp.float32)
    # user_embedding: Linear(D -> 1)
    bound = 1.0 / np.sqrt(D)
    W = jax.random.uniform(k4, (1, D), dtype=jnp.float32, minval=-bound, maxval=bound)
    b = jax.random.uniform(k5, (1,), dtype=jnp.float32, minval=-bound, maxval=bound)
    return {"item_indices": item_indices, "P": P, "C": C, "W": W, "b": b}

def reference(item_indices, P, C, W, b):
    item_personality = jnp.take(P, item_indices, axis=0)        # [B, D] gather
    item_commonality = jnp.take(C, item_indices, axis=0)        # [B, D] gather
    item_scale = jnp.linalg.norm(item_commonality, axis=1, keepdims=True)  # [B, 1]
    v = GAMMA * item_personality + item_commonality
    item_direction = v / jnp.maximum(jnp.linalg.norm(v, axis=1, keepdims=True), EPS)  # F.normalize
    logits = (item_direction * item_scale) @ W.T + b            # [B, 1]
    rating = jax.nn.sigmoid(logits)
    return (rating, item_scale, item_direction)

if __name__ == "__main__":
    import jax
    _d = setup_inputs()
    print(jax.jit(kernel)(*tuple(_d.values())))

</pallas_src>

<mosaic_0001>
#map = affine_map<(d0, d1) -> (0, 0)>
#map1 = affine_map<(d0, d1) -> (0)>
module attributes {stable_mosaic.version = 14 : i64} {
  func.func @_sc_kernel(%arg0: i32, %arg1: i32, %arg2: memref<32x512xi32, #tpu.memory_space<hbm>>, %arg3: memref<32x1000000xf32, #tpu.memory_space<hbm>>, %arg4: memref<32x1000000xf32, #tpu.memory_space<hbm>>, %arg5: memref<8x128xf32, #tpu.memory_space<hbm>>, %arg6: memref<16384xf32, #tpu.memory_space<hbm>>, %arg7: memref<16384xf32, #tpu.memory_space<hbm>>, %arg8: memref<32x16384xf32, #tpu.memory_space<hbm>>, %arg9: memref<512xi32, #tpu.memory_space<vmem>>, %arg10: memref<16x4x32x128xf32, #tpu.memory_space<vmem_shared>>, %arg11: memref<16x4x32x128xf32, #tpu.memory_space<vmem_shared>>, %arg12: memref<16x4x32x128xf32, #tpu.memory_space<vmem_shared>>, %arg13: memref<16x4x32x128xf32, #tpu.memory_space<vmem_shared>>, %arg14: memref<32x128xf32, #tpu.memory_space<vmem>>, %arg15: memref<32x128xf32, #tpu.memory_space<vmem>>, %arg16: memref<8x128xf32, #tpu.memory_space<vmem>>, %arg17: memref<512xf32, #tpu.memory_space<vmem>>, %arg18: memref<512xf32, #tpu.memory_space<vmem>>, %arg19: memref<32x512xf32, #tpu.memory_space<vmem>>, %arg20: memref<!tpu.dma_semaphore, #tpu.memory_space<semaphore_mem>>, %arg21: memref<!tpu.dma_semaphore, #tpu.memory_space<semaphore_mem>>) attributes {dimension_semantics = [#tpu.dimension_semantics<core_parallel>, #tpu.dimension_semantics<subcore_parallel>], iteration_bounds = array<i64: 2, 16>, scalar_prefetch = 0 : i64, scratch_operands = 13 : i64, tpu.core_type = #tpu.core_type<sc_vector_subcore>, window_params = [{transform_indices = #map}, {transform_indices = #map}, {transform_indices = #map}, {transform_indices = #map}, {transform_indices = #map1}, {transform_indices = #map1}, {transform_indices = #map}]} {
    %mul3A = arith.constant 2 : i32
    %mul3A_0 = arith.muli %arg1, %mul3A : i32
    %add3A = arith.addi %mul3A_0, %arg0 : i32
    %mul3A_1 = arith.constant 512 : i32
    %mul3A_2 = arith.muli %add3A, %mul3A_1 : i32
    "tpu.region"() ({
      %run_scoped3A = tpu.sem_alloc : memref<!tpu.dma_semaphore, #tpu.memory_space<semaphore_mem>>
      %dma_start3A = arith.constant 0 : i32
      %dma_start3A_22 = tpu.memref_slice %arg2[%add3A, %dma_start3A] : memref<32x512xi32, #tpu.memory_space<hbm>> -> memref<1x512xi32, #tpu.memory_space<hbm>>
      %dma_start3A_23 = tpu.memref_squeeze %dma_start3A_22 : memref<1x512xi32, #tpu.memory_space<hbm>> -> memref<512xi32, #tpu.memory_space<hbm>>
      %dma_start3A_24 = arith.constant 0 : i32
      %dma_start3A_25 = tpu.memref_slice %arg2[%add3A, %dma_start3A_24] : memref<32x512xi32, #tpu.memory_space<hbm>> -> memref<1x512xi32, #tpu.memory_space<hbm>>
      %dma_start3A_26 = tpu.memref_squeeze %dma_start3A_25 : memref<1x512xi32, #tpu.memory_space<hbm>> -> memref<512xi32, #tpu.memory_space<hbm>>
      tpu.enqueue_dma source(%dma_start3A_26 : memref<512xi32, #tpu.memory_space<hbm>>) target(%arg9 : memref<512xi32, #tpu.memory_space<vmem>>) target_semaphore(%run_scoped3A : memref<!tpu.dma_semaphore, #tpu.memory_space<semaphore_mem>>)
      %dma_wait3A = arith.constant 0 : i32
      %dma_wait3A_27 = tpu.memref_slice %arg2[%add3A, %dma_wait3A] : memref<32x512xi32, #tpu.memory_space<hbm>> -> memref<1x512xi32, #tpu.memory_space<hbm>>
      %dma_wait3A_28 = tpu.memref_squeeze %dma_wait3A_27 : memref<1x512xi32, #tpu.memory_space<hbm>> -> memref<512xi32, #tpu.memory_space<hbm>>
      %dma_wait3A_29 = arith.constant 0 : i32
      %dma_wait3A_30 = tpu.memref_slice %arg2[%add3A, %dma_wait3A_29] : memref<32x512xi32, #tpu.memory_space<hbm>> -> memref<1x512xi32, #tpu.memory_space<hbm>>
      %dma_wait3A_31 = tpu.memref_squeeze %dma_wait3A_30 : memref<1x512xi32, #tpu.memory_space<hbm>> -> memref<512xi32, #tpu.memory_space<hbm>>
      tpu.wait_dma2 semaphore(%run_scoped3A : memref<!tpu.dma_semaphore, #tpu.memory_space<semaphore_mem>>) src(%dma_wait3A_31 : memref<512xi32, #tpu.memory_space<hbm>>) dst(%arg9 : memref<512xi32, #tpu.memory_space<vmem>>)
      tpu.yield
    }) : () -> ()
    "tpu.region"() ({
      %run_scoped3A = tpu.sem_alloc : memref<!tpu.dma_semaphore, #tpu.memory_space<semaphore_mem>>
      tpu.enqueue_dma source(%arg5 : memref<8x128xf32, #tpu.memory_space<hbm>>) target(%arg16 : memref<8x128xf32, #tpu.memory_space<vmem>>) target_semaphore(%run_scoped3A : memref<!tpu.dma_semaphore, #tpu.memory_space<semaphore_mem>>)
      tpu.wait_dma2 semaphore(%run_scoped3A : memref<!tpu.dma_semaphore, #tpu.memory_space<semaphore_mem>>) src(%arg5 : memref<8x128xf32, #tpu.memory_space<hbm>>) dst(%arg16 : memref<8x128xf32, #tpu.memory_space<vmem>>)
      tpu.yield
    }) : () -> ()
    %iota3A = tpu.iota {dimensions = array<i32: 0>} : vector<16xi32>
    %get3A = arith.constant 0 : i32
    %get3A_3 = arith.index_cast %get3A : i32 to index
    %get3A_4 = arith.constant 0 : index
    %get3A_5 = tpu.vector_load %arg16[%get3A_3, %get3A_4] {strides = array<i32>} : memref<8x128xf32, #tpu.memory_space<vmem>>, vector<16xf32>,
    %get3A_6 = arith.constant 0 : i32
    %get3A_7 = arith.index_cast %get3A_6 : i32 to index
    %get3A_8 = arith.constant 16 : index
    %get3A_9 = tpu.vector_load %arg16[%get3A_7, %get3A_8] {strides = array<i32>} : memref<8x128xf32, #tpu.memory_space<vmem>>, vector<16xf32>,
    %broadcast_in_dim3A = arith.constant 1.000000e+00 : f32
    %broadcast_in_dim3A_10 = vector.broadcast %broadcast_in_dim3A : f32 to vector<16xf32>
    %get3A_11 = arith.constant 1 : i32
    %get3A_12 = arith.index_cast %get3A_11 : i32 to index
    %get3A_13 = arith.constant 0 : index
    %get3A_14 = tpu.vector_load %arg16[%get3A_12, %get3A_13] {strides = array<i32>} : memref<8x128xf32, #tpu.memory_space<vmem>>, vector<16xf32>,
    %slice3A = vector.extract_strided_slice %get3A_14 {offsets = [0], sizes = [1], strides = [1]} : vector<16xf32> to vector<1xf32>
    %squeeze3A = vector.extract %slice3A[0] : f32 from vector<1xf32>
    %mul3A_15 = vector.broadcast %squeeze3A : f32 to vector<16xf32>
    %mul3A_16 = arith.mulf %broadcast_in_dim3A_10, %mul3A_15 : vector<16xf32>
    %scan3A = arith.constant 0 : i32
    %scan3A_17 = arith.constant 0 : i32
    %scan3A_18 = arith.constant 32 : i32
    %scan3A_19 = arith.addi %scan3A_17, %scan3A_18 : i32
    %scan3A_20 = arith.constant 1 : i32
    scf.for %scan3A_22 = %scan3A_17 to %scan3A_19 step %scan3A_20  : i32 {
      %mul3A_23 = arith.constant 16 : i32
      %mul3A_24 = arith.muli %scan3A_22, %mul3A_23 : i32
      %get3A_25 = arith.index_cast %mul3A_24 : i32 to index
      %get3A_26 = tpu.vector_load %arg9[%get3A_25] {strides = array<i32>} : memref<512xi32, #tpu.memory_space<vmem>>, vector<16xi32>,
      %shift_right_arithmetic3A = arith.constant 7 : i32
      %shift_right_arithmetic3A_27 = vector.broadcast %shift_right_arithmetic3A : i32 to vector<16xi32>
      %shift_right_arithmetic3A_28 = arith.shrsi %get3A_26, %shift_right_arithmetic3A_27 : vector<16xi32>
      %mul3A_29 = arith.constant 128 : i32
      %mul3A_30 = vector.broadcast %mul3A_29 : i32 to vector<16xi32>
      %mul3A_31 = arith.muli %shift_right_arithmetic3A_28, %mul3A_30 : vector<16xi32>
      %and3A = arith.constant 127 : i32
      %and3A_32 = vector.broadcast %and3A : i32 to vector<16xi32>
      %and3A_33 = arith.andi %get3A_26, %and3A_32 : vector<16xi32>
      %slice3A_34 = vector.extract_strided_slice %mul3A_31 {offsets = [0], sizes = [1], strides = [1]} : vector<16xi32> to vector<1xi32>
      %squeeze3A_35 = vector.extract %slice3A_34[0] : i32 from vector<1xi32>
      %multiple_of3A = tpu.assume_multiple %squeeze3A_35, 128 : i32
      %dma_start3A = arith.constant 0 : i32
      %dma_start3A_36 = arith.constant 0 : i32
      %dma_start3A_37 = arith.constant 0 : i32
      %dma_start3A_38 = tpu.memref_slice %arg10[%arg1, %dma_start3A, %dma_start3A_36, %dma_start3A_37] : memref<16x4x32x128xf32, #tpu.memory_space<vmem_shared>> -> memref<1x1x32x128xf32, #tpu.memory_space<vmem_shared>>
      %dma_start3A_39 = tpu.memref_squeeze %dma_start3A_38 : memref<1x1x32x128xf32, #tpu.memory_space<vmem_shared>> -> memref<32x128xf32, #tpu.memory_space<vmem_shared>>
      %dma_start3A_40 = arith.constant 0 : i32
      %dma_start3A_41 = tpu.memref_slice %arg3[%dma_start3A_40, %multiple_of3A] : memref<32x1000000xf32, #tpu.memory_space<hbm>> -> memref<32x128xf32, #tpu.memory_space<hbm>>
      tpu.enqueue_dma source(%dma_start3A_41 : memref<32x128xf32, #tpu.memory_space<hbm>>) target(%dma_start3A_39 : memref<32x128xf32, #tpu.memory_space<vmem_shared>>) target_semaphore(%arg20 : memref<!tpu.dma_semaphore, #tpu.memory_space<semaphore_mem>>)
      %dma_start3A_42 = arith.constant 0 : i32
      %dma_start3A_43 = arith.constant 0 : i32
      %dma_start3A_44 = arith.constant 0 : i32
      %dma_start3A_45 = tpu.memref_slice %arg11[%arg1, %dma_start3A_42, %dma_start3A_43, %dma_start3A_44] : memref<16x4x32x128xf32, #tpu.memory_space<vmem_shared>> -> memref<1x1x32x128xf32, #tpu.memory_space<vmem_shared>>
      %dma_start3A_46 = tpu.memref_squeeze %dma_start3A_45 : memref<1x1x32x128xf32, #tpu.memory_space<vmem_shared>> -> memref<32x128xf32, #tpu.memory_space<vmem_shared>>
      %dma_start3A_47 = arith.constant 0 : i32
      %dma_start3A_48 = tpu.memref_slice %arg4[%dma_start3A_47, %multiple_of3A] : memref<32x1000000xf32, #tpu.memory_space<hbm>> -> memref<32x128xf32, #tpu.memory_space<hbm>>
      tpu.enqueue_dma source(%dma_start3A_48 : memref<32x128xf32, #tpu.memory_space<hbm>>) target(%dma_start3A_46 : memref<32x128xf32, #tpu.memory_space<vmem_shared>>) target_semaphore(%arg20 : memref<!tpu.dma_semaphore, #tpu.memory_space<semaphore_mem>>)
      %slice3A_49 = vector.extract_strided_slice %mul3A_31 {offsets = [1], sizes = [1], strides = [1]} : vector<16xi32> to vector<1xi32>
      %squeeze3A_50 = vector.extract %slice3A_49[0] : i32 from vector<1xi32>
      %multiple_of3A_51 = tpu.assume_multiple %squeeze3A_50, 128 : i32
      %dma_start3A_52 = arith.constant 1 : i32
      %dma_start3A_53 = arith.constant 0 : i32
      %dma_start3A_54 = arith.constant 0 : i32
      %dma_start3A_55 = tpu.memref_slice %arg10[%arg1, %dma_start3A_52, %dma_start3A_53, %dma_start3A_54] : memref<16x4x32x128xf32, #tpu.memory_space<vmem_shared>> -> memref<1x1x32x128xf32, #tpu.memory_space<vmem_shared>>
      %dma_start3A_56 = tpu.memref_squeeze %dma_start3A_55 : memref<1x1x32x128xf32, #tpu.memory_space<vmem_shared>> -> memref<32x128xf32, #tpu.memory_space<vmem_shared>>
      %dma_start3A_57 = arith.constant 0 : i32
      %dma_start3A_58 = tpu.memref_slice %arg3[%dma_start3A_57, %multiple_of3A_51] : memref<32x1000000xf32, #tpu.memory_space<hbm>> -> memref<32x128xf32, #tpu.memory_space<hbm>>
      tpu.enqueue_dma source(%dma_start3A_58 : memref<32x128xf32, #tpu.memory_space<hbm>>) target(%dma_start3A_56 : memref<32x128xf32, #tpu.memory_space<vmem_shared>>) target_semaphore(%arg20 : memref<!tpu.dma_semaphore, #tpu.memory_space<semaphore_mem>>)
      %dma_start3A_59 = arith.constant 1 : i32
      %dma_start3A_60 = arith.constant 0 : i32
      %dma_start3A_61 = arith.constant 0 : i32
      %dma_start3A_62 = tpu.memref_slice %arg11[%arg1, %dma_start3A_59, %dma_start3A_60, %dma_start3A_61] : memref<16x4x32x128xf32, #tpu.memory_space<vmem_shared>> -> memref<1x1x32x128xf32, #tpu.memory_space<vmem_shared>>
      %dma_start3A_63 = tpu.memref_squeeze %dma_start3A_62 : memref<1x1x32x128xf32, #tpu.memory_space<vmem_shared>> -> memref<32x128xf32, #tpu.memory_space<vmem_shared>>
      %dma_start3A_64 = arith.constant 0 : i32
      %dma_start3A_65 = tpu.memref_slice %arg4[%dma_start3A_64, %multiple_of3A_51] : memref<32x1000000xf32, #tpu.memory_space<hbm>> -> memref<32x128xf32, #tpu.memory_space<hbm>>
      tpu.enqueue_dma source(%dma_start3A_65 : memref<32x128xf32, #tpu.memory_space<hbm>>) target(%dma_start3A_63 : memref<32x128xf32, #tpu.memory_space<vmem_shared>>) target_semaphore(%arg20 : memref<!tpu.dma_semaphore, #tpu.memory_space<semaphore_mem>>)
      %slice3A_66 = vector.extract_strided_slice %mul3A_31 {offsets = [2], sizes = [1], strides = [1]} : vector<16xi32> to vector<1xi32>
      %squeeze3A_67 = vector.extract %slice3A_66[0] : i32 from vector<1xi32>
      %multiple_of3A_68 = tpu.assume_multiple %squeeze3A_67, 128 : i32
      %dma_start3A_69 = arith.constant 2 : i32
      %dma_start3A_70 = arith.constant 0 : i32
      %dma_start3A_71 = arith.constant 0 : i32
      %dma_start3A_72 = tpu.memref_slice %arg10[%arg1, %dma_start3A_69, %dma_start3A_70, %dma_start3A_71] : memref<16x4x32x128xf32, #tpu.memory_space<vmem_shared>> -> memref<1x1x32x128xf32, #tpu.memory_space<vmem_shared>>
      %dma_start3A_73 = tpu.memref_squeeze %dma_start3A_72 : memref<1x1x32x128xf32, #tpu.memory_space<vmem_shared>> -> memref<32x128xf32, #tpu.memory_space<vmem_shared>>
      %dma_start3A_74 = arith.constant 0 : i32
      %dma_start3A_75 = tpu.memref_slice %arg3[%dma_start3A_74, %multiple_of3A_68] : memref<32x1000000xf32, #tpu.memory_space<hbm>> -> memref<32x128xf32, #tpu.memory_space<hbm>>
      tpu.enqueue_dma source(%dma_start3A_75 : memref<32x128xf32, #tpu.memory_space<hbm>>) target(%dma_start3A_73 : memref<32x128xf32, #tpu.memory_space<vmem_shared>>) target_semaphore(%arg20 : memref<!tpu.dma_semaphore, #tpu.memory_space<semaphore_mem>>)
      %dma_start3A_76 = arith.constant 2 : i32
      %dma_start3A_77 = arith.constant 0 : i32
      %dma_start3A_78 = arith.constant 0 : i32
      %dma_start3A_79 = tpu.memref_slice %arg11[%arg1, %dma_start3A_76, %dma_start3A_77, %dma_start3A_78] : memref<16x4x32x128xf32, #tpu.memory_space<vmem_shared>> -> memref<1x1x32x128xf32, #tpu.memory_space<vmem_shared>>
      %dma_start3A_80 = tpu.memref_squeeze %dma_start3A_79 : memref<1x1x32x128xf32, #tpu.memory_space<vmem_shared>> -> memref<32x128xf32, #tpu.memory_space<vmem_shared>>
      %dma_start3A_81 = arith.constant 0 : i32
      %dma_start3A_82 = tpu.memref_slice %arg4[%dma_start3A_81, %multiple_of3A_68] : memref<32x1000000xf32, #tpu.memory_space<hbm>> -> memref<32x128xf32, #tpu.memory_space<hbm>>
      tpu.enqueue_dma source(%dma_start3A_82 : memref<32x128xf32, #tpu.memory_space<hbm>>) target(%dma_start3A_80 : memref<32x128xf32, #tpu.memory_space<vmem_shared>>) target_semaphore(%arg20 : memref<!tpu.dma_semaphore, #tpu.memory_space<semaphore_mem>>)
      %slice3A_83 = vector.extract_strided_slice %mul3A_31 {offsets = [3], sizes = [1], strides = [1]} : vector<16xi32> to vector<1xi32>
      %squeeze3A_84 = vector.extract %slice3A_83[0] : i32 from vector<1xi32>
      %multiple_of3A_85 = tpu.assume_multiple %squeeze3A_84, 128 : i32
      %dma_start3A_86 = arith.constant 3 : i32
      %dma_start3A_87 = arith.constant 0 : i32
      %dma_start3A_88 = arith.constant 0 : i32
      %dma_start3A_89 = tpu.memref_slice %arg10[%arg1, %dma_start3A_86, %dma_start3A_87, %dma_start3A_88] : memref<16x4x32x128xf32, #tpu.memory_space<vmem_shared>> -> memref<1x1x32x128xf32, #tpu.memory_space<vmem_shared>>
      %dma_start3A_90 = tpu.memref_squeeze %dma_start3A_89 : memref<1x1x32x128xf32, #tpu.memory_space<vmem_shared>> -> memref<32x128xf32, #tpu.memory_space<vmem_shared>>
      %dma_start3A_91 = arith.constant 0 : i32
      %dma_start3A_92 = tpu.memref_slice %arg3[%dma_start3A_91, %multiple_of3A_85] : memref<32x1000000xf32, #tpu.memory_space<hbm>> -> memref<32x128xf32, #tpu.memory_space<hbm>>
      tpu.enqueue_dma source(%dma_start3A_92 : memref<32x128xf32, #tpu.memory_space<hbm>>) target(%dma_start3A_90 : memref<32x128xf32, #tpu.memory_space<vmem_shared>>) target_semaphore(%arg20 : memref<!tpu.dma_semaphore, #tpu.memory_space<semaphore_mem>>)
      %dma_start3A_93 = arith.constant 3 : i32
      %dma_start3A_94 = arith.constant 0 : i32
      %dma_start3A_95 = arith.constant 0 : i32
      %dma_start3A_96 = tpu.memref_slice %arg11[%arg1, %dma_start3A_93, %dma_start3A_94, %dma_start3A_95] : memref<16x4x32x128xf32, #tpu.memory_space<vmem_shared>> -> memref<1x1x32x128xf32, #tpu.memory_space<vmem_shared>>
      %dma_start3A_97 = tpu.memref_squeeze %dma_start3A_96 : memref<1x1x32x128xf32, #tpu.memory_space<vmem_shared>> -> memref<32x128xf32, #tpu.memory_space<vmem_shared>>
      %dma_start3A_98 = arith.constant 0 : i32
      %dma_start3A_99 = tpu.memref_slice %arg4[%dma_start3A_98, %multiple_of3A_85] : memref<32x1000000xf32, #tpu.memory_space<hbm>> -> memref<32x128xf32, #tpu.memory_space<hbm>>
      tpu.enqueue_dma source(%dma_start3A_99 : memref<32x128xf32, #tpu.memory_space<hbm>>) target(%dma_start3A_97 : memref<32x128xf32, #tpu.memory_space<vmem_shared>>) target_semaphore(%arg20 : memref<!tpu.dma_semaphore, #tpu.memory_space<semaphore_mem>>)
      %slice3A_100 = vector.extract_strided_slice %mul3A_31 {offsets = [4], sizes = [1], strides = [1]} : vector<16xi32> to vector<1xi32>
      %squeeze3A_101 = vector.extract %slice3A_100[0] : i32 from vector<1xi32>
      %multiple_of3A_102 = tpu.assume_multiple %squeeze3A_101, 128 : i32
      %dma_start3A_103 = arith.constant 0 : i32
      %dma_start3A_104 = arith.constant 0 : i32
      %dma_start3A_105 = arith.constant 0 : i32
      %dma_start3A_106 = tpu.memref_slice %arg12[%arg1, %dma_start3A_103, %dma_start3A_104, %dma_start3A_105] : memref<16x4x32x128xf32, #tpu.memory_space<vmem_shared>> -> memref<1x1x32x128xf32, #tpu.memory_space<vmem_shared>>
      %dma_start3A_107 = tpu.memref_squeeze %dma_start3A_106 : memref<1x1x32x128xf32, #tpu.memory_space<vmem_shared>> -> memref<32x128xf32, #tpu.memory_space<vmem_shared>>
      %dma_start3A_108 = arith.constant 0 : i32
      %dma_start3A_109 = tpu.memref_slice %arg3[%dma_start3A_108, %multiple_of3A_102] : memref<32x1000000xf32, #tpu.memory_space<hbm>> -> memref<32x128xf32, #tpu.memory_space<hbm>>
      tpu.enqueue_dma source(%dma_start3A_109 : memref<32x128xf32, #tpu.memory_space<hbm>>) target(%dma_start3A_107 : memref<32x128xf32, #tpu.memory_space<vmem_shared>>) target_semaphore(%arg21 : memref<!tpu.dma_semaphore, #tpu.memory_space<semaphore_mem>>)
      %dma_start3A_110 = arith.constant 0 : i32
      %dma_start3A_111 = arith.constant 0 : i32
      %dma_start3A_112 = arith.constant 0 : i32
      %dma_start3A_113 = tpu.memref_slice %arg13[%arg1, %dma_start3A_110, %dma_start3A_111, %dma_start3A_112] : memref<16x4x32x128xf32, #tpu.memory_space<vmem_shared>> -> memref<1x1x32x128xf32, #tpu.memory_space<vmem_shared>>
      %dma_start3A_114 = tpu.memref_squeeze %dma_start3A_113 : memref<1x1x32x128xf32, #tpu.memory_space<vmem_shared>> -> memref<32x128xf32, #tpu.memory_space<vmem_shared>>
      %dma_start3A_115 = arith.constant 0 : i32
      %dma_start3A_116 = tpu.memref_slice %arg4[%dma_start3A_115, %multiple_of3A_102] : memref<32x1000000xf32, #tpu.memory_space<hbm>> -> memref<32x128xf32, #tpu.memory_space<hbm>>
      tpu.enqueue_dma source(%dma_start3A_116 : memref<32x128xf32, #tpu.memory_space<hbm>>) target(%dma_start3A_114 : memref<32x128xf32, #tpu.memory_space<vmem_shared>>) target_semaphore(%arg21 : memref<!tpu.dma_semaphore, #tpu.memory_space<semaphore_mem>>)
      %slice3A_117 = vector.extract_strided_slice %mul3A_31 {offsets = [5], sizes = [1], strides = [1]} : vector<16xi32> to vector<1xi32>
      %squeeze3A_118 = vector.extract %slice3A_117[0] : i32 from vector<1xi32>
      %multiple_of3A_119 = tpu.assume_multiple %squeeze3A_118, 128 : i32
      %dma_start3A_120 = arith.constant 1 : i32
      %dma_start3A_121 = arith.constant 0 : i32
      %dma_start3A_122 = arith.constant 0 : i32
      %dma_start3A_123 = tpu.memref_slice %arg12[%arg1, %dma_start3A_120, %dma_start3A_121, %dma_start3A_122] : memref<16x4x32x128xf32, #tpu.memory_space<vmem_shared>> -> memref<1x1x32x128xf32, #tpu.memory_space<vmem_shared>>
      %dma_start3A_124 = tpu.memref_squeeze %dma_start3A_123 : memref<1x1x32x128xf32, #tpu.memory_space<vmem_shared>> -> memref<32x128xf32, #tpu.memory_space<vmem_shared>>
      %dma_start3A_125 = arith.constant 0 : i32
      %dma_start3A_126 = tpu.memref_slice %arg3[%dma_start3A_125, %multiple_of3A_119] : memref<32x1000000xf32, #tpu.memory_space<hbm>> -> memref<32x128xf32, #tpu.memory_space<hbm>>
      tpu.enqueue_dma source(%dma_start3A_126 : memref<32x128xf32, #tpu.memory_space<hbm>>) target(%dma_start3A_124 : memref<32x128xf32, #tpu.memory_space<vmem_shared>>) target_semaphore(%arg21 : memref<!tpu.dma_semaphore, #tpu.memory_space<semaphore_mem>>)
      %dma_start3A_127 = arith.constant 1 : i32
      %dma_start3A_128 = arith.constant 0 : i32
      %dma_start3A_129 = arith.constant 0 : i32
      %dma_start3A_130 = tpu.memref_slice %arg13[%arg1, %dma_start3A_127, %dma_start3A_128, %dma_start3A_129] : memref<16x4x32x128xf32, #tpu.memory_space<vmem_shared>> -> memref<1x1x32x128xf32, #tpu.memory_space<vmem_shared>>
      %dma_start3A_131 = tpu.memref_squeeze %dma_start3A_130 : memref<1x1x32x128xf32, #tpu.memory_space<vmem_shared>> -> memref<32x128xf32, #tpu.memory_space<vmem_shared>>
      %dma_start3A_132 = arith.constant 0 : i32
      %dma_start3A_133 = tpu.memref_slice %arg4[%dma_start3A_132, %multiple_of3A_119] : memref<32x1000000xf32, #tpu.memory_space<hbm>> -> memref<32x128xf32, #tpu.memory_space<hbm>>
      tpu.enqueue_dma source(%dma_start3A_133 : memref<32x128xf32, #tpu.memory_space<hbm>>) target(%dma_start3A_131 : memref<32x128xf32, #tpu.memory_space<vmem_shared>>) target_semaphore(%arg21 : memref<!tpu.dma_semaphore, #tpu.memory_space<semaphore_mem>>)
      %slice3A_134 = vector.extract_strided_slice %mul3A_31 {offsets = [6], sizes = [1], strides = [1]} : vector<16xi32> to vector<1xi32>
      %squeeze3A_135 = vector.extract %slice3A_134[0] : i32 from vector<1xi32>
      %multiple_of3A_136 = tpu.assume_multiple %squeeze3A_135, 128 : i32
      %dma_start3A_137 = arith.constant 2 : i32
      %dma_start3A_138 = arith.constant 0 : i32
      %dma_start3A_139 = arith.constant 0 : i32
      %dma_start3A_140 = tpu.memref_slice %arg12[%arg1, %dma_start3A_137, %dma_start3A_138, %dma_start3A_139] : memref<16x4x32x128xf32, #tpu.memory_space<vmem_shared>> -> memref<1x1x32x128xf32, #tpu.memory_space<vmem_shared>>
      %dma_start3A_141 = tpu.memref_squeeze %dma_start3A_140 : memref<1x1x32x128xf32, #tpu.memory_space<vmem_shared>> -> memref<32x128xf32, #tpu.memory_space<vmem_shared>>
      %dma_start3A_142 = arith.constant 0 : i32
      %dma_start3A_143 = tpu.memref_slice %arg3[%dma_start3A_142, %multiple_of3A_136] : memref<32x1000000xf32, #tpu.memory_space<hbm>> -> memref<32x128xf32, #tpu.memory_space<hbm>>
      tpu.enqueue_dma source(%dma_start3A_143 : memref<32x128xf32, #tpu.memory_space<hbm>>) target(%dma_start3A_141 : memref<32x128xf32, #tpu.memory_space<vmem_shared>>) target_semaphore(%arg21 : memref<!tpu.dma_semaphore, #tpu.memory_space<semaphore_mem>>)
      %dma_start3A_144 = arith.constant 2 : i32
      %dma_start3A_145 = arith.constant 0 : i32
      %dma_start3A_146 = arith.constant 0 : i32
      %dma_start3A_147 = tpu.memref_slice %arg13[%arg1, %dma_start3A_144, %dma_start3A_145, %dma_start3A_146] : memref<16x4x32x128xf32, #tpu.memory_space<vmem_shared>> -> memref<1x1x32x128xf32, #tpu.memory_space<vmem_shared>>
      %dma_start3A_148 = tpu.memref_squeeze %dma_start3A_147 : memref<1x1x32x128xf32, #tpu.memory_space<vmem_shared>> -> memref<32x128xf32, #tpu.memory_space<vmem_shared>>
      %dma_start3A_149 = arith.constant 0 : i32
      %dma_start3A_150 = tpu.memref_slice %arg4[%dma_start3A_149, %multiple_of3A_136] : memref<32x1000000xf32, #tpu.memory_space<hbm>> -> memref<32x128xf32, #tpu.memory_space<hbm>>
      tpu.enqueue_dma source(%dma_start3A_150 : memref<32x128xf32, #tpu.memory_space<hbm>>) target(%dma_start3A_148 : memref<32x128xf32, #tpu.memory_space<vmem_shared>>) target_semaphore(%arg21 : memref<!tpu.dma_semaphore, #tpu.memory_space<semaphore_mem>>)
      %slice3A_151 = vector.extract_strided_slice %mul3A_31 {offsets = [7], sizes = [1], strides = [1]} : vector<16xi32> to vector<1xi32>
      %squeeze3A_152 = vector.extract %slice3A_151[0] : i32 from vector<1xi32>
      %multiple_of3A_153 = tpu.assume_multiple %squeeze3A_152, 128 : i32
      %dma_start3A_154 = arith.constant 3 : i32
      %dma_start3A_155 = arith.constant 0 : i32
      %dma_start3A_156 = arith.constant 0 : i32
      %dma_start3A_157 = tpu.memref_slice %arg12[%arg1, %dma_start3A_154, %dma_start3A_155, %dma_start3A_156] : memref<16x4x32x128xf32, #tpu.memory_space<vmem_shared>> -> memref<1x1x32x128xf32, #tpu.memory_space<vmem_shared>>
      %dma_start3A_158 = tpu.memref_squeeze %dma_start3A_157 : memref<1x1x32x128xf32, #tpu.memory_space<vmem_shared>> -> memref<32x128xf32, #tpu.memory_space<vmem_shared>>
      %dma_start3A_159 = arith.constant 0 : i32
      %dma_start3A_160 = tpu.memref_slice %arg3[%dma_start3A_159, %multiple_of3A_153] : memref<32x1000000xf32, #tpu.memory_space<hbm>> -> memref<32x128xf32, #tpu.memory_space<hbm>>
      tpu.enqueue_dma source(%dma_start3A_160 : memref<32x128xf32, #tpu.memory_space<hbm>>) target(%dma_start3A_158 : memref<32x128xf32, #tpu.memory_space<vmem_shared>>) target_semaphore(%arg21 : memref<!tpu.dma_semaphore, #tpu.memory_space<semaphore_mem>>)
      %dma_start3A_161 = arith.constant 3 : i32
      %dma_start3A_162 = arith.constant 0 : i32
      %dma_start3A_163 = arith.constant 0 : i32
      %dma_start3A_164 = tpu.memref_slice %arg13[%arg1, %dma_start3A_161, %dma_start3A_162, %dma_start3A_163] : memref<16x4x32x128xf32, #tpu.memory_space<vmem_shared>> -> memref<1x1x32x128xf32, #tpu.memory_space<vmem_shared>>
      %dma_start3A_165 = tpu.memref_squeeze %dma_start3A_164 : memref<1x1x32x128xf32, #tpu.memory_space<vmem_shared>> -> memref<32x128xf32, #tpu.memory_space<vmem_shared>>
      %dma_start3A_166 = arith.constant 0 : i32
      %dma_start3A_167 = tpu.memref_slice %arg4[%dma_start3A_166, %multiple_of3A_153] : memref<32x1000000xf32, #tpu.memory_space<hbm>> -> memref<32x128xf32, #tpu.memory_space<hbm>>
      tpu.enqueue_dma source(%dma_start3A_167 : memref<32x128xf32, #tpu.memory_space<hbm>>) target(%dma_start3A_165 : memref<32x128xf32, #tpu.memory_space<vmem_shared>>) target_semaphore(%arg21 : memref<!tpu.dma_semaphore, #tpu.memory_space<semaphore_mem>>)
      %dma_wait3A = arith.constant 0 : i32
      %dma_wait3A_168 = arith.constant 0 : i32
      %dma_wait3A_169 = arith.constant 0 : i32
      %dma_wait3A_170 = tpu.memref_slice %arg10[%arg1, %dma_wait3A, %dma_wait3A_168, %dma_wait3A_169] : memref<16x4x32x128xf32, #tpu.memory_space<vmem_shared>> -> memref<1x1x32x128xf32, #tpu.memory_space<vmem_shared>>
      %dma_wait3A_171 = tpu.memref_squeeze %dma_wait3A_170 : memref<1x1x32x128xf32, #tpu.memory_space<vmem_shared>> -> memref<32x128xf32, #tpu.memory_space<vmem_shared>>
      %dma_wait3A_172 = arith.constant 0 : i32
      %dma_wait3A_173 = tpu.memref_slice %arg3[%dma_wait3A_172, %multiple_of3A] : memref<32x1000000xf32, #tpu.memory_space<hbm>> -> memref<32x128xf32, #tpu.memory_space<hbm>>
      tpu.wait_dma2 semaphore(%arg20 : memref<!tpu.dma_semaphore, #tpu.memory_space<semaphore_mem>>) src(%dma_wait3A_173 : memref<32x128xf32, #tpu.memory_space<hbm>>) dst(%dma_wait3A_171 : memref<32x128xf32, #tpu.memory_space<vmem_shared>>)
      %dma_wait3A_174 = arith.constant 0 : i32
      %dma_wait3A_175 = arith.constant 0 : i32
      %dma_wait3A_176 = arith.constant 0 : i32
      %dma_wait3A_177 = tpu.memref_slice %arg11[%arg1, %dma_wait3A_174, %dma_wait3A_175, %dma_wait3A_176] : memref<16x4x32x128xf32, #tpu.memory_space<vmem_shared>> -> memref<1x1x32x128xf32, #tpu.memory_space<vmem_shared>>
      %dma_wait3A_178 = tpu.memref_squeeze %dma_wait3A_177 : memref<1x1x32x128xf32, #tpu.memory_space<vmem_shared>> -> memref<32x128xf32, #tpu.memory_space<vmem_shared>>
      %dma_wait3A_179 = arith.constant 0 : i32
      %dma_wait3A_180 = tpu.memref_slice %arg4[%dma_wait3A_179, %multiple_of3A] : memref<32x1000000xf32, #tpu.memory_space<hbm>> -> memref<32x128xf32, #tpu.memory_space<hbm>>
      tpu.wait_dma2 semaphore(%arg20 : memref<!tpu.dma_semaphore, #tpu.memory_space<semaphore_mem>>) src(%dma_wait3A_180 : memref<32x128xf32, #tpu.memory_space<hbm>>) dst(%dma_wait3A_178 : memref<32x128xf32, #tpu.memory_space<vmem_shared>>)
      %dma_wait3A_181 = arith.constant 1 : i32
      %dma_wait3A_182 = arith.constant 0 : i32
      %dma_wait3A_183 = arith.constant 0 : i32
      %dma_wait3A_184 = tpu.memref_slice %arg10[%arg1, %dma_wait3A_181, %dma_wait3A_182, %dma_wait3A_183] : memref<16x4x32x128xf32, #tpu.memory_space<vmem_shared>> -> memref<1x1x32x128xf32, #tpu.memory_space<vmem_shared>>
      %dma_wait3A_185 = tpu.memref_squeeze %dma_wait3A_184 : memref<1x1x32x128xf32, #tpu.memory_space<vmem_shared>> -> memref<32x128xf32, #tpu.memory_space<vmem_shared>>
      %dma_wait3A_186 = arith.constant 0 : i32
      %dma_wait3A_187 = tpu.memref_slice %arg3[%dma_wait3A_186, %multiple_of3A_51] : memref<32x1000000xf32, #tpu.memory_space<hbm>> -> memref<32x128xf32, #tpu.memory_space<hbm>>
      tpu.wait_dma2 semaphore(%arg20 : memref<!tpu.dma_semaphore, #tpu.memory_space<semaphore_mem>>) src(%dma_wait3A_187 : memref<32x128xf32, #tpu.memory_space<hbm>>) dst(%dma_wait3A_185 : memref<32x128xf32, #tpu.memory_space<vmem_shared>>)
      %dma_wait3A_188 = arith.constant 1 : i32
      %dma_wait3A_189 = arith.constant 0 : i32
      %dma_wait3A_190 = arith.constant 0 : i32
      %dma_wait3A_191 = tpu.memref_slice %arg11[%arg1, %dma_wait3A_188, %dma_wait3A_189, %dma_wait3A_190] : memref<16x4x32x128xf32, #tpu.memory_space<vmem_shared>> -> memref<1x1x32x128xf32, #tpu.memory_space<vmem_shared>>
      %dma_wait3A_192 = tpu.memref_squeeze %dma_wait3A_191 : memref<1x1x32x128xf32, #tpu.memory_space<vmem_shared>> -> memref<32x128xf32, #tpu.memory_space<vmem_shared>>
      %dma_wait3A_193 = arith.constant 0 : i32
      %dma_wait3A_194 = tpu.memref_slice %arg4[%dma_wait3A_193, %multiple_of3A_51] : memref<32x1000000xf32, #tpu.memory_space<hbm>> -> memref<32x128xf32, #tpu.memory_space<hbm>>
      tpu.wait_dma2 semaphore(%arg20 : memref<!tpu.dma_semaphore, #tpu.memory_space<semaphore_mem>>) src(%dma_wait3A_194 : memref<32x128xf32, #tpu.memory_space<hbm>>) dst(%dma_wait3A_192 : memref<32x128xf32, #tpu.memory_space<vmem_shared>>)
      %dma_wait3A_195 = arith.constant 2 : i32
      %dma_wait3A_196 = arith.constant 0 : i32
      %dma_wait3A_197 = arith.constant 0 : i32
      %dma_wait3A_198 = tpu.memref_slice %arg10[%arg1, %dma_wait3A_195, %dma_wait3A_196, %dma_wait3A_197] : memref<16x4x32x128xf32, #tpu.memory_space<vmem_shared>> -> memref<1x1x32x128xf32, #tpu.memory_space<vmem_shared>>
      %dma_wait3A_199 = tpu.memref_squeeze %dma_wait3A_198 : memref<1x1x32x128xf32, #tpu.memory_space<vmem_shared>> -> memref<32x128xf32, #tpu.memory_space<vmem_shared>>
      %dma_wait3A_200 = arith.constant 0 : i32
      %dma_wait3A_201 = tpu.memref_slice %arg3[%dma_wait3A_200, %multiple_of3A_68] : memref<32x1000000xf32, #tpu.memory_space<hbm>> -> memref<32x128xf32, #tpu.memory_space<hbm>>
      tpu.wait_dma2 semaphore(%arg20 : memref<!tpu.dma_semaphore, #tpu.memory_space<semaphore_mem>>) src(%dma_wait3A_201 : memref<32x128xf32, #tpu.memory_space<hbm>>) dst(%dma_wait3A_199 : memref<32x128xf32, #tpu.memory_space<vmem_shared>>)
      %dma_wait3A_202 = arith.constant 2 : i32
      %dma_wait3A_203 = arith.constant 0 : i32
      %dma_wait3A_204 = arith.constant 0 : i32
      %dma_wait3A_205 = tpu.memref_slice %arg11[%arg1, %dma_wait3A_202, %dma_wait3A_203, %dma_wait3A_204] : memref<16x4x32x128xf32, #tpu.memory_space<vmem_shared>> -> memref<1x1x32x128xf32, #tpu.memory_space<vmem_shared>>
      %dma_wait3A_206 = tpu.memref_squeeze %dma_wait3A_205 : memref<1x1x32x128xf32, #tpu.memory_space<vmem_shared>> -> memref<32x128xf32, #tpu.memory_space<vmem_shared>>
      %dma_wait3A_207 = arith.constant 0 : i32
      %dma_wait3A_208 = tpu.memref_slice %arg4[%dma_wait3A_207, %multiple_of3A_68] : memref<32x1000000xf32, #tpu.memory_space<hbm>> -> memref<32x128xf32, #tpu.memory_space<hbm>>
      tpu.wait_dma2 semaphore(%arg20 : memref<!tpu.dma_semaphore, #tpu.memory_space<semaphore_mem>>) src(%dma_wait3A_208 : memref<32x128xf32, #tpu.memory_space<hbm>>) dst(%dma_wait3A_206 : memref<32x128xf32, #tpu.memory_space<vmem_shared>>)
      %dma_wait3A_209 = arith.constant 3 : i32
      %dma_wait3A_210 = arith.constant 0 : i32
      %dma_wait3A_211 = arith.constant 0 : i32
      %dma_wait3A_212 = tpu.memref_slice %arg10[%arg1, %dma_wait3A_209, %dma_wait3A_210, %dma_wait3A_211] : memref<16x4x32x128xf32, #tpu.memory_space<vmem_shared>> -> memref<1x1x32x128xf32, #tpu.memory_space<vmem_shared>>
      %dma_wait3A_213 = tpu.memref_squeeze %dma_wait3A_212 : memref<1x1x32x128xf32, #tpu.memory_space<vmem_shared>> -> memref<32x128xf32, #tpu.memory_space<vmem_shared>>
      %dma_wait3A_214 = arith.constant 0 : i32
      %dma_wait3A_215 = tpu.memref_slice %arg3[%dma_wait3A_214, %multiple_of3A_85] : memref<32x1000000xf32, #tpu.memory_space<hbm>> -> memref<32x128xf32, #tpu.memory_space<hbm>>
      tpu.wait_dma2 semaphore(%arg20 : memref<!tpu.dma_semaphore, #tpu.memory_space<semaphore_mem>>) src(%dma_wait3A_215 : memref<32x128xf32, #tpu.memory_space<hbm>>) dst(%dma_wait3A_213 : memref<32x128xf32, #tpu.memory_space<vmem_shared>>)
      %dma_wait3A_216 = arith.constant 3 : i32
      %dma_wait3A_217 = arith.constant 0 : i32
      %dma_wait3A_218 = arith.constant 0 : i32
      %dma_wait3A_219 = tpu.memref_slice %arg11[%arg1, %dma_wait3A_216, %dma_wait3A_217, %dma_wait3A_218] : memref<16x4x32x128xf32, #tpu.memory_space<vmem_shared>> -> memref<1x1x32x128xf32, #tpu.memory_space<vmem_shared>>
      %dma_wait3A_220 = tpu.memref_squeeze %dma_wait3A_219 : memref<1x1x32x128xf32, #tpu.memory_space<vmem_shared>> -> memref<32x128xf32, #tpu.memory_space<vmem_shared>>
      %dma_wait3A_221 = arith.constant 0 : i32
      %dma_wait3A_222 = tpu.memref_slice %arg4[%dma_wait3A_221, %multiple_of3A_85] : memref<32x1000000xf32, #tpu.memory_space<hbm>> -> memref<32x128xf32, #tpu.memory_space<hbm>>
      tpu.wait_dma2 semaphore(%arg20 : memref<!tpu.dma_semaphore, #tpu.memory_space<semaphore_mem>>) src(%dma_wait3A_222 : memref<32x128xf32, #tpu.memory_space<hbm>>) dst(%dma_wait3A_220 : memref<32x128xf32, #tpu.memory_space<vmem_shared>>)
      %slice3A_223 = vector.extract_strided_slice %mul3A_31 {offsets = [8], sizes = [1], strides = [1]} : vector<16xi32> to vector<1xi32>
      %squeeze3A_224 = vector.extract %slice3A_223[0] : i32 from vector<1xi32>
      %multiple_of3A_225 = tpu.assume_multiple %squeeze3A_224, 128 : i32
      %dma_start3A_226 = arith.constant 0 : i32
      %dma_start3A_227 = arith.constant 0 : i32
      %dma_start3A_228 = arith.constant 0 : i32
      %dma_start3A_229 = tpu.memref_slice %arg10[%arg1, %dma_start3A_226, %dma_start3A_227, %dma_start3A_228] : memref<16x4x32x128xf32, #tpu.memory_space<vmem_shared>> -> memref<1x1x32x128xf32, #tpu.memory_space<vmem_shared>>
      %dma_start3A_230 = tpu.memref_squeeze %dma_start3A_229 : memref<1x1x32x128xf32, #tpu.memory_space<vmem_shared>> -> memref<32x128xf32, #tpu.memory_space<vmem_shared>>
      %dma_start3A_231 = arith.constant 0 : i32
      %dma_start3A_232 = tpu.memref_slice %arg3[%dma_start3A_231, %multiple_of3A_225] : memref<32x1000000xf32, #tpu.memory_space<hbm>> -> memref<32x128xf32, #tpu.memory_space<hbm>>
      tpu.enqueue_dma source(%dma_start3A_232 : memref<32x128xf32, #tpu.memory_space<hbm>>) target(%dma_start3A_230 : memref<32x128xf32, #tpu.memory_space<vmem_shared>>) target_semaphore(%arg20 : memref<!tpu.dma_semaphore, #tpu.memory_space<semaphore_mem>>)
      %dma_start3A_233 = arith.constant 0 : i32
      %dma_start3A_234 = arith.constant 0 : i32
      %dma_start3A_235 = arith.constant 0 : i32
      %dma_start3A_236 = tpu.memref_slice %arg11[%arg1, %dma_start3A_233, %dma_start3A_234, %dma_start3A_235] : memref<16x4x32x128xf32, #tpu.memory_space<vmem_shared>> -> memref<1x1x32x128xf32, #tpu.memory_space<vmem_shared>>
      %dma_start3A_237 = tpu.memref_squeeze %dma_start3A_236 : memref<1x1x32x128xf32, #tpu.memory_space<vmem_shared>> -> memref<32x128xf32, #tpu.memory_space<vmem_shared>>
      %dma_start3A_238 = arith.constant 0 : i32
      %dma_start3A_239 = tpu.memref_slice %arg4[%dma_start3A_238, %multiple_of3A_225] : memref<32x1000000xf32, #tpu.memory_space<hbm>> -> memref<32x128xf32, #tpu.memory_space<hbm>>
      tpu.enqueue_dma source(%dma_start3A_239 : memref<32x128xf32, #tpu.memory_space<hbm>>) target(%dma_start3A_237 : memref<32x128xf32, #tpu.memory_space<vmem_shared>>) target_semaphore(%arg20 : memref<!tpu.dma_semaphore, #tpu.memory_space<semaphore_mem>>)
      %slice3A_240 = vector.extract_strided_slice %mul3A_31 {offsets = [9], sizes = [1], strides = [1]} : vector<16xi32> to vector<1xi32>
      %squeeze3A_241 = vector.extract %slice3A_240[0] : i32 from vector<1xi32>
      %multiple_of3A_242 = tpu.assume_multiple %squeeze3A_241, 128 : i32
      %dma_start3A_243 = arith.constant 1 : i32
      %dma_start3A_244 = arith.constant 0 : i32
      %dma_start3A_245 = arith.constant 0 : i32
      %dma_start3A_246 = tpu.memref_slice %arg10[%arg1, %dma_start3A_243, %dma_start3A_244, %dma_start3A_245] : memref<16x4x32x128xf32, #tpu.memory_space<vmem_shared>> -> memref<1x1x32x128xf32, #tpu.memory_space<vmem_shared>>
      %dma_start3A_247 = tpu.memref_squeeze %dma_start3A_246 : memref<1x1x32x128xf32, #tpu.memory_space<vmem_shared>> -> memref<32x128xf32, #tpu.memory_space<vmem_shared>>
      %dma_start3A_248 = arith.constant 0 : i32
      %dma_start3A_249 = tpu.memref_slice %arg3[%dma_start3A_248, %multiple_of3A_242] : memref<32x1000000xf32, #tpu.memory_space<hbm>> -> memref<32x128xf32, #tpu.memory_space<hbm>>
      tpu.enqueue_dma source(%dma_start3A_249 : memref<32x128xf32, #tpu.memory_space<hbm>>) target(%dma_start3A_247 : memref<32x128xf32, #tpu.memory_space<vmem_shared>>) target_semaphore(%arg20 : memref<!tpu.dma_semaphore, #tpu.memory_space<semaphore_mem>>)
      %dma_start3A_250 = arith.constant 1 : i32
      %dma_start3A_251 = arith.constant 0 : i32
      %dma_start3A_252 = arith.constant 0 : i32
      %dma_start3A_253 = tpu.memref_slice %arg11[%arg1, %dma_start3A_250, %dma_start3A_251, %dma_start3A_252] : memref<16x4x32x128xf32, #tpu.memory_space<vmem_shared>> -> memref<1x1x32x128xf32, #tpu.memory_space<vmem_shared>>
      %dma_start3A_254 = tpu.memref_squeeze %dma_start3A_253 : memref<1x1x32x128xf32, #tpu.memory_space<vmem_shared>> -> memref<32x128xf32, #tpu.memory_space<vmem_shared>>
      %dma_start3A_255 = arith.constant 0 : i32
      %dma_start3A_256 = tpu.memref_slice %arg4[%dma_start3A_255, %multiple_of3A_242] : memref<32x1000000xf32, #tpu.memory_space<hbm>> -> memref<32x128xf32, #tpu.memory_space<hbm>>
      tpu.enqueue_dma source(%dma_start3A_256 : memref<32x128xf32, #tpu.memory_space<hbm>>) target(%dma_start3A_254 : memref<32x128xf32, #tpu.memory_space<vmem_shared>>) target_semaphore(%arg20 : memref<!tpu.dma_semaphore, #tpu.memory_space<semaphore_mem>>)
      %slice3A_257 = vector.extract_strided_slice %mul3A_31 {offsets = [10], sizes = [1], strides = [1]} : vector<16xi32> to vector<1xi32>
      %squeeze3A_258 = vector.extract %slice3A_257[0] : i32 from vector<1xi32>
      %multiple_of3A_259 = tpu.assume_multiple %squeeze3A_258, 128 : i32
      %dma_start3A_260 = arith.constant 2 : i32
      %dma_start3A_261 = arith.constant 0 : i32
      %dma_start3A_262 = arith.constant 0 : i32
      %dma_start3A_263 = tpu.memref_slice %arg10[%arg1, %dma_start3A_260, %dma_start3A_261, %dma_start3A_262] : memref<16x4x32x128xf32, #tpu.memory_space<vmem_shared>> -> memref<1x1x32x128xf32, #tpu.memory_space<vmem_shared>>
      %dma_start3A_264 = tpu.memref_squeeze %dma_start3A_263 : memref<1x1x32x128xf32, #tpu.memory_space<vmem_shared>> -> memref<32x128xf32, #tpu.memory_space<vmem_shared>>
      %dma_start3A_265 = arith.constant 0 : i32
      %dma_start3A_266 = tpu.memref_slice %arg3[%dma_start3A_265, %multiple_of3A_259] : memref<32x1000000xf32, #tpu.memory_space<hbm>> -> memref<32x128xf32, #tpu.memory_space<hbm>>
      tpu.enqueue_dma source(%dma_start3A_266 : memref<32x128xf32, #tpu.memory_space<hbm>>) target(%dma_start3A_264 : memref<32x128xf32, #tpu.memory_space<vmem_shared>>) target_semaphore(%arg20 : memref<!tpu.dma_semaphore, #tpu.memory_space<semaphore_mem>>)
      %dma_start3A_267 = arith.constant 2 : i32
      %dma_start3A_268 = arith.constant 0 : i32
      %dma_start3A_269 = arith.constant 0 : i32
      %dma_start3A_270 = tpu.memref_slice %arg11[%arg1, %dma_start3A_267, %dma_start3A_268, %dma_start3A_269] : memref<16x4x32x128xf32, #tpu.memory_space<vmem_shared>> -> memref<1x1x32x128xf32, #tpu.memory_space<vmem_shared>>
      %dma_start3A_271 = tpu.memref_squeeze %dma_start3A_270 : memref<1x1x32x128xf32, #tpu.memory_space<vmem_shared>> -> memref<32x128xf32, #tpu.memory_space<vmem_shared>>
      %dma_start3A_272 = arith.constant 0 : i32
      %dma_start3A_273 = tpu.memref_slice %arg4[%dma_start3A_272, %multiple_of3A_259] : memref<32x1000000xf32, #tpu.memory_space<hbm>> -> memref<32x128xf32, #tpu.memory_space<hbm>>
      tpu.enqueue_dma source(%dma_start3A_273 : memref<32x128xf32, #tpu.memory_space<hbm>>) target(%dma_start3A_271 : memref<32x128xf32, #tpu.memory_space<vmem_shared>>) target_semaphore(%arg20 : memref<!tpu.dma_semaphore, #tpu.memory_space<semaphore_mem>>)
      %slice3A_274 = vector.extract_strided_slice %mul3A_31 {offsets = [11], sizes = [1], strides = [1]} : vector<16xi32> to vector<1xi32>
      %squeeze3A_275 = vector.extract %slice3A_274[0] : i32 from vector<1xi32>
      %multiple_of3A_276 = tpu.assume_multiple %squeeze3A_275, 128 : i32
      %dma_start3A_277 = arith.constant 3 : i32
      %dma_start3A_278 = arith.constant 0 : i32
      %dma_start3A_279 = arith.constant 0 : i32
      %dma_start3A_280 = tpu.memref_slice %arg10[%arg1, %dma_start3A_277, %dma_start3A_278, %dma_start3A_279] : memref<16x4x32x128xf32, #tpu.memory_space<vmem_shared>> -> memref<1x1x32x128xf32, #tpu.memory_space<vmem_shared>>
      %dma_start3A_281 = tpu.memref_squeeze %dma_start3A_280 : memref<1x1x32x128xf32, #tpu.memory_space<vmem_shared>> -> memref<32x128xf32, #tpu.memory_space<vmem_shared>>
      %dma_start3A_282 = arith.constant 0 : i32
      %dma_start3A_283 = tpu.memref_slice %arg3[%dma_start3A_282, %multiple_of3A_276] : memref<32x1000000xf32, #tpu.memory_space<hbm>> -> memref<32x128xf32, #tpu.memory_space<hbm>>
      tpu.enqueue_dma source(%dma_start3A_283 : memref<32x128xf32, #tpu.memory_space<hbm>>) target(%dma_start3A_281 : memref<32x128xf32, #tpu.memory_space<vmem_shared>>) target_semaphore(%arg20 : memref<!tpu.dma_semaphore, #tpu.memory_space<semaphore_mem>>)
      %dma_start3A_284 = arith.constant 3 : i32
      %dma_start3A_285 = arith.constant 0 : i32
      %dma_start3A_286 = arith.constant 0 : i32
      %dma_start3A_287 = tpu.memref_slice %arg11[%arg1, %dma_start3A_284, %dma_start3A_285, %dma_start3A_286] : memref<16x4x32x128xf32, #tpu.memory_space<vmem_shared>> -> memref<1x1x32x128xf32, #tpu.memory_space<vmem_shared>>
      %dma_start3A_288 = tpu.memref_squeeze %dma_start3A_287 : memref<1x1x32x128xf32, #tpu.memory_space<vmem_shared>> -> memref<32x128xf32, #tpu.memory_space<vmem_shared>>
      %dma_start3A_289 = arith.constant 0 : i32
      %dma_start3A_290 = tpu.memref_slice %arg4[%dma_start3A_289, %multiple_of3A_276] : memref<32x1000000xf32, #tpu.memory_space<hbm>> -> memref<32x128xf32, #tpu.memory_space<hbm>>
      tpu.enqueue_dma source(%dma_start3A_290 : memref<32x128xf32, #tpu.memory_space<hbm>>) target(%dma_start3A_288 : memref<32x128xf32, #tpu.memory_space<vmem_shared>>) target_semaphore(%arg20 : memref<!tpu.dma_semaphore, #tpu.memory_space<semaphore_mem>>)
      %dma_wait3A_291 = arith.constant 0 : i32
      %dma_wait3A_292 = arith.constant 0 : i32
      %dma_wait3A_293 = arith.constant 0 : i32
      %dma_wait3A_294 = tpu.memref_slice %arg12[%arg1, %dma_wait3A_291, %dma_wait3A_292, %dma_wait3A_293] : memref<16x4x32x128xf32, #tpu.memory_space<vmem_shared>> -> memref<1x1x32x128xf32, #tpu.memory_space<vmem_shared>>
      %dma_wait3A_295 = tpu.memref_squeeze %dma_wait3A_294 : memref<1x1x32x128xf32, #tpu.memory_space<vmem_shared>> -> memref<32x128xf32, #tpu.memory_space<vmem_shared>>
      %dma_wait3A_296 = arith.constant 0 : i32
      %dma_wait3A_297 = tpu.memref_slice %arg3[%dma_wait3A_296, %multiple_of3A_102] : memref<32x1000000xf32, #tpu.memory_space<hbm>> -> memref<32x128xf32, #tpu.memory_space<hbm>>
      tpu.wait_dma2 semaphore(%arg21 : memref<!tpu.dma_semaphore, #tpu.memory_space<semaphore_mem>>) src(%dma_wait3A_297 : memref<32x128xf32, #tpu.memory_space<hbm>>) dst(%dma_wait3A_295 : memref<32x128xf32, #tpu.memory_space<vmem_shared>>)
      %dma_wait3A_298 = arith.constant 0 : i32
      %dma_wait3A_299 = arith.constant 0 : i32
      %dma_wait3A_300 = arith.constant 0 : i32
      %dma_wait3A_301 = tpu.memref_slice %arg13[%arg1, %dma_wait3A_298, %dma_wait3A_299, %dma_wait3A_300] : memref<16x4x32x128xf32, #tpu.memory_space<vmem_shared>> -> memref<1x1x32x128xf32, #tpu.memory_space<vmem_shared>>
      %dma_wait3A_302 = tpu.memref_squeeze %dma_wait3A_301 : memref<1x1x32x128xf32, #tpu.memory_space<vmem_shared>> -> memref<32x128xf32, #tpu.memory_space<vmem_shared>>
      %dma_wait3A_303 = arith.constant 0 : i32
      %dma_wait3A_304 = tpu.memref_slice %arg4[%dma_wait3A_303, %multiple_of3A_102] : memref<32x1000000xf32, #tpu.memory_space<hbm>> -> memref<32x128xf32, #tpu.memory_space<hbm>>
      tpu.wait_dma2 semaphore(%arg21 : memref<!tpu.dma_semaphore, #tpu.memory_space<semaphore_mem>>) src(%dma_wait3A_304 : memref<32x128xf32, #tpu.memory_space<hbm>>) dst(%dma_wait3A_302 : memref<32x128xf32, #tpu.memory_space<vmem_shared>>)
      %dma_wait3A_305 = arith.constant 1 : i32
      %dma_wait3A_306 = arith.constant 0 : i32
      %dma_wait3A_307 = arith.constant 0 : i32
      %dma_wait3A_308 = tpu.memref_slice %arg12[%arg1, %dma_wait3A_305, %dma_wait3A_306, %dma_wait3A_307] : memref<16x4x32x128xf32, #tpu.memory_space<vmem_shared>> -> memref<1x1x32x128xf32, #tpu.memory_space<vmem_shared>>
      %dma_wait3A_309 = tpu.memref_squeeze %dma_wait3A_308 : memref<1x1x32x128xf32, #tpu.memory_space<vmem_shared>> -> memref<32x128xf32, #tpu.memory_space<vmem_shared>>
      %dma_wait3A_310 = arith.constant 0 : i32
      %dma_wait3A_311 = tpu.memref_slice %arg3[%dma_wait3A_310, %multiple_of3A_119] : memref<32x1000000xf32, #tpu.memory_space<hbm>> -> memref<32x128xf32, #tpu.memory_space<hbm>>
      tpu.wait_dma2 semaphore(%arg21 : memref<!tpu.dma_semaphore, #tpu.memory_space<semaphore_mem>>) src(%dma_wait3A_311 : memref<32x128xf32, #tpu.memory_space<hbm>>) dst(%dma_wait3A_309 : memref<32x128xf32, #tpu.memory_space<vmem_shared>>)
      %dma_wait3A_312 = arith.constant 1 : i32
      %dma_wait3A_313 = arith.constant 0 : i32
      %dma_wait3A_314 = arith.constant 0 : i32
      %dma_wait3A_315 = tpu.memref_slice %arg13[%arg1, %dma_wait3A_312, %dma_wait3A_313, %dma_wait3A_314] : memref<16x4x32x128xf32, #tpu.memory_space<vmem_shared>> -> memref<1x1x32x128xf32, #tpu.memory_space<vmem_shared>>
      %dma_wait3A_316 = tpu.memref_squeeze %dma_wait3A_315 : memref<1x1x32x128xf32, #tpu.memory_space<vmem_shared>> -> memref<32x128xf32, #tpu.memory_space<vmem_shared>>
      %dma_wait3A_317 = arith.constant 0 : i32
      %dma_wait3A_318 = tpu.memref_slice %arg4[%dma_wait3A_317, %multiple_of3A_119] : memref<32x1000000xf32, #tpu.memory_space<hbm>> -> memref<32x128xf32, #tpu.memory_space<hbm>>
      tpu.wait_dma2 semaphore(%arg21 : memref<!tpu.dma_semaphore, #tpu.memory_space<semaphore_mem>>) src(%dma_wait3A_318 : memref<32x128xf32, #tpu.memory_space<hbm>>) dst(%dma_wait3A_316 : memref<32x128xf32, #tpu.memory_space<vmem_shared>>)
      %dma_wait3A_319 = arith.constant 2 : i32
      %dma_wait3A_320 = arith.constant 0 : i32
      %dma_wait3A_321 = arith.constant 0 : i32
      %dma_wait3A_322 = tpu.memref_slice %arg12[%arg1, %dma_wait3A_319, %dma_wait3A_320, %dma_wait3A_321] : memref<16x4x32x128xf32, #tpu.memory_space<vmem_shared>> -> memref<1x1x32x128xf32, #tpu.memory_space<vmem_shared>>
      %dma_wait3A_323 = tpu.memref_squeeze %dma_wait3A_322 : memref<1x1x32x128xf32, #tpu.memory_space<vmem_shared>> -> memref<32x128xf32, #tpu.memory_space<vmem_shared>>
      %dma_wait3A_324 = arith.constant 0 : i32
      %dma_wait3A_325 = tpu.memref_slice %arg3[%dma_wait3A_324, %multiple_of3A_136] : memref<32x1000000xf32, #tpu.memory_space<hbm>> -> memref<32x128xf32, #tpu.memory_space<hbm>>
      tpu.wait_dma2 semaphore(%arg21 : memref<!tpu.dma_semaphore, #tpu.memory_space<semaphore_mem>>) src(%dma_wait3A_325 : memref<32x128xf32, #tpu.memory_space<hbm>>) dst(%dma_wait3A_323 : memref<32x128xf32, #tpu.memory_space<vmem_shared>>)
      %dma_wait3A_326 = arith.constant 2 : i32
      %dma_wait3A_327 = arith.constant 0 : i32
      %dma_wait3A_328 = arith.constant 0 : i32
      %dma_wait3A_329 = tpu.memref_slice %arg13[%arg1, %dma_wait3A_326, %dma_wait3A_327, %dma_wait3A_328] : memref<16x4x32x128xf32, #tpu.memory_space<vmem_shared>> -> memref<1x1x32x128xf32, #tpu.memory_space<vmem_shared>>
      %dma_wait3A_330 = tpu.memref_squeeze %dma_wait3A_329 : memref<1x1x32x128xf32, #tpu.memory_space<vmem_shared>> -> memref<32x128xf32, #tpu.memory_space<vmem_shared>>
      %dma_wait3A_331 = arith.constant 0 : i32
      %dma_wait3A_332 = tpu.memref_slice %arg4[%dma_wait3A_331, %multiple_of3A_136] : memref<32x1000000xf32, #tpu.memory_space<hbm>> -> memref<32x128xf32, #tpu.memory_space<hbm>>
      tpu.wait_dma2 semaphore(%arg21 : memref<!tpu.dma_semaphore, #tpu.memory_space<semaphore_mem>>) src(%dma_wait3A_332 : memref<32x128xf32, #tpu.memory_space<hbm>>) dst(%dma_wait3A_330 : memref<32x128xf32, #tpu.memory_space<vmem_shared>>)
      %dma_wait3A_333 = arith.constant 3 : i32
      %dma_wait3A_334 = arith.constant 0 : i32
      %dma_wait3A_335 = arith.constant 0 : i32
      %dma_wait3A_336 = tpu.memref_slice %arg12[%arg1, %dma_wait3A_333, %dma_wait3A_334, %dma_wait3A_335] : memref<16x4x32x128xf32, #tpu.memory_space<vmem_shared>> -> memref<1x1x32x128xf32, #tpu.memory_space<vmem_shared>>
      %dma_wait3A_337 = tpu.memref_squeeze %dma_wait3A_336 : memref<1x1x32x128xf32, #tpu.memory_space<vmem_shared>> -> memref<32x128xf32, #tpu.memory_space<vmem_shared>>
      %dma_wait3A_338 = arith.constant 0 : i32
      %dma_wait3A_339 = tpu.memref_slice %arg3[%dma_wait3A_338, %multiple_of3A_153] : memref<32x1000000xf32, #tpu.memory_space<hbm>> -> memref<32x128xf32, #tpu.memory_space<hbm>>
      tpu.wait_dma2 semaphore(%arg21 : memref<!tpu.dma_semaphore, #tpu.memory_space<semaphore_mem>>) src(%dma_wait3A_339 : memref<32x128xf32, #tpu.memory_space<hbm>>) dst(%dma_wait3A_337 : memref<32x128xf32, #tpu.memory_space<vmem_shared>>)
      %dma_wait3A_340 = arith.constant 3 : i32
      %dma_wait3A_341 = arith.constant 0 : i32
      %dma_wait3A_342 = arith.constant 0 : i32
      %dma_wait3A_343 = tpu.memref_slice %arg13[%arg1, %dma_wait3A_340, %dma_wait3A_341, %dma_wait3A_342] : memref<16x4x32x128xf32, #tpu.memory_space<vmem_shared>> -> memref<1x1x32x128xf32, #tpu.memory_space<vmem_shared>>
      %dma_wait3A_344 = tpu.memref_squeeze %dma_wait3A_343 : memref<1x1x32x128xf32, #tpu.memory_space<vmem_shared>> -> memref<32x128xf32, #tpu.memory_space<vmem_shared>>
      %dma_wait3A_345 = arith.constant 0 : i32
      %dma_wait3A_346 = tpu.memref_slice %arg4[%dma_wait3A_345, %multiple_of3A_153] : memref<32x1000000xf32, #tpu.memory_space<hbm>> -> memref<32x128xf32, #tpu.memory_space<hbm>>
      tpu.wait_dma2 semaphore(%arg21 : memref<!tpu.dma_semaphore, #tpu.memory_space<semaphore_mem>>) src(%dma_wait3A_346 : memref<32x128xf32, #tpu.memory_space<hbm>>) dst(%dma_wait3A_344 : memref<32x128xf32, #tpu.memory_space<vmem_shared>>)
      %slice3A_347 = vector.extract_strided_slice %mul3A_31 {offsets = [12], sizes = [1], strides = [1]} : vector<16xi32> to vector<1xi32>
      %squeeze3A_348 = vector.extract %slice3A_347[0] : i32 from vector<1xi32>
      %multiple_of3A_349 = tpu.assume_multiple %squeeze3A_348, 128 : i32
      %dma_start3A_350 = arith.constant 0 : i32
      %dma_start3A_351 = arith.constant 0 : i32
      %dma_start3A_352 = arith.constant 0 : i32
      %dma_start3A_353 = tpu.memref_slice %arg12[%arg1, %dma_start3A_350, %dma_start3A_351, %dma_start3A_352] : memref<16x4x32x128xf32, #tpu.memory_space<vmem_shared>> -> memref<1x1x32x128xf32, #tpu.memory_space<vmem_shared>>
      %dma_start3A_354 = tpu.memref_squeeze %dma_start3A_353 : memref<1x1x32x128xf32, #tpu.memory_space<vmem_shared>> -> memref<32x128xf32, #tpu.memory_space<vmem_shared>>
      %dma_start3A_355 = arith.constant 0 : i32
      %dma_start3A_356 = tpu.memref_slice %arg3[%dma_start3A_355, %multiple_of3A_349] : memref<32x1000000xf32, #tpu.memory_space<hbm>> -> memref<32x128xf32, #tpu.memory_space<hbm>>
      tpu.enqueue_dma source(%dma_start3A_356 : memref<32x128xf32, #tpu.memory_space<hbm>>) target(%dma_start3A_354 : memref<32x128xf32, #tpu.memory_space<vmem_shared>>) target_semaphore(%arg21 : memref<!tpu.dma_semaphore, #tpu.memory_space<semaphore_mem>>)
      %dma_start3A_357 = arith.constant 0 : i32
      %dma_start3A_358 = arith.constant 0 : i32
      %dma_start3A_359 = arith.constant 0 : i32
      %dma_start3A_360 = tpu.memref_slice %arg13[%arg1, %dma_start3A_357, %dma_start3A_358, %dma_start3A_359] : memref<16x4x32x128xf32, #tpu.memory_space<vmem_shared>> -> memref<1x1x32x128xf32, #tpu.memory_space<vmem_shared>>
      %dma_start3A_361 = tpu.memref_squeeze %dma_start3A_360 : memref<1x1x32x128xf32, #tpu.memory_space<vmem_shared>> -> memref<32x128xf32, #tpu.memory_space<vmem_shared>>
      %dma_start3A_362 = arith.constant 0 : i32
      %dma_start3A_363 = tpu.memref_slice %arg4[%dma_start3A_362, %multiple_of3A_349] : memref<32x1000000xf32, #tpu.memory_space<hbm>> -> memref<32x128xf32, #tpu.memory_space<hbm>>
      tpu.enqueue_dma source(%dma_start3A_363 : memref<32x128xf32, #tpu.memory_space<hbm>>) target(%dma_start3A_361 : memref<32x128xf32, #tpu.memory_space<vmem_shared>>) target_semaphore(%arg21 : memref<!tpu.dma_semaphore, #tpu.memory_space<semaphore_mem>>)
      %slice3A_364 = vector.extract_strided_slice %mul3A_31 {offsets = [13], sizes = [1], strides = [1]} : vector<16xi32> to vector<1xi32>
      %squeeze3A_365 = vector.extract %slice3A_364[0] : i32 from vector<1xi32>
      %multiple_of3A_366 = tpu.assume_multiple %squeeze3A_365, 128 : i32
      %dma_start3A_367 = arith.constant 1 : i32
      %dma_start3A_368 = arith.constant 0 : i32
      %dma_start3A_369 = arith.constant 0 : i32
      %dma_start3A_370 = tpu.memref_slice %arg12[%arg1, %dma_start3A_367, %dma_start3A_368, %dma_start3A_369] : memref<16x4x32x128xf32, #tpu.memory_space<vmem_shared>> -> memref<1x1x32x128xf32, #tpu.memory_space<vmem_shared>>
      %dma_start3A_371 = tpu.memref_squeeze %dma_start3A_370 : memref<1x1x32x128xf32, #tpu.memory_space<vmem_shared>> -> memref<32x128xf32, #tpu.memory_space<vmem_shared>>
      %dma_start3A_372 = arith.constant 0 : i32
      %dma_start3A_373 = tpu.memref_slice %arg3[%dma_start3A_372, %multiple_of3A_366] : memref<32x1000000xf32, #tpu.memory_space<hbm>> -> memref<32x128xf32, #tpu.memory_space<hbm>>
      tpu.enqueue_dma source(%dma_start3A_373 : memref<32x128xf32, #tpu.memory_space<hbm>>) target(%dma_start3A_371 : memref<32x128xf32, #tpu.memory_space<vmem_shared>>) target_semaphore(%arg21 : memref<!tpu.dma_semaphore, #tpu.memory_space<semaphore_mem>>)
      %dma_start3A_374 = arith.constant 1 : i32
      %dma_start3A_375 = arith.constant 0 : i32
      %dma_start3A_376 = arith.constant 0 : i32
      %dma_start3A_377 = tpu.memref_slice %arg13[%arg1, %dma_start3A_374, %dma_start3A_375, %dma_start3A_376] : memref<16x4x32x128xf32, #tpu.memory_space<vmem_shared>> -> memref<1x1x32x128xf32, #tpu.memory_space<vmem_shared>>
      %dma_start3A_378 = tpu.memref_squeeze %dma_start3A_377 : memref<1x1x32x128xf32, #tpu.memory_space<vmem_shared>> -> memref<32x128xf32, #tpu.memory_space<vmem_shared>>
      %dma_start3A_379 = arith.constant 0 : i32
      %dma_start3A_380 = tpu.memref_slice %arg4[%dma_start3A_379, %multiple_of3A_366] : memref<32x1000000xf32, #tpu.memory_space<hbm>> -> memref<32x128xf32, #tpu.memory_space<hbm>>
      tpu.enqueue_dma source(%dma_start3A_380 : memref<32x128xf32, #tpu.memory_space<hbm>>) target(%dma_start3A_378 : memref<32x128xf32, #tpu.memory_space<vmem_shared>>) target_semaphore(%arg21 : memref<!tpu.dma_semaphore, #tpu.memory_space<semaphore_mem>>)
      %slice3A_381 = vector.extract_strided_slice %mul3A_31 {offsets = [14], sizes = [1], strides = [1]} : vector<16xi32> to vector<1xi32>
      %squeeze3A_382 = vector.extract %slice3A_381[0] : i32 from vector<1xi32>
      %multiple_of3A_383 = tpu.assume_multiple %squeeze3A_382, 128 : i32
      %dma_start3A_384 = arith.constant 2 : i32
      %dma_start3A_385 = arith.constant 0 : i32
      %dma_start3A_386 = arith.constant 0 : i32
      %dma_start3A_387 = tpu.memref_slice %arg12[%arg1, %dma_start3A_384, %dma_start3A_385, %dma_start3A_386] : memref<16x4x32x128xf32, #tpu.memory_space<vmem_shared>> -> memref<1x1x32x128xf32, #tpu.memory_space<vmem_shared>>
      %dma_start3A_388 = tpu.memref_squeeze %dma_start3A_387 : memref<1x1x32x128xf32, #tpu.memory_space<vmem_shared>> -> memref<32x128xf32, #tpu.memory_space<vmem_shared>>
      %dma_start3A_389 = arith.constant 0 : i32
      %dma_start3A_390 = tpu.memref_slice %arg3[%dma_start3A_389, %multiple_of3A_383] : memref<32x1000000xf32, #tpu.memory_space<hbm>> -> memref<32x128xf32, #tpu.memory_space<hbm>>
      tpu.enqueue_dma source(%dma_start3A_390 : memref<32x128xf32, #tpu.memory_space<hbm>>) target(%dma_start3A_388 : memref<32x128xf32, #tpu.memory_space<vmem_shared>>) target_semaphore(%arg21 : memref<!tpu.dma_semaphore, #tpu.memory_space<semaphore_mem>>)
      %dma_start3A_391 = arith.constant 2 : i32
      %dma_start3A_392 = arith.constant 0 : i32
      %dma_start3A_393 = arith.constant 0 : i32
      %dma_start3A_394 = tpu.memref_slice %arg13[%arg1, %dma_start3A_391, %dma_start3A_392, %dma_start3A_393] : memref<16x4x32x128xf32, #tpu.memory_space<vmem_shared>> -> memref<1x1x32x128xf32, #tpu.memory_space<vmem_shared>>
      %dma_start3A_395 = tpu.memref_squeeze %dma_start3A_394 : memref<1x1x32x128xf32, #tpu.memory_space<vmem_shared>> -> memref<32x128xf32, #tpu.memory_space<vmem_shared>>
      %dma_start3A_396 = arith.constant 0 : i32
      %dma_start3A_397 = tpu.memref_slice %arg4[%dma_start3A_396, %multiple_of3A_383] : memref<32x1000000xf32, #tpu.memory_space<hbm>> -> memref<32x128xf32, #tpu.memory_space<hbm>>
      tpu.enqueue_dma source(%dma_start3A_397 : memref<32x128xf32, #tpu.memory_space<hbm>>) target(%dma_start3A_395 : memref<32x128xf32, #tpu.memory_space<vmem_shared>>) target_semaphore(%arg21 : memref<!tpu.dma_semaphore, #tpu.memory_space<semaphore_mem>>)
      %slice3A_398 = vector.extract_strided_slice %mul3A_31 {offsets = [15], sizes = [1], strides = [1]} : vector<16xi32> to vector<1xi32>
      %squeeze3A_399 = vector.extract %slice3A_398[0] : i32 from vector<1xi32>
      %multiple_of3A_400 = tpu.assume_multiple %squeeze3A_399, 128 : i32
      %dma_start3A_401 = arith.constant 3 : i32
      %dma_start3A_402 = arith.constant 0 : i32
      %dma_start3A_403 = arith.constant 0 : i32
      %dma_start3A_404 = tpu.memref_slice %arg12[%arg1, %dma_start3A_401, %dma_start3A_402, %dma_start3A_403] : memref<16x4x32x128xf32, #tpu.memory_space<vmem_shared>> -> memref<1x1x32x128xf32, #tpu.memory_space<vmem_shared>>
      %dma_start3A_405 = tpu.memref_squeeze %dma_start3A_404 : memref<1x1x32x128xf32, #tpu.memory_space<vmem_shared>> -> memref<32x128xf32, #tpu.memory_space<vmem_shared>>
      %dma_start3A_406 = arith.constant 0 : i32
      %dma_start3A_407 = tpu.memref_slice %arg3[%dma_start3A_406, %multiple_of3A_400] : memref<32x1000000xf32, #tpu.memory_space<hbm>> -> memref<32x128xf32, #tpu.memory_space<hbm>>
      tpu.enqueue_dma source(%dma_start3A_407 : memref<32x128xf32, #tpu.memory_space<hbm>>) target(%dma_start3A_405 : memref<32x128xf32, #tpu.memory_space<vmem_shared>>) target_semaphore(%arg21 : memref<!tpu.dma_semaphore, #tpu.memory_space<semaphore_mem>>)
      %dma_start3A_408 = arith.constant 3 : i32
      %dma_start3A_409 = arith.constant 0 : i32
      %dma_start3A_410 = arith.constant 0 : i32
      %dma_start3A_411 = tpu.memref_slice %arg13[%arg1, %dma_start3A_408, %dma_start3A_409, %dma_start3A_410] : memref<16x4x32x128xf32, #tpu.memory_space<vmem_shared>> -> memref<1x1x32x128xf32, #tpu.memory_space<vmem_shared>>
      %dma_start3A_412 = tpu.memref_squeeze %dma_start3A_411 : memref<1x1x32x128xf32, #tpu.memory_space<vmem_shared>> -> memref<32x128xf32, #tpu.memory_space<vmem_shared>>
      %dma_start3A_413 = arith.constant 0 : i32
      %dma_start3A_414 = tpu.memref_slice %arg4[%dma_start3A_413, %multiple_of3A_400] : memref<32x1000000xf32, #tpu.memory_space<hbm>> -> memref<32x128xf32, #tpu.memory_space<hbm>>
      tpu.enqueue_dma source(%dma_start3A_414 : memref<32x128xf32, #tpu.memory_space<hbm>>) target(%dma_start3A_412 : memref<32x128xf32, #tpu.memory_space<vmem_shared>>) target_semaphore(%arg21 : memref<!tpu.dma_semaphore, #tpu.memory_space<semaphore_mem>>)
      %dma_wait3A_415 = arith.constant 0 : i32
      %dma_wait3A_416 = arith.constant 0 : i32
      %dma_wait3A_417 = arith.constant 0 : i32
      %dma_wait3A_418 = tpu.memref_slice %arg10[%arg1, %dma_wait3A_415, %dma_wait3A_416, %dma_wait3A_417] : memref<16x4x32x128xf32, #tpu.memory_space<vmem_shared>> -> memref<1x1x32x128xf32, #tpu.memory_space<vmem_shared>>
      %dma_wait3A_419 = tpu.memref_squeeze %dma_wait3A_418 : memref<1x1x32x128xf32, #tpu.memory_space<vmem_shared>> -> memref<32x128xf32, #tpu.memory_space<vmem_shared>>
      %dma_wait3A_420 = arith.constant 0 : i32
      %dma_wait3A_421 = tpu.memref_slice %arg3[%dma_wait3A_420, %multiple_of3A_225] : memref<32x1000000xf32, #tpu.memory_space<hbm>> -> memref<32x128xf32, #tpu.memory_space<hbm>>
      tpu.wait_dma2 semaphore(%arg20 : memref<!tpu.dma_semaphore, #tpu.memory_space<semaphore_mem>>) src(%dma_wait3A_421 : memref<32x128xf32, #tpu.memory_space<hbm>>) dst(%dma_wait3A_419 : memref<32x128xf32, #tpu.memory_space<vmem_shared>>)
      %dma_wait3A_422 = arith.constant 0 : i32
      %dma_wait3A_423 = arith.constant 0 : i32
      %dma_wait3A_424 = arith.constant 0 : i32
      %dma_wait3A_425 = tpu.memref_slice %arg11[%arg1, %dma_wait3A_422, %dma_wait3A_423, %dma_wait3A_424] : memref<16x4x32x128xf32, #tpu.memory_space<vmem_shared>> -> memref<1x1x32x128xf32, #tpu.memory_space<vmem_shared>>
      %dma_wait3A_426 = tpu.memref_squeeze %dma_wait3A_425 : memref<1x1x32x128xf32, #tpu.memory_space<vmem_shared>> -> memref<32x128xf32, #tpu.memory_space<vmem_shared>>
      %dma_wait3A_427 = arith.constant 0 : i32
      %dma_wait3A_428 = tpu.memref_slice %arg4[%dma_wait3A_427, %multiple_of3A_225] : memref<32x1000000xf32, #tpu.memory_space<hbm>> -> memref<32x128xf32, #tpu.memory_space<hbm>>
      tpu.wait_dma2 semaphore(%arg20 : memref<!tpu.dma_semaphore, #tpu.memory_space<semaphore_mem>>) src(%dma_wait3A_428 : memref<32x128xf32, #tpu.memory_space<hbm>>) dst(%dma_wait3A_426 : memref<32x128xf32, #tpu.memory_space<vmem_shared>>)
      %dma_wait3A_429 = arith.constant 1 : i32
      %dma_wait3A_430 = arith.constant 0 : i32
      %dma_wait3A_431 = arith.constant 0 : i32
      %dma_wait3A_432 = tpu.memref_slice %arg10[%arg1, %dma_wait3A_429, %dma_wait3A_430, %dma_wait3A_431] : memref<16x4x32x128xf32, #tpu.memory_space<vmem_shared>> -> memref<1x1x32x128xf32, #tpu.memory_space<vmem_shared>>
      %dma_wait3A_433 = tpu.memref_squeeze %dma_wait3A_432 : memref<1x1x32x128xf32, #tpu.memory_space<vmem_shared>> -> memref<32x128xf32, #tpu.memory_space<vmem_shared>>
      %dma_wait3A_434 = arith.constant 0 : i32
      %dma_wait3A_435 = tpu.memref_slice %arg3[%dma_wait3A_434, %multiple_of3A_242] : memref<32x1000000xf32, #tpu.memory_space<hbm>> -> memref<32x128xf32, #tpu.memory_space<hbm>>
      tpu.wait_dma2 semaphore(%arg20 : memref<!tpu.dma_semaphore, #tpu.memory_space<semaphore_mem>>) src(%dma_wait3A_435 : memref<32x128xf32, #tpu.memory_space<hbm>>) dst(%dma_wait3A_433 : memref<32x128xf32, #tpu.memory_space<vmem_shared>>)
      %dma_wait3A_436 = arith.constant 1 : i32
      %dma_wait3A_437 = arith.constant 0 : i32
      %dma_wait3A_438 = arith.constant 0 : i32
      %dma_wait3A_439 = tpu.memref_slice %arg11[%arg1, %dma_wait3A_436, %dma_wait3A_437, %dma_wait3A_438] : memref<16x4x32x128xf32, #tpu.memory_space<vmem_shared>> -> memref<1x1x32x128xf32, #tpu.memory_space<vmem_shared>>
      %dma_wait3A_440 = tpu.memref_squeeze %dma_wait3A_439 : memref<1x1x32x128xf32, #tpu.memory_space<vmem_shared>> -> memref<32x128xf32, #tpu.memory_space<vmem_shared>>
      %dma_wait3A_441 = arith.constant 0 : i32
      %dma_wait3A_442 = tpu.memref_slice %arg4[%dma_wait3A_441, %multiple_of3A_242] : memref<32x1000000xf32, #tpu.memory_space<hbm>> -> memref<32x128xf32, #tpu.memory_space<hbm>>
      tpu.wait_dma2 semaphore(%arg20 : memref<!tpu.dma_semaphore, #tpu.memory_space<semaphore_mem>>) src(%dma_wait3A_442 : memref<32x128xf32, #tpu.memory_space<hbm>>) dst(%dma_wait3A_440 : memref<32x128xf32, #tpu.memory_space<vmem_shared>>)
      %dma_wait3A_443 = arith.constant 2 : i32
      %dma_wait3A_444 = arith.constant 0 : i32
      %dma_wait3A_445 = arith.constant 0 : i32
      %dma_wait3A_446 = tpu.memref_slice %arg10[%arg1, %dma_wait3A_443, %dma_wait3A_444, %dma_wait3A_445] : memref<16x4x32x128xf32, #tpu.memory_space<vmem_shared>> -> memref<1x1x32x128xf32, #tpu.memory_space<vmem_shared>>
      %dma_wait3A_447 = tpu.memref_squeeze %dma_wait3A_446 : memref<1x1x32x128xf32, #tpu.memory_space<vmem_shared>> -> memref<32x128xf32, #tpu.memory_space<vmem_shared>>
      %dma_wait3A_448 = arith.constant 0 : i32
      %dma_wait3A_449 = tpu.memref_slice %arg3[%dma_wait3A_448, %multiple_of3A_259] : memref<32x1000000xf32, #tpu.memory_space<hbm>> -> memref<32x128xf32, #tpu.memory_space<hbm>>
      tpu.wait_dma2 semaphore(%arg20 : memref<!tpu.dma_semaphore, #tpu.memory_space<semaphore_mem>>) src(%dma_wait3A_449 : memref<32x128xf32, #tpu.memory_space<hbm>>) dst(%dma_wait3A_447 : memref<32x128xf32, #tpu.memory_space<vmem_shared>>)
      %dma_wait3A_450 = arith.constant 2 : i32
      %dma_wait3A_451 = arith.constant 0 : i32
      %dma_wait3A_452 = arith.constant 0 : i32
      %dma_wait3A_453 = tpu.memref_slice %arg11[%arg1, %dma_wait3A_450, %dma_wait3A_451, %dma_wait3A_452] : memref<16x4x32x128xf32, #tpu.memory_space<vmem_shared>> -> memref<1x1x32x128xf32, #tpu.memory_space<vmem_shared>>
      %dma_wait3A_454 = tpu.memref_squeeze %dma_wait3A_453 : memref<1x1x32x128xf32, #tpu.memory_space<vmem_shared>> -> memref<32x128xf32, #tpu.memory_space<vmem_shared>>
      %dma_wait3A_455 = arith.constant 0 : i32
      %dma_wait3A_456 = tpu.memref_slice %arg4[%dma_wait3A_455, %multiple_of3A_259] : memref<32x1000000xf32, #tpu.memory_space<hbm>> -> memref<32x128xf32, #tpu.memory_space<hbm>>
      tpu.wait_dma2 semaphore(%arg20 : memref<!tpu.dma_semaphore, #tpu.memory_space<semaphore_mem>>) src(%dma_wait3A_456 : memref<32x128xf32, #tpu.memory_space<hbm>>) dst(%dma_wait3A_454 : memref<32x128xf32, #tpu.memory_space<vmem_shared>>)
      %dma_wait3A_457 = arith.constant 3 : i32
      %dma_wait3A_458 = arith.constant 0 : i32
      %dma_wait3A_459 = arith.constant 0 : i32
      %dma_wait3A_460 = tpu.memref_slice %arg10[%arg1, %dma_wait3A_457, %dma_wait3A_458, %dma_wait3A_459] : memref<16x4x32x128xf32, #tpu.memory_space<vmem_shared>> -> memref<1x1x32x128xf32, #tpu.memory_space<vmem_shared>>
      %dma_wait3A_461 = tpu.memref_squeeze %dma_wait3A_460 : memref<1x1x32x128xf32, #tpu.memory_space<vmem_shared>> -> memref<32x128xf32, #tpu.memory_space<vmem_shared>>
      %dma_wait3A_462 = arith.constant 0 : i32
      %dma_wait3A_463 = tpu.memref_slice %arg3[%dma_wait3A_462, %multiple_of3A_276] : memref<32x1000000xf32, #tpu.memory_space<hbm>> -> memref<32x128xf32, #tpu.memory_space<hbm>>
      tpu.wait_dma2 semaphore(%arg20 : memref<!tpu.dma_semaphore, #tpu.memory_space<semaphore_mem>>) src(%dma_wait3A_463 : memref<32x128xf32, #tpu.memory_space<hbm>>) dst(%dma_wait3A_461 : memref<32x128xf32, #tpu.memory_space<vmem_shared>>)
      %dma_wait3A_464 = arith.constant 3 : i32
      %dma_wait3A_465 = arith.constant 0 : i32
      %dma_wait3A_466 = arith.constant 0 : i32
      %dma_wait3A_467 = tpu.memref_slice %arg11[%arg1, %dma_wait3A_464, %dma_wait3A_465, %dma_wait3A_466] : memref<16x4x32x128xf32, #tpu.memory_space<vmem_shared>> -> memref<1x1x32x128xf32, #tpu.memory_space<vmem_shared>>
      %dma_wait3A_468 = tpu.memref_squeeze %dma_wait3A_467 : memref<1x1x32x128xf32, #tpu.memory_space<vmem_shared>> -> memref<32x128xf32, #tpu.memory_space<vmem_shared>>
      %dma_wait3A_469 = arith.constant 0 : i32
      %dma_wait3A_470 = tpu.memref_slice %arg4[%dma_wait3A_469, %multiple_of3A_276] : memref<32x1000000xf32, #tpu.memory_space<hbm>> -> memref<32x128xf32, #tpu.memory_space<hbm>>
      tpu.wait_dma2 semaphore(%arg20 : memref<!tpu.dma_semaphore, #tpu.memory_space<semaphore_mem>>) src(%dma_wait3A_470 : memref<32x128xf32, #tpu.memory_space<hbm>>) dst(%dma_wait3A_468 : memref<32x128xf32, #tpu.memory_space<vmem_shared>>)
      %dma_wait3A_471 = arith.constant 0 : i32
      %dma_wait3A_472 = arith.constant 0 : i32
      %dma_wait3A_473 = arith.constant 0 : i32
      %dma_wait3A_474 = tpu.memref_slice %arg12[%arg1, %dma_wait3A_471, %dma_wait3A_472, %dma_wait3A_473] : memref<16x4x32x128xf32, #tpu.memory_space<vmem_shared>> -> memref<1x1x32x128xf32, #tpu.memory_space<vmem_shared>>
      %dma_wait3A_475 = tpu.memref_squeeze %dma_wait3A_474 : memref<1x1x32x128xf32, #tpu.memory_space<vmem_shared>> -> memref<32x128xf32, #tpu.memory_space<vmem_shared>>
      %dma_wait3A_476 = arith.constant 0 : i32
      %dma_wait3A_477 = tpu.memref_slice %arg3[%dma_wait3A_476, %multiple_of3A_349] : memref<32x1000000xf32, #tpu.memory_space<hbm>> -> memref<32x128xf32, #tpu.memory_space<hbm>>
      tpu.wait_dma2 semaphore(%arg21 : memref<!tpu.dma_semaphore, #tpu.memory_space<semaphore_mem>>) src(%dma_wait3A_477 : memref<32x128xf32, #tpu.memory_space<hbm>>) dst(%dma_wait3A_475 : memref<32x128xf32, #tpu.memory_space<vmem_shared>>)
      %dma_wait3A_478 = arith.constant 0 : i32
      %dma_wait3A_479 = arith.constant 0 : i32
      %dma_wait3A_480 = arith.constant 0 : i32
      %dma_wait3A_481 = tpu.memref_slice %arg13[%arg1, %dma_wait3A_478, %dma_wait3A_479, %dma_wait3A_480] : memref<16x4x32x128xf32, #tpu.memory_space<vmem_shared>> -> memref<1x1x32x128xf32, #tpu.memory_space<vmem_shared>>
      %dma_wait3A_482 = tpu.memref_squeeze %dma_wait3A_481 : memref<1x1x32x128xf32, #tpu.memory_space<vmem_shared>> -> memref<32x128xf32, #tpu.memory_space<vmem_shared>>
      %dma_wait3A_483 = arith.constant 0 : i32
      %dma_wait3A_484 = tpu.memref_slice %arg4[%dma_wait3A_483, %multiple_of3A_349] : memref<32x1000000xf32, #tpu.memory_space<hbm>> -> memref<32x128xf32, #tpu.memory_space<hbm>>
      tpu.wait_dma2 semaphore(%arg21 : memref<!tpu.dma_semaphore, #tpu.memory_space<semaphore_mem>>) src(%dma_wait3A_484 : memref<32x128xf32, #tpu.memory_space<hbm>>) dst(%dma_wait3A_482 : memref<32x128xf32, #tpu.memory_space<vmem_shared>>)
      %dma_wait3A_485 = arith.constant 1 : i32
      %dma_wait3A_486 = arith.constant 0 : i32
      %dma_wait3A_487 = arith.constant 0 : i32
      %dma_wait3A_488 = tpu.memref_slice %arg12[%arg1, %dma_wait3A_485, %dma_wait3A_486, %dma_wait3A_487] : memref<16x4x32x128xf32, #tpu.memory_space<vmem_shared>> -> memref<1x1x32x128xf32, #tpu.memory_space<vmem_shared>>
      %dma_wait3A_489 = tpu.memref_squeeze %dma_wait3A_488 : memref<1x1x32x128xf32, #tpu.memory_space<vmem_shared>> -> memref<32x128xf32, #tpu.memory_space<vmem_shared>>
      %dma_wait3A_490 = arith.constant 0 : i32
      %dma_wait3A_491 = tpu.memref_slice %arg3[%dma_wait3A_490, %multiple_of3A_366] : memref<32x1000000xf32, #tpu.memory_space<hbm>> -> memref<32x128xf32, #tpu.memory_space<hbm>>
      tpu.wait_dma2 semaphore(%arg21 : memref<!tpu.dma_semaphore, #tpu.memory_space<semaphore_mem>>) src(%dma_wait3A_491 : memref<32x128xf32, #tpu.memory_space<hbm>>) dst(%dma_wait3A_489 : memref<32x128xf32, #tpu.memory_space<vmem_shared>>)
      %dma_wait3A_492 = arith.constant 1 : i32
      %dma_wait3A_493 = arith.constant 0 : i32
      %dma_wait3A_494 = arith.constant 0 : i32
      %dma_wait3A_495 = tpu.memref_slice %arg13[%arg1, %dma_wait3A_492, %dma_wait3A_493, %dma_wait3A_494] : memref<16x4x32x128xf32, #tpu.memory_space<vmem_shared>> -> memref<1x1x32x128xf32, #tpu.memory_space<vmem_shared>>
      %dma_wait3A_496 = tpu.memref_squeeze %dma_wait3A_495 : memref<1x1x32x128xf32, #tpu.memory_space<vmem_shared>> -> memref<32x128xf32, #tpu.memory_space<vmem_shared>>
      %dma_wait3A_497 = arith.constant 0 : i32
      %dma_wait3A_498 = tpu.memref_slice %arg4[%dma_wait3A_497, %multiple_of3A_366] : memref<32x1000000xf32, #tpu.memory_space<hbm>> -> memref<32x128xf32, #tpu.memory_space<hbm>>
      tpu.wait_dma2 semaphore(%arg21 : memref<!tpu.dma_semaphore, #tpu.memory_space<semaphore_mem>>) src(%dma_wait3A_498 : memref<32x128xf32, #tpu.memory_space<hbm>>) dst(%dma_wait3A_496 : memref<32x128xf32, #tpu.memory_space<vmem_shared>>)
      %dma_wait3A_499 = arith.constant 2 : i32
      %dma_wait3A_500 = arith.constant 0 : i32
      %dma_wait3A_501 = arith.constant 0 : i32
      %dma_wait3A_502 = tpu.memref_slice %arg12[%arg1, %dma_wait3A_499, %dma_wait3A_500, %dma_wait3A_501] : memref<16x4x32x128xf32, #tpu.memory_space<vmem_shared>> -> memref<1x1x32x128xf32, #tpu.memory_space<vmem_shared>>
      %dma_wait3A_503 = tpu.memref_squeeze %dma_wait3A_502 : memref<1x1x32x128xf32, #tpu.memory_space<vmem_shared>> -> memref<32x128xf32, #tpu.memory_space<vmem_shared>>
      %dma_wait3A_504 = arith.constant 0 : i32
      %dma_wait3A_505 = tpu.memref_slice %arg3[%dma_wait3A_504, %multiple_of3A_383] : memref<32x1000000xf32, #tpu.memory_space<hbm>> -> memref<32x128xf32, #tpu.memory_space<hbm>>
      tpu.wait_dma2 semaphore(%arg21 : memref<!tpu.dma_semaphore, #tpu.memory_space<semaphore_mem>>) src(%dma_wait3A_505 : memref<32x128xf32, #tpu.memory_space<hbm>>) dst(%dma_wait3A_503 : memref<32x128xf32, #tpu.memory_space<vmem_shared>>)
      %dma_wait3A_506 = arith.constant 2 : i32
      %dma_wait3A_507 = arith.constant 0 : i32
      %dma_wait3A_508 = arith.constant 0 : i32
      %dma_wait3A_509 = tpu.memref_slice %arg13[%arg1, %dma_wait3A_506, %dma_wait3A_507, %dma_wait3A_508] : memref<16x4x32x128xf32, #tpu.memory_space<vmem_shared>> -> memref<1x1x32x128xf32, #tpu.memory_space<vmem_shared>>
      %dma_wait3A_510 = tpu.memref_squeeze %dma_wait3A_509 : memref<1x1x32x128xf32, #tpu.memory_space<vmem_shared>> -> memref<32x128xf32, #tpu.memory_space<vmem_shared>>
      %dma_wait3A_511 = arith.constant 0 : i32
      %dma_wait3A_512 = tpu.memref_slice %arg4[%dma_wait3A_511, %multiple_of3A_383] : memref<32x1000000xf32, #tpu.memory_space<hbm>> -> memref<32x128xf32, #tpu.memory_space<hbm>>
      tpu.wait_dma2 semaphore(%arg21 : memref<!tpu.dma_semaphore, #tpu.memory_space<semaphore_mem>>) src(%dma_wait3A_512 : memref<32x128xf32, #tpu.memory_space<hbm>>) dst(%dma_wait3A_510 : memref<32x128xf32, #tpu.memory_space<vmem_shared>>)
      %dma_wait3A_513 = arith.constant 3 : i32
      %dma_wait3A_514 = arith.constant 0 : i32
      %dma_wait3A_515 = arith.constant 0 : i32
      %dma_wait3A_516 = tpu.memref_slice %arg12[%arg1, %dma_wait3A_513, %dma_wait3A_514, %dma_wait3A_515] : memref<16x4x32x128xf32, #tpu.memory_space<vmem_shared>> -> memref<1x1x32x128xf32, #tpu.memory_space<vmem_shared>>
      %dma_wait3A_517 = tpu.memref_squeeze %dma_wait3A_516 : memref<1x1x32x128xf32, #tpu.memory_space<vmem_shared>> -> memref<32x128xf32, #tpu.memory_space<vmem_shared>>
      %dma_wait3A_518 = arith.constant 0 : i32
      %dma_wait3A_519 = tpu.memref_slice %arg3[%dma_wait3A_518, %multiple_of3A_400] : memref<32x1000000xf32, #tpu.memory_space<hbm>> -> memref<32x128xf32, #tpu.memory_space<hbm>>
      tpu.wait_dma2 semaphore(%arg21 : memref<!tpu.dma_semaphore, #tpu.memory_space<semaphore_mem>>) src(%dma_wait3A_519 : memref<32x128xf32, #tpu.memory_space<hbm>>) dst(%dma_wait3A_517 : memref<32x128xf32, #tpu.memory_space<vmem_shared>>)
      %dma_wait3A_520 = arith.constant 3 : i32
      %dma_wait3A_521 = arith.constant 0 : i32
      %dma_wait3A_522 = arith.constant 0 : i32
      %dma_wait3A_523 = tpu.memref_slice %arg13[%arg1, %dma_wait3A_520, %dma_wait3A_521, %dma_wait3A_522] : memref<16x4x32x128xf32, #tpu.memory_space<vmem_shared>> -> memref<1x1x32x128xf32, #tpu.memory_space<vmem_shared>>
      %dma_wait3A_524 = tpu.memref_squeeze %dma_wait3A_523 : memref<1x1x32x128xf32, #tpu.memory_space<vmem_shared>> -> memref<32x128xf32, #tpu.memory_space<vmem_shared>>
      %dma_wait3A_525 = arith.constant 0 : i32
      %dma_wait3A_526 = tpu.memref_slice %arg4[%dma_wait3A_525, %multiple_of3A_400] : memref<32x1000000xf32, #tpu.memory_space<hbm>> -> memref<32x128xf32, #tpu.memory_space<hbm>>
      tpu.wait_dma2 semaphore(%arg21 : memref<!tpu.dma_semaphore, #tpu.memory_space<semaphore_mem>>) src(%dma_wait3A_526 : memref<32x128xf32, #tpu.memory_space<hbm>>) dst(%dma_wait3A_524 : memref<32x128xf32, #tpu.memory_space<vmem_shared>>)
      %broadcast_in_dim3A_527 = arith.constant 0.000000e+00 : f32
      %broadcast_in_dim3A_528 = vector.broadcast %broadcast_in_dim3A_527 : f32 to vector<16xf32>
      %broadcast_in_dim3A_529 = arith.constant 0.000000e+00 : f32
      %broadcast_in_dim3A_530 = vector.broadcast %broadcast_in_dim3A_529 : f32 to vector<16xf32>
      %get3A_531 = arith.constant 0 : i32
      %get3A_532 = arith.index_cast %get3A_531 : i32 to index
      %get3A_533 = arith.constant 0 : index
      %get3A_534 = tpu.vector_load %arg14[%get3A_532, %get3A_533] {strides = array<i32>} : memref<32x128xf32, #tpu.memory_space<vmem>>, vector<16xf32>,
      %get3A_535 = arith.constant 0 : i32
      %get3A_536 = arith.index_cast %get3A_535 : i32 to index
      %get3A_537 = arith.constant 0 : index
      %get3A_538 = tpu.vector_load %arg15[%get3A_536, %get3A_537] {strides = array<i32>} : memref<32x128xf32, #tpu.memory_space<vmem>>, vector<16xf32>,
      %mul3A_539 = arith.constant 5.000000e-01 : f32
      %mul3A_540 = vector.broadcast %mul3A_539 : f32 to vector<16xf32>
      %mul3A_541 = arith.mulf %mul3A_540, %get3A_534 : vector<16xf32>
      %add3A_542 = arith.addf %mul3A_541, %get3A_538 : vector<16xf32>
      %mul3A_543 = arith.mulf %get3A_538, %get3A_538 : vector<16xf32>
      %add3A_544 = arith.addf %broadcast_in_dim3A_528, %mul3A_543 : vector<16xf32>
      %mul3A_545 = arith.mulf %add3A_542, %add3A_542 : vector<16xf32>
      %add3A_546 = arith.addf %broadcast_in_dim3A_530, %mul3A_545 : vector<16xf32>
      %swap3A = arith.constant 0 : i32
      %swap3A_547 = arith.index_cast %swap3A : i32 to index
      %swap3A_548 = arith.index_cast %mul3A_24 : i32 to index
      %swap3A_549 = tpu.vector_load %arg19[%swap3A_547, %swap3A_548] {strides = array<i32>} : memref<32x512xf32, #tpu.memory_space<vmem>>, vector<16xf32>,
      tpu.vector_store %arg19[%swap3A_547, %swap3A_548], %add3A_542 {strides = array<i32>} : memref<32x512xf32, #tpu.memory_space<vmem>>, vector<16xf32>,
      %get3A_550 = arith.constant 1 : i32
      %get3A_551 = arith.index_cast %get3A_550 : i32 to index
      %get3A_552 = arith.constant 0 : index
      %get3A_553 = tpu.vector_load %arg14[%get3A_551, %get3A_552] {strides = array<i32>} : memref<32x128xf32, #tpu.memory_space<vmem>>, vector<16xf32>,
      %get3A_554 = arith.constant 1 : i32
      %get3A_555 = arith.index_cast %get3A_554 : i32 to index
      %get3A_556 = arith.constant 0 : index
      %get3A_557 = tpu.vector_load %arg15[%get3A_555, %get3A_556] {strides = array<i32>} : memref<32x128xf32, #tpu.memory_space<vmem>>, vector<16xf32>,
      %mul3A_558 = arith.constant 5.000000e-01 : f32
      %mul3A_559 = vector.broadcast %mul3A_558 : f32 to vector<16xf32>
      %mul3A_560 = arith.mulf %mul3A_559, %get3A_553 : vector<16xf32>
      %add3A_561 = arith.addf %mul3A_560, %get3A_557 : vector<16xf32>
      %mul3A_562 = arith.mulf %get3A_557, %get3A_557 : vector<16xf32>
      %add3A_563 = arith.addf %add3A_544, %mul3A_562 : vector<16xf32>
      %mul3A_564 = arith.mulf %add3A_561, %add3A_561 : vector<16xf32>
      %add3A_565 = arith.addf %add3A_546, %mul3A_564 : vector<16xf32>
      %swap3A_566 = arith.constant 1 : i32
      %swap3A_567 = arith.index_cast %swap3A_566 : i32 to index
      %swap3A_568 = arith.index_cast %mul3A_24 : i32 to index
      %swap3A_569 = tpu.vector_load %arg19[%swap3A_567, %swap3A_568] {strides = array<i32>} : memref<32x512xf32, #tpu.memory_space<vmem>>, vector<16xf32>,
      tpu.vector_store %arg19[%swap3A_567, %swap3A_568], %add3A_561 {strides = array<i32>} : memref<32x512xf32, #tpu.memory_space<vmem>>, vector<16xf32>,
      %get3A_570 = arith.constant 2 : i32
      %get3A_571 = arith.index_cast %get3A_570 : i32 to index
      %get3A_572 = arith.constant 0 : index
      %get3A_573 = tpu.vector_load %arg14[%get3A_571, %get3A_572] {strides = array<i32>} : memref<32x128xf32, #tpu.memory_space<vmem>>, vector<16xf32>,
      %get3A_574 = arith.constant 2 : i32
      %get3A_575 = arith.index_cast %get3A_574 : i32 to index
      %get3A_576 = arith.constant 0 : index
      %get3A_577 = tpu.vector_load %arg15[%get3A_575, %get3A_576] {strides = array<i32>} : memref<32x128xf32, #tpu.memory_space<vmem>>, vector<16xf32>,
      %mul3A_578 = arith.constant 5.000000e-01 : f32
      %mul3A_579 = vector.broadcast %mul3A_578 : f32 to vector<16xf32>
      %mul3A_580 = arith.mulf %mul3A_579, %get3A_573 : vector<16xf32>
      %add3A_581 = arith.addf %mul3A_580, %get3A_577 : vector<16xf32>
      %mul3A_582 = arith.mulf %get3A_577, %get3A_577 : vector<16xf32>
      %add3A_583 = arith.addf %add3A_563, %mul3A_582 : vector<16xf32>
      %mul3A_584 = arith.mulf %add3A_581, %add3A_581 : vector<16xf32>
      %add3A_585 = arith.addf %add3A_565, %mul3A_584 : vector<16xf32>
      %swap3A_586 = arith.constant 2 : i32
      %swap3A_587 = arith.index_cast %swap3A_586 : i32 to index
      %swap3A_588 = arith.index_cast %mul3A_24 : i32 to index
      %swap3A_589 = tpu.vector_load %arg19[%swap3A_587, %swap3A_588] {strides = array<i32>} : memref<32x512xf32, #tpu.memory_space<vmem>>, vector<16xf32>,
      tpu.vector_store %arg19[%swap3A_587, %swap3A_588], %add3A_581 {strides = array<i32>} : memref<32x512xf32, #tpu.memory_space<vmem>>, vector<16xf32>,
      %get3A_590 = arith.constant 3 : i32
      %get3A_591 = arith.index_cast %get3A_590 : i32 to index
      %get3A_592 = arith.constant 0 : index
      %get3A_593 = tpu.vector_load %arg14[%get3A_591, %get3A_592] {strides = array<i32>} : memref<32x128xf32, #tpu.memory_space<vmem>>, vector<16xf32>,
      %get3A_594 = arith.constant 3 : i32
      %get3A_595 = arith.index_cast %get3A_594 : i32 to index
      %get3A_596 = arith.constant 0 : index
      %get3A_597 = tpu.vector_load %arg15[%get3A_595, %get3A_596] {strides = array<i32>} : memref<32x128xf32, #tpu.memory_space<vmem>>, vector<16xf32>,
      %mul3A_598 = arith.constant 5.000000e-01 : f32
      %mul3A_599 = vector.broadcast %mul3A_598 : f32 to vector<16xf32>
      %mul3A_600 = arith.mulf %mul3A_599, %get3A_593 : vector<16xf32>
      %add3A_601 = arith.addf %mul3A_600, %get3A_597 : vector<16xf32>
      %mul3A_602 = arith.mulf %get3A_597, %get3A_597 : vector<16xf32>
      %add3A_603 = arith.addf %add3A_583, %mul3A_602 : vector<16xf32>
      %mul3A_604 = arith.mulf %add3A_601, %add3A_601 : vector<16xf32>
      %add3A_605 = arith.addf %add3A_585, %mul3A_604 : vector<16xf32>
      %swap3A_606 = arith.constant 3 : i32
      %swap3A_607 = arith.index_cast %swap3A_606 : i32 to index
      %swap3A_608 = arith.index_cast %mul3A_24 : i32 to index
      %swap3A_609 = tpu.vector_load %arg19[%swap3A_607, %swap3A_608] {strides = array<i32>} : memref<32x512xf32, #tpu.memory_space<vmem>>, vector<16xf32>,
      tpu.vector_store %arg19[%swap3A_607, %swap3A_608], %add3A_601 {strides = array<i32>} : memref<32x512xf32, #tpu.memory_space<vmem>>, vector<16xf32>,
      %get3A_610 = arith.constant 4 : i32
      %get3A_611 = arith.index_cast %get3A_610 : i32 to index
      %get3A_612 = arith.constant 0 : index
      %get3A_613 = tpu.vector_load %arg14[%get3A_611, %get3A_612] {strides = array<i32>} : memref<32x128xf32, #tpu.memory_space<vmem>>, vector<16xf32>,
      %get3A_614 = arith.constant 4 : i32
      %get3A_615 = arith.index_cast %get3A_614 : i32 to index
      %get3A_616 = arith.constant 0 : index
      %get3A_617 = tpu.vector_load %arg15[%get3A_615, %get3A_616] {strides = array<i32>} : memref<32x128xf32, #tpu.memory_space<vmem>>, vector<16xf32>,
      %mul3A_618 = arith.constant 5.000000e-01 : f32
      %mul3A_619 = vector.broadcast %mul3A_618 : f32 to vector<16xf32>
      %mul3A_620 = arith.mulf %mul3A_619, %get3A_613 : vector<16xf32>
      %add3A_621 = arith.addf %mul3A_620, %get3A_617 : vector<16xf32>
      %mul3A_622 = arith.mulf %get3A_617, %get3A_617 : vector<16xf32>
      %add3A_623 = arith.addf %add3A_603, %mul3A_622 : vector<16xf32>
      %mul3A_624 = arith.mulf %add3A_621, %add3A_621 : vector<16xf32>
      %add3A_625 = arith.addf %add3A_605, %mul3A_624 : vector<16xf32>
      %swap3A_626 = arith.constant 4 : i32
      %swap3A_627 = arith.index_cast %swap3A_626 : i32 to index
      %swap3A_628 = arith.index_cast %mul3A_24 : i32 to index
      %swap3A_629 = tpu.vector_load %arg19[%swap3A_627, %swap3A_628] {strides = array<i32>} : memref<32x512xf32, #tpu.memory_space<vmem>>, vector<16xf32>,
      tpu.vector_store %arg19[%swap3A_627, %swap3A_628], %add3A_621 {strides = array<i32>} : memref<32x512xf32, #tpu.memory_space<vmem>>, vector<16xf32>,
      %get3A_630 = arith.constant 5 : i32
      %get3A_631 = arith.index_cast %get3A_630 : i32 to index
      %get3A_632 = arith.constant 0 : index
      %get3A_633 = tpu.vector_load %arg14[%get3A_631, %get3A_632] {strides = array<i32>} : memref<32x128xf32, #tpu.memory_space<vmem>>, vector<16xf32>,
      %get3A_634 = arith.constant 5 : i32
      %get3A_635 = arith.index_cast %get3A_634 : i32 to index
      %get3A_636 = arith.constant 0 : index
      %get3A_637 = tpu.vector_load %arg15[%get3A_635, %get3A_636] {strides = array<i32>} : memref<32x128xf32, #tpu.memory_space<vmem>>, vector<16xf32>,
      %mul3A_638 = arith.constant 5.000000e-01 : f32
      %mul3A_639 = vector.broadcast %mul3A_638 : f32 to vector<16xf32>
      %mul3A_640 = arith.mulf %mul3A_639, %get3A_633 : vector<16xf32>
      %add3A_641 = arith.addf %mul3A_640, %get3A_637 : vector<16xf32>
      %mul3A_642 = arith.mulf %get3A_637, %get3A_637 : vector<16xf32>
      %add3A_643 = arith.addf %add3A_623, %mul3A_642 : vector<16xf32>
      %mul3A_644 = arith.mulf %add3A_641, %add3A_641 : vector<16xf32>
      %add3A_645 = arith.addf %add3A_625, %mul3A_644 : vector<16xf32>
      %swap3A_646 = arith.constant 5 : i32
      %swap3A_647 = arith.index_cast %swap3A_646 : i32 to index
      %swap3A_648 = arith.index_cast %mul3A_24 : i32 to index
      %swap3A_649 = tpu.vector_load %arg19[%swap3A_647, %swap3A_648] {strides = array<i32>} : memref<32x512xf32, #tpu.memory_space<vmem>>, vector<16xf32>,
      tpu.vector_store %arg19[%swap3A_647, %swap3A_648], %add3A_641 {strides = array<i32>} : memref<32x512xf32, #tpu.memory_space<vmem>>, vector<16xf32>,
      %get3A_650 = arith.constant 6 : i32
      %get3A_651 = arith.index_cast %get3A_650 : i32 to index
      %get3A_652 = arith.constant 0 : index
      %get3A_653 = tpu.vector_load %arg14[%get3A_651, %get3A_652] {strides = array<i32>} : memref<32x128xf32, #tpu.memory_space<vmem>>, vector<16xf32>,
      %get3A_654 = arith.constant 6 : i32
      %get3A_655 = arith.index_cast %get3A_654 : i32 to index
      %get3A_656 = arith.constant 0 : index
      %get3A_657 = tpu.vector_load %arg15[%get3A_655, %get3A_656] {strides = array<i32>} : memref<32x128xf32, #tpu.memory_space<vmem>>, vector<16xf32>,
      %mul3A_658 = arith.constant 5.000000e-01 : f32
      %mul3A_659 = vector.broadcast %mul3A_658 : f32 to vector<16xf32>
      %mul3A_660 = arith.mulf %mul3A_659, %get3A_653 : vector<16xf32>
      %add3A_661 = arith.addf %mul3A_660, %get3A_657 : vector<16xf32>
      %mul3A_662 = arith.mulf %get3A_657, %get3A_657 : vector<16xf32>
      %add3A_663 = arith.addf %add3A_643, %mul3A_662 : vector<16xf32>
      %mul3A_664 = arith.mulf %add3A_661, %add3A_661 : vector<16xf32>
      %add3A_665 = arith.addf %add3A_645, %mul3A_664 : vector<16xf32>
      %swap3A_666 = arith.constant 6 : i32
      %swap3A_667 = arith.index_cast %swap3A_666 : i32 to index
      %swap3A_668 = arith.index_cast %mul3A_24 : i32 to index
      %swap3A_669 = tpu.vector_load %arg19[%swap3A_667, %swap3A_668] {strides = array<i32>} : memref<32x512xf32, #tpu.memory_space<vmem>>, vector<16xf32>,
      tpu.vector_store %arg19[%swap3A_667, %swap3A_668], %add3A_661 {strides = array<i32>} : memref<32x512xf32, #tpu.memory_space<vmem>>, vector<16xf32>,
      %get3A_670 = arith.constant 7 : i32
      %get3A_671 = arith.index_cast %get3A_670 : i32 to index
      %get3A_672 = arith.constant 0 : index
      %get3A_673 = tpu.vector_load %arg14[%get3A_671, %get3A_672] {strides = array<i32>} : memref<32x128xf32, #tpu.memory_space<vmem>>, vector<16xf32>,
      %get3A_674 = arith.constant 7 : i32
      %get3A_675 = arith.index_cast %get3A_674 : i32 to index
      %get3A_676 = arith.constant 0 : index
      %get3A_677 = tpu.vector_load %arg15[%get3A_675, %get3A_676] {strides = array<i32>} : memref<32x128xf32, #tpu.memory_space<vmem>>, vector<16xf32>,
      %mul3A_678 = arith.constant 5.000000e-01 : f32
      %mul3A_679 = vector.broadcast %mul3A_678 : f32 to vector<16xf32>
      %mul3A_680 = arith.mulf %mul3A_679, %get3A_673 : vector<16xf32>
      %add3A_681 = arith.addf %mul3A_680, %get3A_677 : vector<16xf32>
      %mul3A_682 = arith.mulf %get3A_677, %get3A_677 : vector<16xf32>
      %add3A_683 = arith.addf %add3A_663, %mul3A_682 : vector<16xf32>
      %mul3A_684 = arith.mulf %add3A_681, %add3A_681 : vector<16xf32>
      %add3A_685 = arith.addf %add3A_665, %mul3A_684 : vector<16xf32>
      %swap3A_686 = arith.constant 7 : i32
      %swap3A_687 = arith.index_cast %swap3A_686 : i32 to index
      %swap3A_688 = arith.index_cast %mul3A_24 : i32 to index
      %swap3A_689 = tpu.vector_load %arg19[%swap3A_687, %swap3A_688] {strides = array<i32>} : memref<32x512xf32, #tpu.memory_space<vmem>>, vector<16xf32>,
      tpu.vector_store %arg19[%swap3A_687, %swap3A_688], %add3A_681 {strides = array<i32>} : memref<32x512xf32, #tpu.memory_space<vmem>>, vector<16xf32>,
      %get3A_690 = arith.constant 8 : i32
      %get3A_691 = arith.index_cast %get3A_690 : i32 to index
      %get3A_692 = arith.constant 0 : index
      %get3A_693 = tpu.vector_load %arg14[%get3A_691, %get3A_692] {strides = array<i32>} : memref<32x128xf32, #tpu.memory_space<vmem>>, vector<16xf32>,
      %get3A_694 = arith.constant 8 : i32
      %get3A_695 = arith.index_cast %get3A_694 : i32 to index
      %get3A_696 = arith.constant 0 : index
      %get3A_697 = tpu.vector_load %arg15[%get3A_695, %get3A_696] {strides = array<i32>} : memref<32x128xf32, #tpu.memory_space<vmem>>, vector<16xf32>,
      %mul3A_698 = arith.constant 5.000000e-01 : f32
      %mul3A_699 = vector.broadcast %mul3A_698 : f32 to vector<16xf32>
      %mul3A_700 = arith.mulf %mul3A_699, %get3A_693 : vector<16xf32>
      %add3A_701 = arith.addf %mul3A_700, %get3A_697 : vector<16xf32>
      %mul3A_702 = arith.mulf %get3A_697, %get3A_697 : vector<16xf32>
      %add3A_703 = arith.addf %add3A_683, %mul3A_702 : vector<16xf32>
      %mul3A_704 = arith.mulf %add3A_701, %add3A_701 : vector<16xf32>
      %add3A_705 = arith.addf %add3A_685, %mul3A_704 : vector<16xf32>
      %swap3A_706 = arith.constant 8 : i32
      %swap3A_707 = arith.index_cast %swap3A_706 : i32 to index
      %swap3A_708 = arith.index_cast %mul3A_24 : i32 to index
      %swap3A_709 = tpu.vector_load %arg19[%swap3A_707, %swap3A_708] {strides = array<i32>} : memref<32x512xf32, #tpu.memory_space<vmem>>, vector<16xf32>,
      tpu.vector_store %arg19[%swap3A_707, %swap3A_708], %add3A_701 {strides = array<i32>} : memref<32x512xf32, #tpu.memory_space<vmem>>, vector<16xf32>,
      %get3A_710 = arith.constant 9 : i32
      %get3A_711 = arith.index_cast %get3A_710 : i32 to index
      %get3A_712 = arith.constant 0 : index
      %get3A_713 = tpu.vector_load %arg14[%get3A_711, %get3A_712] {strides = array<i32>} : memref<32x128xf32, #tpu.memory_space<vmem>>, vector<16xf32>,
      %get3A_714 = arith.constant 9 : i32
      %get3A_715 = arith.index_cast %get3A_714 : i32 to index
      %get3A_716 = arith.constant 0 : index
      %get3A_717 = tpu.vector_load %arg15[%get3A_715, %get3A_716] {strides = array<i32>} : memref<32x128xf32, #tpu.memory_space<vmem>>, vector<16xf32>,
      %mul3A_718 = arith.constant 5.000000e-01 : f32
      %mul3A_719 = vector.broadcast %mul3A_718 : f32 to vector<16xf32>
      %mul3A_720 = arith.mulf %mul3A_719, %get3A_713 : vector<16xf32>
      %add3A_721 = arith.addf %mul3A_720, %get3A_717 : vector<16xf32>
      %mul3A_722 = arith.mulf %get3A_717, %get3A_717 : vector<16xf32>
      %add3A_723 = arith.addf %add3A_703, %mul3A_722 : vector<16xf32>
      %mul3A_724 = arith.mulf %add3A_721, %add3A_721 : vector<16xf32>
      %add3A_725 = arith.addf %add3A_705, %mul3A_724 : vector<16xf32>
      %swap3A_726 = arith.constant 9 : i32
      %swap3A_727 = arith.index_cast %swap3A_726 : i32 to index
      %swap3A_728 = arith.index_cast %mul3A_24 : i32 to index
      %swap3A_729 = tpu.vector_load %arg19[%swap3A_727, %swap3A_728] {strides = array<i32>} : memref<32x512xf32, #tpu.memory_space<vmem>>, vector<16xf32>,
      tpu.vector_store %arg19[%swap3A_727, %swap3A_728], %add3A_721 {strides = array<i32>} : memref<32x512xf32, #tpu.memory_space<vmem>>, vector<16xf32>,
      %get3A_730 = arith.constant 10 : i32
      %get3A_731 = arith.index_cast %get3A_730 : i32 to index
      %get3A_732 = arith.constant 0 : index
      %get3A_733 = tpu.vector_load %arg14[%get3A_731, %get3A_732] {strides = array<i32>} : memref<32x128xf32, #tpu.memory_space<vmem>>, vector<16xf32>,
      %get3A_734 = arith.constant 10 : i32
      %get3A_735 = arith.index_cast %get3A_734 : i32 to index
      %get3A_736 = arith.constant 0 : index
      %get3A_737 = tpu.vector_load %arg15[%get3A_735, %get3A_736] {strides = array<i32>} : memref<32x128xf32, #tpu.memory_space<vmem>>, vector<16xf32>,
      %mul3A_738 = arith.constant 5.000000e-01 : f32
      %mul3A_739 = vector.broadcast %mul3A_738 : f32 to vector<16xf32>
      %mul3A_740 = arith.mulf %mul3A_739, %get3A_733 : vector<16xf32>
      %add3A_741 = arith.addf %mul3A_740, %get3A_737 : vector<16xf32>
      %mul3A_742 = arith.mulf %get3A_737, %get3A_737 : vector<16xf32>
      %add3A_743 = arith.addf %add3A_723, %mul3A_742 : vector<16xf32>
      %mul3A_744 = arith.mulf %add3A_741, %add3A_741 : vector<16xf32>
      %add3A_745 = arith.addf %add3A_725, %mul3A_744 : vector<16xf32>
      %swap3A_746 = arith.constant 10 : i32
      %swap3A_747 = arith.index_cast %swap3A_746 : i32 to index
      %swap3A_748 = arith.index_cast %mul3A_24 : i32 to index
      %swap3A_749 = tpu.vector_load %arg19[%swap3A_747, %swap3A_748] {strides = array<i32>} : memref<32x512xf32, #tpu.memory_space<vmem>>, vector<16xf32>,
      tpu.vector_store %arg19[%swap3A_747, %swap3A_748], %add3A_741 {strides = array<i32>} : memref<32x512xf32, #tpu.memory_space<vmem>>, vector<16xf32>,
      %get3A_750 = arith.constant 11 : i32
      %get3A_751 = arith.index_cast %get3A_750 : i32 to index
      %get3A_752 = arith.constant 0 : index
      %get3A_753 = tpu.vector_load %arg14[%get3A_751, %get3A_752] {strides = array<i32>} : memref<32x128xf32, #tpu.memory_space<vmem>>, vector<16xf32>,
      %get3A_754 = arith.constant 11 : i32
      %get3A_755 = arith.index_cast %get3A_754 : i32 to index
      %get3A_756 = arith.constant 0 : index
      %get3A_757 = tpu.vector_load %arg15[%get3A_755, %get3A_756] {strides = array<i32>} : memref<32x128xf32, #tpu.memory_space<vmem>>, vector<16xf32>,
      %mul3A_758 = arith.constant 5.000000e-01 : f32
      %mul3A_759 = vector.broadcast %mul3A_758 : f32 to vector<16xf32>
      %mul3A_760 = arith.mulf %mul3A_759, %get3A_753 : vector<16xf32>
      %add3A_761 = arith.addf %mul3A_760, %get3A_757 : vector<16xf32>
      %mul3A_762 = arith.mulf %get3A_757, %get3A_757 : vector<16xf32>
      %add3A_763 = arith.addf %add3A_743, %mul3A_762 : vector<16xf32>
      %mul3A_764 = arith.mulf %add3A_761, %add3A_761 : vector<16xf32>
      %add3A_765 = arith.addf %add3A_745, %mul3A_764 : vector<16xf32>
      %swap3A_766 = arith.constant 11 : i32
      %swap3A_767 = arith.index_cast %swap3A_766 : i32 to index
      %swap3A_768 = arith.index_cast %mul3A_24 : i32 to index
      %swap3A_769 = tpu.vector_load %arg19[%swap3A_767, %swap3A_768] {strides = array<i32>} : memref<32x512xf32, #tpu.memory_space<vmem>>, vector<16xf32>,
      tpu.vector_store %arg19[%swap3A_767, %swap3A_768], %add3A_761 {strides = array<i32>} : memref<32x512xf32, #tpu.memory_space<vmem>>, vector<16xf32>,
      %get3A_770 = arith.constant 12 : i32
      %get3A_771 = arith.index_cast %get3A_770 : i32 to index
      %get3A_772 = arith.constant 0 : index
      %get3A_773 = tpu.vector_load %arg14[%get3A_771, %get3A_772] {strides = array<i32>} : memref<32x128xf32, #tpu.memory_space<vmem>>, vector<16xf32>,
      %get3A_774 = arith.constant 12 : i32
      %get3A_775 = arith.index_cast %get3A_774 : i32 to index
      %get3A_776 = arith.constant 0 : index
      %get3A_777 = tpu.vector_load %arg15[%get3A_775, %get3A_776] {strides = array<i32>} : memref<32x128xf32, #tpu.memory_space<vmem>>, vector<16xf32>,
      %mul3A_778 = arith.constant 5.000000e-01 : f32
      %mul3A_779 = vector.broadcast %mul3A_778 : f32 to vector<16xf32>
      %mul3A_780 = arith.mulf %mul3A_779, %get3A_773 : vector<16xf32>
      %add3A_781 = arith.addf %mul3A_780, %get3A_777 : vector<16xf32>
      %mul3A_782 = arith.mulf %get3A_777, %get3A_777 : vector<16xf32>
      %add3A_783 = arith.addf %add3A_763, %mul3A_782 : vector<16xf32>
      %mul3A_784 = arith.mulf %add3A_781, %add3A_781 : vector<16xf32>
      %add3A_785 = arith.addf %add3A_765, %mul3A_784 : vector<16xf32>
      %swap3A_786 = arith.constant 12 : i32
      %swap3A_787 = arith.index_cast %swap3A_786 : i32 to index
      %swap3A_788 = arith.index_cast %mul3A_24 : i32 to index
      %swap3A_789 = tpu.vector_load %arg19[%swap3A_787, %swap3A_788] {strides = array<i32>} : memref<32x512xf32, #tpu.memory_space<vmem>>, vector<16xf32>,
      tpu.vector_store %arg19[%swap3A_787, %swap3A_788], %add3A_781 {strides = array<i32>} : memref<32x512xf32, #tpu.memory_space<vmem>>, vector<16xf32>,
      %get3A_790 = arith.constant 13 : i32
      %get3A_791 = arith.index_cast %get3A_790 : i32 to index
      %get3A_792 = arith.constant 0 : index
      %get3A_793 = tpu.vector_load %arg14[%get3A_791, %get3A_792] {strides = array<i32>} : memref<32x128xf32, #tpu.memory_space<vmem>>, vector<16xf32>,
      %get3A_794 = arith.constant 13 : i32
      %get3A_795 = arith.index_cast %get3A_794 : i32 to index
      %get3A_796 = arith.constant 0 : index
      %get3A_797 = tpu.vector_load %arg15[%get3A_795, %get3A_796] {strides = array<i32>} : memref<32x128xf32, #tpu.memory_space<vmem>>, vector<16xf32>,
      %mul3A_798 = arith.constant 5.000000e-01 : f32
      %mul3A_799 = vector.broadcast %mul3A_798 : f32 to vector<16xf32>
      %mul3A_800 = arith.mulf %mul3A_799, %get3A_793 : vector<16xf32>
      %add3A_801 = arith.addf %mul3A_800, %get3A_797 : vector<16xf32>
      %mul3A_802 = arith.mulf %get3A_797, %get3A_797 : vector<16xf32>
      %add3A_803 = arith.addf %add3A_783, %mul3A_802 : vector<16xf32>
      %mul3A_804 = arith.mulf %add3A_801, %add3A_801 : vector<16xf32>
      %add3A_805 = arith.addf %add3A_785, %mul3A_804 : vector<16xf32>
      %swap3A_806 = arith.constant 13 : i32
      %swap3A_807 = arith.index_cast %swap3A_806 : i32 to index
      %swap3A_808 = arith.index_cast %mul3A_24 : i32 to index
      %swap3A_809 = tpu.vector_load %arg19[%swap3A_807, %swap3A_808] {strides = array<i32>} : memref<32x512xf32, #tpu.memory_space<vmem>>, vector<16xf32>,
      tpu.vector_store %arg19[%swap3A_807, %swap3A_808], %add3A_801 {strides = array<i32>} : memref<32x512xf32, #tpu.memory_space<vmem>>, vector<16xf32>,
      %get3A_810 = arith.constant 14 : i32
      %get3A_811 = arith.index_cast %get3A_810 : i32 to index
      %get3A_812 = arith.constant 0 : index
      %get3A_813 = tpu.vector_load %arg14[%get3A_811, %get3A_812] {strides = array<i32>} : memref<32x128xf32, #tpu.memory_space<vmem>>, vector<16xf32>,
      %get3A_814 = arith.constant 14 : i32
      %get3A_815 = arith.index_cast %get3A_814 : i32 to index
      %get3A_816 = arith.constant 0 : index
      %get3A_817 = tpu.vector_load %arg15[%get3A_815, %get3A_816] {strides = array<i32>} : memref<32x128xf32, #tpu.memory_space<vmem>>, vector<16xf32>,
      %mul3A_818 = arith.constant 5.000000e-01 : f32
      %mul3A_819 = vector.broadcast %mul3A_818 : f32 to vector<16xf32>
      %mul3A_820 = arith.mulf %mul3A_819, %get3A_813 : vector<16xf32>
      %add3A_821 = arith.addf %mul3A_820, %get3A_817 : vector<16xf32>
      %mul3A_822 = arith.mulf %get3A_817, %get3A_817 : vector<16xf32>
      %add3A_823 = arith.addf %add3A_803, %mul3A_822 : vector<16xf32>
      %mul3A_824 = arith.mulf %add3A_821, %add3A_821 : vector<16xf32>
      %add3A_825 = arith.addf %add3A_805, %mul3A_824 : vector<16xf32>
      %swap3A_826 = arith.constant 14 : i32
      %swap3A_827 = arith.index_cast %swap3A_826 : i32 to index
      %swap3A_828 = arith.index_cast %mul3A_24 : i32 to index
      %swap3A_829 = tpu.vector_load %arg19[%swap3A_827, %swap3A_828] {strides = array<i32>} : memref<32x512xf32, #tpu.memory_space<vmem>>, vector<16xf32>,
      tpu.vector_store %arg19[%swap3A_827, %swap3A_828], %add3A_821 {strides = array<i32>} : memref<32x512xf32, #tpu.memory_space<vmem>>, vector<16xf32>,
      %get3A_830 = arith.constant 15 : i32
      %get3A_831 = arith.index_cast %get3A_830 : i32 to index
      %get3A_832 = arith.constant 0 : index
      %get3A_833 = tpu.vector_load %arg14[%get3A_831, %get3A_832] {strides = array<i32>} : memref<32x128xf32, #tpu.memory_space<vmem>>, vector<16xf32>,
      %get3A_834 = arith.constant 15 : i32
      %get3A_835 = arith.index_cast %get3A_834 : i32 to index
      %get3A_836 = arith.constant 0 : index
      %get3A_837 = tpu.vector_load %arg15[%get3A_835, %get3A_836] {strides = array<i32>} : memref<32x128xf32, #tpu.memory_space<vmem>>, vector<16xf32>,
      %mul3A_838 = arith.constant 5.000000e-01 : f32
      %mul3A_839 = vector.broadcast %mul3A_838 : f32 to vector<16xf32>
      %mul3A_840 = arith.mulf %mul3A_839, %get3A_833 : vector<16xf32>
      %add3A_841 = arith.addf %mul3A_840, %get3A_837 : vector<16xf32>
      %mul3A_842 = arith.mulf %get3A_837, %get3A_837 : vector<16xf32>
      %add3A_843 = arith.addf %add3A_823, %mul3A_842 : vector<16xf32>
      %mul3A_844 = arith.mulf %add3A_841, %add3A_841 : vector<16xf32>
      %add3A_845 = arith.addf %add3A_825, %mul3A_844 : vector<16xf32>
      %swap3A_846 = arith.constant 15 : i32
      %swap3A_847 = arith.index_cast %swap3A_846 : i32 to index
      %swap3A_848 = arith.index_cast %mul3A_24 : i32 to index
      %swap3A_849 = tpu.vector_load %arg19[%swap3A_847, %swap3A_848] {strides = array<i32>} : memref<32x512xf32, #tpu.memory_space<vmem>>, vector<16xf32>,
      tpu.vector_store %arg19[%swap3A_847, %swap3A_848], %add3A_841 {strides = array<i32>} : memref<32x512xf32, #tpu.memory_space<vmem>>, vector<16xf32>,
      %get3A_850 = arith.constant 16 : i32
      %get3A_851 = arith.index_cast %get3A_850 : i32 to index
      %get3A_852 = arith.constant 0 : index
      %get3A_853 = tpu.vector_load %arg14[%get3A_851, %get3A_852] {strides = array<i32>} : memref<32x128xf32, #tpu.memory_space<vmem>>, vector<16xf32>,
      %get3A_854 = arith.constant 16 : i32
      %get3A_855 = arith.index_cast %get3A_854 : i32 to index
      %get3A_856 = arith.constant 0 : index
      %get3A_857 = tpu.vector_load %arg15[%get3A_855, %get3A_856] {strides = array<i32>} : memref<32x128xf32, #tpu.memory_space<vmem>>, vector<16xf32>,
      %mul3A_858 = arith.constant 5.000000e-01 : f32
      %mul3A_859 = vector.broadcast %mul3A_858 : f32 to vector<16xf32>
      %mul3A_860 = arith.mulf %mul3A_859, %get3A_853 : vector<16xf32>
      %add3A_861 = arith.addf %mul3A_860, %get3A_857 : vector<16xf32>
      %mul3A_862 = arith.mulf %get3A_857, %get3A_857 : vector<16xf32>
      %add3A_863 = arith.addf %add3A_843, %mul3A_862 : vector<16xf32>
      %mul3A_864 = arith.mulf %add3A_861, %add3A_861 : vector<16xf32>
      %add3A_865 = arith.addf %add3A_845, %mul3A_864 : vector<16xf32>
      %swap3A_866 = arith.constant 16 : i32
      %swap3A_867 = arith.index_cast %swap3A_866 : i32 to index
      %swap3A_868 = arith.index_cast %mul3A_24 : i32 to index
      %swap3A_869 = tpu.vector_load %arg19[%swap3A_867, %swap3A_868] {strides = array<i32>} : memref<32x512xf32, #tpu.memory_space<vmem>>, vector<16xf32>,
      tpu.vector_store %arg19[%swap3A_867, %swap3A_868], %add3A_861 {strides = array<i32>} : memref<32x512xf32, #tpu.memory_space<vmem>>, vector<16xf32>,
      %get3A_870 = arith.constant 17 : i32
      %get3A_871 = arith.index_cast %get3A_870 : i32 to index
      %get3A_872 = arith.constant 0 : index
      %get3A_873 = tpu.vector_load %arg14[%get3A_871, %get3A_872] {strides = array<i32>} : memref<32x128xf32, #tpu.memory_space<vmem>>, vector<16xf32>,
      %get3A_874 = arith.constant 17 : i32
      %get3A_875 = arith.index_cast %get3A_874 : i32 to index
      %get3A_876 = arith.constant 0 : index
      %get3A_877 = tpu.vector_load %arg15[%get3A_875, %get3A_876] {strides = array<i32>} : memref<32x128xf32, #tpu.memory_space<vmem>>, vector<16xf32>,
      %mul3A_878 = arith.constant 5.000000e-01 : f32
      %mul3A_879 = vector.broadcast %mul3A_878 : f32 to vector<16xf32>
      %mul3A_880 = arith.mulf %mul3A_879, %get3A_873 : vector<16xf32>
      %add3A_881 = arith.addf %mul3A_880, %get3A_877 : vector<16xf32>
      %mul3A_882 = arith.mulf %get3A_877, %get3A_877 : vector<16xf32>
      %add3A_883 = arith.addf %add3A_863, %mul3A_882 : vector<16xf32>
      %mul3A_884 = arith.mulf %add3A_881, %add3A_881 : vector<16xf32>
      %add3A_885 = arith.addf %add3A_865, %mul3A_884 : vector<16xf32>
      %swap3A_886 = arith.constant 17 : i32
      %swap3A_887 = arith.index_cast %swap3A_886 : i32 to index
      %swap3A_888 = arith.index_cast %mul3A_24 : i32 to index
      %swap3A_889 = tpu.vector_load %arg19[%swap3A_887, %swap3A_888] {strides = array<i32>} : memref<32x512xf32, #tpu.memory_space<vmem>>, vector<16xf32>,
      tpu.vector_store %arg19[%swap3A_887, %swap3A_888], %add3A_881 {strides = array<i32>} : memref<32x512xf32, #tpu.memory_space<vmem>>, vector<16xf32>,
      %get3A_890 = arith.constant 18 : i32
      %get3A_891 = arith.index_cast %get3A_890 : i32 to index
      %get3A_892 = arith.constant 0 : index
      %get3A_893 = tpu.vector_load %arg14[%get3A_891, %get3A_892] {strides = array<i32>} : memref<32x128xf32, #tpu.memory_space<vmem>>, vector<16xf32>,
      %get3A_894 = arith.constant 18 : i32
      %get3A_895 = arith.index_cast %get3A_894 : i32 to index
      %get3A_896 = arith.constant 0 : index
      %get3A_897 = tpu.vector_load %arg15[%get3A_895, %get3A_896] {strides = array<i32>} : memref<32x128xf32, #tpu.memory_space<vmem>>, vector<16xf32>,
      %mul3A_898 = arith.constant 5.000000e-01 : f32
      %mul3A_899 = vector.broadcast %mul3A_898 : f32 to vector<16xf32>
      %mul3A_900 = arith.mulf %mul3A_899, %get3A_893 : vector<16xf32>
      %add3A_901 = arith.addf %mul3A_900, %get3A_897 : vector<16xf32>
      %mul3A_902 = arith.mulf %get3A_897, %get3A_897 : vector<16xf32>
      %add3A_903 = arith.addf %add3A_883, %mul3A_902 : vector<16xf32>
      %mul3A_904 = arith.mulf %add3A_901, %add3A_901 : vector<16xf32>
      %add3A_905 = arith.addf %add3A_885, %mul3A_904 : vector<16xf32>
      %swap3A_906 = arith.constant 18 : i32
      %swap3A_907 = arith.index_cast %swap3A_906 : i32 to index
      %swap3A_908 = arith.index_cast %mul3A_24 : i32 to index
      %swap3A_909 = tpu.vector_load %arg19[%swap3A_907, %swap3A_908] {strides = array<i32>} : memref<32x512xf32, #tpu.memory_space<vmem>>, vector<16xf32>,
      tpu.vector_store %arg19[%swap3A_907, %swap3A_908], %add3A_901 {strides = array<i32>} : memref<32x512xf32, #tpu.memory_space<vmem>>, vector<16xf32>,
      %get3A_910 = arith.constant 19 : i32
      %get3A_911 = arith.index_cast %get3A_910 : i32 to index
      %get3A_912 = arith.constant 0 : index
      %get3A_913 = tpu.vector_load %arg14[%get3A_911, %get3A_912] {strides = array<i32>} : memref<32x128xf32, #tpu.memory_space<vmem>>, vector<16xf32>,
      %get3A_914 = arith.constant 19 : i32
      %get3A_915 = arith.index_cast %get3A_914 : i32 to index
      %get3A_916 = arith.constant 0 : index
      %get3A_917 = tpu.vector_load %arg15[%get3A_915, %get3A_916] {strides = array<i32>} : memref<32x128xf32, #tpu.memory_space<vmem>>, vector<16xf32>,
      %mul3A_918 = arith.constant 5.000000e-01 : f32
      %mul3A_919 = vector.broadcast %mul3A_918 : f32 to vector<16xf32>
      %mul3A_920 = arith.mulf %mul3A_919, %get3A_913 : vector<16xf32>
      %add3A_921 = arith.addf %mul3A_920, %get3A_917 : vector<16xf32>
      %mul3A_922 = arith.mulf %get3A_917, %get3A_917 : vector<16xf32>
      %add3A_923 = arith.addf %add3A_903, %mul3A_922 : vector<16xf32>
      %mul3A_924 = arith.mulf %add3A_921, %add3A_921 : vector<16xf32>
      %add3A_925 = arith.addf %add3A_905, %mul3A_924 : vector<16xf32>
      %swap3A_926 = arith.constant 19 : i32
      %swap3A_927 = arith.index_cast %swap3A_926 : i32 to index
      %swap3A_928 = arith.index_cast %mul3A_24 : i32 to index
      %swap3A_929 = tpu.vector_load %arg19[%swap3A_927, %swap3A_928] {strides = array<i32>} : memref<32x512xf32, #tpu.memory_space<vmem>>, vector<16xf32>,
      tpu.vector_store %arg19[%swap3A_927, %swap3A_928], %add3A_921 {strides = array<i32>} : memref<32x512xf32, #tpu.memory_space<vmem>>, vector<16xf32>,
      %get3A_930 = arith.constant 20 : i32
      %get3A_931 = arith.index_cast %get3A_930 : i32 to index
      %get3A_932 = arith.constant 0 : index
      %get3A_933 = tpu.vector_load %arg14[%get3A_931, %get3A_932] {strides = array<i32>} : memref<32x128xf32, #tpu.memory_space<vmem>>, vector<16xf32>,
      %get3A_934 = arith.constant 20 : i32
      %get3A_935 = arith.index_cast %get3A_934 : i32 to index
      %get3A_936 = arith.constant 0 : index
      %get3A_937 = tpu.vector_load %arg15[%get3A_935, %get3A_936] {strides = array<i32>} : memref<32x128xf32, #tpu.memory_space<vmem>>, vector<16xf32>,
      %mul3A_938 = arith.constant 5.000000e-01 : f32
      %mul3A_939 = vector.broadcast %mul3A_938 : f32 to vector<16xf32>
      %mul3A_940 = arith.mulf %mul3A_939, %get3A_933 : vector<16xf32>
      %add3A_941 = arith.addf %mul3A_940, %get3A_937 : vector<16xf32>
      %mul3A_942 = arith.mulf %get3A_937, %get3A_937 : vector<16xf32>
      %add3A_943 = arith.addf %add3A_923, %mul3A_942 : vector<16xf32>
      %mul3A_944 = arith.mulf %add3A_941, %add3A_941 : vector<16xf32>
      %add3A_945 = arith.addf %add3A_925, %mul3A_944 : vector<16xf32>
      %swap3A_946 = arith.constant 20 : i32
      %swap3A_947 = arith.index_cast %swap3A_946 : i32 to index
      %swap3A_948 = arith.index_cast %mul3A_24 : i32 to index
      %swap3A_949 = tpu.vector_load %arg19[%swap3A_947, %swap3A_948] {strides = array<i32>} : memref<32x512xf32, #tpu.memory_space<vmem>>, vector<16xf32>,
      tpu.vector_store %arg19[%swap3A_947, %swap3A_948], %add3A_941 {strides = array<i32>} : memref<32x512xf32, #tpu.memory_space<vmem>>, vector<16xf32>,
      %get3A_950 = arith.constant 21 : i32
      %get3A_951 = arith.index_cast %get3A_950 : i32 to index
      %get3A_952 = arith.constant 0 : index
      %get3A_953 = tpu.vector_load %arg14[%get3A_951, %get3A_952] {strides = array<i32>} : memref<32x128xf32, #tpu.memory_space<vmem>>, vector<16xf32>,
      %get3A_954 = arith.constant 21 : i32
      %get3A_955 = arith.index_cast %get3A_954 : i32 to index
      %get3A_956 = arith.constant 0 : index
      %get3A_957 = tpu.vector_load %arg15[%get3A_955, %get3A_956] {strides = array<i32>} : memref<32x128xf32, #tpu.memory_space<vmem>>, vector<16xf32>,
      %mul3A_958 = arith.constant 5.000000e-01 : f32
      %mul3A_959 = vector.broadcast %mul3A_958 : f32 to vector<16xf32>
      %mul3A_960 = arith.mulf %mul3A_959, %get3A_953 : vector<16xf32>
      %add3A_961 = arith.addf %mul3A_960, %get3A_957 : vector<16xf32>
      %mul3A_962 = arith.mulf %get3A_957, %get3A_957 : vector<16xf32>
      %add3A_963 = arith.addf %add3A_943, %mul3A_962 : vector<16xf32>
      %mul3A_964 = arith.mulf %add3A_961, %add3A_961 : vector<16xf32>
      %add3A_965 = arith.addf %add3A_945, %mul3A_964 : vector<16xf32>
      %swap3A_966 = arith.constant 21 : i32
      %swap3A_967 = arith.index_cast %swap3A_966 : i32 to index
      %swap3A_968 = arith.index_cast %mul3A_24 : i32 to index
      %swap3A_969 = tpu.vector_load %arg19[%swap3A_967, %swap3A_968] {strides = array<i32>} : memref<32x512xf32, #tpu.memory_space<vmem>>, vector<16xf32>,
      tpu.vector_store %arg19[%swap3A_967, %swap3A_968], %add3A_961 {strides = array<i32>} : memref<32x512xf32, #tpu.memory_space<vmem>>, vector<16xf32>,
      %get3A_970 = arith.constant 22 : i32
      %get3A_971 = arith.index_cast %get3A_970 : i32 to index
      %get3A_972 = arith.constant 0 : index
      %get3A_973 = tpu.vector_load %arg14[%get3A_971, %get3A_972] {strides = array<i32>} : memref<32x128xf32, #tpu.memory_space<vmem>>, vector<16xf32>,
      %get3A_974 = arith.constant 22 : i32
      %get3A_975 = arith.index_cast %get3A_974 : i32 to index
      %get3A_976 = arith.constant 0 : index
      %get3A_977 = tpu.vector_load %arg15[%get3A_975, %get3A_976] {strides = array<i32>} : memref<32x128xf32, #tpu.memory_space<vmem>>, vector<16xf32>,
      %mul3A_978 = arith.constant 5.000000e-01 : f32
      %mul3A_979 = vector.broadcast %mul3A_978 : f32 to vector<16xf32>
      %mul3A_980 = arith.mulf %mul3A_979, %get3A_973 : vector<16xf32>
      %add3A_981 = arith.addf %mul3A_980, %get3A_977 : vector<16xf32>
      %mul3A_982 = arith.mulf %get3A_977, %get3A_977 : vector<16xf32>
      %add3A_983 = arith.addf %add3A_963, %mul3A_982 : vector<16xf32>
      %mul3A_984 = arith.mulf %add3A_981, %add3A_981 : vector<16xf32>
      %add3A_985 = arith.addf %add3A_965, %mul3A_984 : vector<16xf32>
      %swap3A_986 = arith.constant 22 : i32
      %swap3A_987 = arith.index_cast %swap3A_986 : i32 to index
      %swap3A_988 = arith.index_cast %mul3A_24 : i32 to index
      %swap3A_989 = tpu.vector_load %arg19[%swap3A_987, %swap3A_988] {strides = array<i32>} : memref<32x512xf32, #tpu.memory_space<vmem>>, vector<16xf32>,
      tpu.vector_store %arg19[%swap3A_987, %swap3A_988], %add3A_981 {strides = array<i32>} : memref<32x512xf32, #tpu.memory_space<vmem>>, vector<16xf32>,
      %get3A_990 = arith.constant 23 : i32
      %get3A_991 = arith.index_cast %get3A_990 : i32 to index
      %get3A_992 = arith.constant 0 : index
      %get3A_993 = tpu.vector_load %arg14[%get3A_991, %get3A_992] {strides = array<i32>} : memref<32x128xf32, #tpu.memory_space<vmem>>, vector<16xf32>,
      %get3A_994 = arith.constant 23 : i32
      %get3A_995 = arith.index_cast %get3A_994 : i32 to index
      %get3A_996 = arith.constant 0 : index
      %get3A_997 = tpu.vector_load %arg15[%get3A_995, %get3A_996] {strides = array<i32>} : memref<32x128xf32, #tpu.memory_space<vmem>>, vector<16xf32>,
      %mul3A_998 = arith.constant 5.000000e-01 : f32
      %mul3A_999 = vector.broadcast %mul3A_998 : f32 to vector<16xf32>
      %mul3A_1000 = arith.mulf %mul3A_999, %get3A_993 : vector<16xf32>
      %add3A_1001 = arith.addf %mul3A_1000, %get3A_997 : vector<16xf32>
      %mul3A_1002 = arith.mulf %get3A_997, %get3A_997 : vector<16xf32>
      %add3A_1003 = arith.addf %add3A_983, %mul3A_1002 : vector<16xf32>
      %mul3A_1004 = arith.mulf %add3A_1001, %add3A_1001 : vector<16xf32>
      %add3A_1005 = arith.addf %add3A_985, %mul3A_1004 : vector<16xf32>
      %swap3A_1006 = arith.constant 23 : i32
      %swap3A_1007 = arith.index_cast %swap3A_1006 : i32 to index
      %swap3A_1008 = arith.index_cast %mul3A_24 : i32 to index
      %swap3A_1009 = tpu.vector_load %arg19[%swap3A_1007, %swap3A_1008] {strides = array<i32>} : memref<32x512xf32, #tpu.memory_space<vmem>>, vector<16xf32>,
      tpu.vector_store %arg19[%swap3A_1007, %swap3A_1008], %add3A_1001 {strides = array<i32>} : memref<32x512xf32, #tpu.memory_space<vmem>>, vector<16xf32>,
      %get3A_1010 = arith.constant 24 : i32
      %get3A_1011 = arith.index_cast %get3A_1010 : i32 to index
      %get3A_1012 = arith.constant 0 : index
      %get3A_1013 = tpu.vector_load %arg14[%get3A_1011, %get3A_1012] {strides = array<i32>} : memref<32x128xf32, #tpu.memory_space<vmem>>, vector<16xf32>,
      %get3A_1014 = arith.constant 24 : i32
      %get3A_1015 = arith.index_cast %get3A_1014 : i32 to index
      %get3A_1016 = arith.constant 0 : index
      %get3A_1017 = tpu.vector_load %arg15[%get3A_1015, %get3A_1016] {strides = array<i32>} : memref<32x128xf32, #tpu.memory_space<vmem>>, vector<16xf32>,
      %mul3A_1018 = arith.constant 5.000000e-01 : f32
      %mul3A_1019 = vector.broadcast %mul3A_1018 : f32 to vector<16xf32>
      %mul3A_1020 = arith.mulf %mul3A_1019, %get3A_1013 : vector<16xf32>
      %add3A_1021 = arith.addf %mul3A_1020, %get3A_1017 : vector<16xf32>
      %mul3A_1022 = arith.mulf %get3A_1017, %get3A_1017 : vector<16xf32>
      %add3A_1023 = arith.addf %add3A_1003, %mul3A_1022 : vector<16xf32>
      %mul3A_1024 = arith.mulf %add3A_1021, %add3A_1021 : vector<16xf32>
      %add3A_1025 = arith.addf %add3A_1005, %mul3A_1024 : vector<16xf32>
      %swap3A_1026 = arith.constant 24 : i32
      %swap3A_1027 = arith.index_cast %swap3A_1026 : i32 to index
      %swap3A_1028 = arith.index_cast %mul3A_24 : i32 to index
      %swap3A_1029 = tpu.vector_load %arg19[%swap3A_1027, %swap3A_1028] {strides = array<i32>} : memref<32x512xf32, #tpu.memory_space<vmem>>, vector<16xf32>,
      tpu.vector_store %arg19[%swap3A_1027, %swap3A_1028], %add3A_1021 {strides = array<i32>} : memref<32x512xf32, #tpu.memory_space<vmem>>, vector<16xf32>,
      %get3A_1030 = arith.constant 25 : i32
      %get3A_1031 = arith.index_cast %get3A_1030 : i32 to index
      %get3A_1032 = arith.constant 0 : index
      %get3A_1033 = tpu.vector_load %arg14[%get3A_1031, %get3A_1032] {strides = array<i32>} : memref<32x128xf32, #tpu.memory_space<vmem>>, vector<16xf32>,
      %get3A_1034 = arith.constant 25 : i32
      %get3A_1035 = arith.index_cast %get3A_1034 : i32 to index
      %get3A_1036 = arith.constant 0 : index
      %get3A_1037 = tpu.vector_load %arg15[%get3A_1035, %get3A_1036] {strides = array<i32>} : memref<32x128xf32, #tpu.memory_space<vmem>>, vector<16xf32>,
      %mul3A_1038 = arith.constant 5.000000e-01 : f32
      %mul3A_1039 = vector.broadcast %mul3A_1038 : f32 to vector<16xf32>
      %mul3A_1040 = arith.mulf %mul3A_1039, %get3A_1033 : vector<16xf32>
      %add3A_1041 = arith.addf %mul3A_1040, %get3A_1037 : vector<16xf32>
      %mul3A_1042 = arith.mulf %get3A_1037, %get3A_1037 : vector<16xf32>
      %add3A_1043 = arith.addf %add3A_1023, %mul3A_1042 : vector<16xf32>
      %mul3A_1044 = arith.mulf %add3A_1041, %add3A_1041 : vector<16xf32>
      %add3A_1045 = arith.addf %add3A_1025, %mul3A_1044 : vector<16xf32>
      %swap3A_1046 = arith.constant 25 : i32
      %swap3A_1047 = arith.index_cast %swap3A_1046 : i32 to index
      %swap3A_1048 = arith.index_cast %mul3A_24 : i32 to index
      %swap3A_1049 = tpu.vector_load %arg19[%swap3A_1047, %swap3A_1048] {strides = array<i32>} : memref<32x512xf32, #tpu.memory_space<vmem>>, vector<16xf32>,
      tpu.vector_store %arg19[%swap3A_1047, %swap3A_1048], %add3A_1041 {strides = array<i32>} : memref<32x512xf32, #tpu.memory_space<vmem>>, vector<16xf32>,
      %get3A_1050 = arith.constant 26 : i32
      %get3A_1051 = arith.index_cast %get3A_1050 : i32 to index
      %get3A_1052 = arith.constant 0 : index
      %get3A_1053 = tpu.vector_load %arg14[%get3A_1051, %get3A_1052] {strides = array<i32>} : memref<32x128xf32, #tpu.memory_space<vmem>>, vector<16xf32>,
      %get3A_1054 = arith.constant 26 : i32
      %get3A_1055 = arith.index_cast %get3A_1054 : i32 to index
      %get3A_1056 = arith.constant 0 : index
      %get3A_1057 = tpu.vector_load %arg15[%get3A_1055, %get3A_1056] {strides = array<i32>} : memref<32x128xf32, #tpu.memory_space<vmem>>, vector<16xf32>,
      %mul3A_1058 = arith.constant 5.000000e-01 : f32
      %mul3A_1059 = vector.broadcast %mul3A_1058 : f32 to vector<16xf32>
      %mul3A_1060 = arith.mulf %mul3A_1059, %get3A_1053 : vector<16xf32>
      %add3A_1061 = arith.addf %mul3A_1060, %get3A_1057 : vector<16xf32>
      %mul3A_1062 = arith.mulf %get3A_1057, %get3A_1057 : vector<16xf32>
      %add3A_1063 = arith.addf %add3A_1043, %mul3A_1062 : vector<16xf32>
      %mul3A_1064 = arith.mulf %add3A_1061, %add3A_1061 : vector<16xf32>
      %add3A_1065 = arith.addf %add3A_1045, %mul3A_1064 : vector<16xf32>
      %swap3A_1066 = arith.constant 26 : i32
      %swap3A_1067 = arith.index_cast %swap3A_1066 : i32 to index
      %swap3A_1068 = arith.index_cast %mul3A_24 : i32 to index
      %swap3A_1069 = tpu.vector_load %arg19[%swap3A_1067, %swap3A_1068] {strides = array<i32>} : memref<32x512xf32, #tpu.memory_space<vmem>>, vector<16xf32>,
      tpu.vector_store %arg19[%swap3A_1067, %swap3A_1068], %add3A_1061 {strides = array<i32>} : memref<32x512xf32, #tpu.memory_space<vmem>>, vector<16xf32>,
      %get3A_1070 = arith.constant 27 : i32
      %get3A_1071 = arith.index_cast %get3A_1070 : i32 to index
      %get3A_1072 = arith.constant 0 : index
      %get3A_1073 = tpu.vector_load %arg14[%get3A_1071, %get3A_1072] {strides = array<i32>} : memref<32x128xf32, #tpu.memory_space<vmem>>, vector<16xf32>,
      %get3A_1074 = arith.constant 27 : i32
      %get3A_1075 = arith.index_cast %get3A_1074 : i32 to index
      %get3A_1076 = arith.constant 0 : index
      %get3A_1077 = tpu.vector_load %arg15[%get3A_1075, %get3A_1076] {strides = array<i32>} : memref<32x128xf32, #tpu.memory_space<vmem>>, vector<16xf32>,
      %mul3A_1078 = arith.constant 5.000000e-01 : f32
      %mul3A_1079 = vector.broadcast %mul3A_1078 : f32 to vector<16xf32>
      %mul3A_1080 = arith.mulf %mul3A_1079, %get3A_1073 : vector<16xf32>
      %add3A_1081 = arith.addf %mul3A_1080, %get3A_1077 : vector<16xf32>
      %mul3A_1082 = arith.mulf %get3A_1077, %get3A_1077 : vector<16xf32>
      %add3A_1083 = arith.addf %add3A_1063, %mul3A_1082 : vector<16xf32>
      %mul3A_1084 = arith.mulf %add3A_1081, %add3A_1081 : vector<16xf32>
      %add3A_1085 = arith.addf %add3A_1065, %mul3A_1084 : vector<16xf32>
      %swap3A_1086 = arith.constant 27 : i32
      %swap3A_1087 = arith.index_cast %swap3A_1086 : i32 to index
      %swap3A_1088 = arith.index_cast %mul3A_24 : i32 to index
      %swap3A_1089 = tpu.vector_load %arg19[%swap3A_1087, %swap3A_1088] {strides = array<i32>} : memref<32x512xf32, #tpu.memory_space<vmem>>, vector<16xf32>,
      tpu.vector_store %arg19[%swap3A_1087, %swap3A_1088], %add3A_1081 {strides = array<i32>} : memref<32x512xf32, #tpu.memory_space<vmem>>, vector<16xf32>,
      %get3A_1090 = arith.constant 28 : i32
      %get3A_1091 = arith.index_cast %get3A_1090 : i32 to index
      %get3A_1092 = arith.constant 0 : index
      %get3A_1093 = tpu.vector_load %arg14[%get3A_1091, %get3A_1092] {strides = array<i32>} : memref<32x128xf32, #tpu.memory_space<vmem>>, vector<16xf32>,
      %get3A_1094 = arith.constant 28 : i32
      %get3A_1095 = arith.index_cast %get3A_1094 : i32 to index
      %get3A_1096 = arith.constant 0 : index
      %get3A_1097 = tpu.vector_load %arg15[%get3A_1095, %get3A_1096] {strides = array<i32>} : memref<32x128xf32, #tpu.memory_space<vmem>>, vector<16xf32>,
      %mul3A_1098 = arith.constant 5.000000e-01 : f32
      %mul3A_1099 = vector.broadcast %mul3A_1098 : f32 to vector<16xf32>
      %mul3A_1100 = arith.mulf %mul3A_1099, %get3A_1093 : vector<16xf32>
      %add3A_1101 = arith.addf %mul3A_1100, %get3A_1097 : vector<16xf32>
      %mul3A_1102 = arith.mulf %get3A_1097, %get3A_1097 : vector<16xf32>
      %add3A_1103 = arith.addf %add3A_1083, %mul3A_1102 : vector<16xf32>
      %mul3A_1104 = arith.mulf %add3A_1101, %add3A_1101 : vector<16xf32>
      %add3A_1105 = arith.addf %add3A_1085, %mul3A_1104 : vector<16xf32>
      %swap3A_1106 = arith.constant 28 : i32
      %swap3A_1107 = arith.index_cast %swap3A_1106 : i32 to index
      %swap3A_1108 = arith.index_cast %mul3A_24 : i32 to index
      %swap3A_1109 = tpu.vector_load %arg19[%swap3A_1107, %swap3A_1108] {strides = array<i32>} : memref<32x512xf32, #tpu.memory_space<vmem>>, vector<16xf32>,
      tpu.vector_store %arg19[%swap3A_1107, %swap3A_1108], %add3A_1101 {strides = array<i32>} : memref<32x512xf32, #tpu.memory_space<vmem>>, vector<16xf32>,
      %get3A_1110 = arith.constant 29 : i32
      %get3A_1111 = arith.index_cast %get3A_1110 : i32 to index
      %get3A_1112 = arith.constant 0 : index
      %get3A_1113 = tpu.vector_load %arg14[%get3A_1111, %get3A_1112] {strides = array<i32>} : memref<32x128xf32, #tpu.memory_space<vmem>>, vector<16xf32>,
      %get3A_1114 = arith.constant 29 : i32
      %get3A_1115 = arith.index_cast %get3A_1114 : i32 to index
      %get3A_1116 = arith.constant 0 : index
      %get3A_1117 = tpu.vector_load %arg15[%get3A_1115, %get3A_1116] {strides = array<i32>} : memref<32x128xf32, #tpu.memory_space<vmem>>, vector<16xf32>,
      %mul3A_1118 = arith.constant 5.000000e-01 : f32
      %mul3A_1119 = vector.broadcast %mul3A_1118 : f32 to vector<16xf32>
      %mul3A_1120 = arith.mulf %mul3A_1119, %get3A_1113 : vector<16xf32>
      %add3A_1121 = arith.addf %mul3A_1120, %get3A_1117 : vector<16xf32>
      %mul3A_1122 = arith.mulf %get3A_1117, %get3A_1117 : vector<16xf32>
      %add3A_1123 = arith.addf %add3A_1103, %mul3A_1122 : vector<16xf32>
      %mul3A_1124 = arith.mulf %add3A_1121, %add3A_1121 : vector<16xf32>
      %add3A_1125 = arith.addf %add3A_1105, %mul3A_1124 : vector<16xf32>
      %swap3A_1126 = arith.constant 29 : i32
      %swap3A_1127 = arith.index_cast %swap3A_1126 : i32 to index
      %swap3A_1128 = arith.index_cast %mul3A_24 : i32 to index
      %swap3A_1129 = tpu.vector_load %arg19[%swap3A_1127, %swap3A_1128] {strides = array<i32>} : memref<32x512xf32, #tpu.memory_space<vmem>>, vector<16xf32>,
      tpu.vector_store %arg19[%swap3A_1127, %swap3A_1128], %add3A_1121 {strides = array<i32>} : memref<32x512xf32, #tpu.memory_space<vmem>>, vector<16xf32>,
      %get3A_1130 = arith.constant 30 : i32
      %get3A_1131 = arith.index_cast %get3A_1130 : i32 to index
      %get3A_1132 = arith.constant 0 : index
      %get3A_1133 = tpu.vector_load %arg14[%get3A_1131, %get3A_1132] {strides = array<i32>} : memref<32x128xf32, #tpu.memory_space<vmem>>, vector<16xf32>,
      %get3A_1134 = arith.constant 30 : i32
      %get3A_1135 = arith.index_cast %get3A_1134 : i32 to index
      %get3A_1136 = arith.constant 0 : index
      %get3A_1137 = tpu.vector_load %arg15[%get3A_1135, %get3A_1136] {strides = array<i32>} : memref<32x128xf32, #tpu.memory_space<vmem>>, vector<16xf32>,
      %mul3A_1138 = arith.constant 5.000000e-01 : f32
      %mul3A_1139 = vector.broadcast %mul3A_1138 : f32 to vector<16xf32>
      %mul3A_1140 = arith.mulf %mul3A_1139, %get3A_1133 : vector<16xf32>
      %add3A_1141 = arith.addf %mul3A_1140, %get3A_1137 : vector<16xf32>
      %mul3A_1142 = arith.mulf %get3A_1137, %get3A_1137 : vector<16xf32>
      %add3A_1143 = arith.addf %add3A_1123, %mul3A_1142 : vector<16xf32>
      %mul3A_1144 = arith.mulf %add3A_1141, %add3A_1141 : vector<16xf32>
      %add3A_1145 = arith.addf %add3A_1125, %mul3A_1144 : vector<16xf32>
      %swap3A_1146 = arith.constant 30 : i32
      %swap3A_1147 = arith.index_cast %swap3A_1146 : i32 to index
      %swap3A_1148 = arith.index_cast %mul3A_24 : i32 to index
      %swap3A_1149 = tpu.vector_load %arg19[%swap3A_1147, %swap3A_1148] {strides = array<i32>} : memref<32x512xf32, #tpu.memory_space<vmem>>, vector<16xf32>,
      tpu.vector_store %arg19[%swap3A_1147, %swap3A_1148], %add3A_1141 {strides = array<i32>} : memref<32x512xf32, #tpu.memory_space<vmem>>, vector<16xf32>,
      %get3A_1150 = arith.constant 31 : i32
      %get3A_1151 = arith.index_cast %get3A_1150 : i32 to index
      %get3A_1152 = arith.constant 0 : index
      %get3A_1153 = tpu.vector_load %arg14[%get3A_1151, %get3A_1152] {strides = array<i32>} : memref<32x128xf32, #tpu.memory_space<vmem>>, vector<16xf32>,
      %get3A_1154 = arith.constant 31 : i32
      %get3A_1155 = arith.index_cast %get3A_1154 : i32 to index
      %get3A_1156 = arith.constant 0 : index
      %get3A_1157 = tpu.vector_load %arg15[%get3A_1155, %get3A_1156] {strides = array<i32>} : memref<32x128xf32, #tpu.memory_space<vmem>>, vector<16xf32>,
      %mul3A_1158 = arith.constant 5.000000e-01 : f32
      %mul3A_1159 = vector.broadcast %mul3A_1158 : f32 to vector<16xf32>
      %mul3A_1160 = arith.mulf %mul3A_1159, %get3A_1153 : vector<16xf32>
      %add3A_1161 = arith.addf %mul3A_1160, %get3A_1157 : vector<16xf32>
      %mul3A_1162 = arith.mulf %get3A_1157, %get3A_1157 : vector<16xf32>
      %add3A_1163 = arith.addf %add3A_1143, %mul3A_1162 : vector<16xf32>
      %mul3A_1164 = arith.mulf %add3A_1161, %add3A_1161 : vector<16xf32>
      %add3A_1165 = arith.addf %add3A_1145, %mul3A_1164 : vector<16xf32>
      %swap3A_1166 = arith.constant 31 : i32
      %swap3A_1167 = arith.index_cast %swap3A_1166 : i32 to index
      %swap3A_1168 = arith.index_cast %mul3A_24 : i32 to index
      %swap3A_1169 = tpu.vector_load %arg19[%swap3A_1167, %swap3A_1168] {strides = array<i32>} : memref<32x512xf32, #tpu.memory_space<vmem>>, vector<16xf32>,
      tpu.vector_store %arg19[%swap3A_1167, %swap3A_1168], %add3A_1161 {strides = array<i32>} : memref<32x512xf32, #tpu.memory_space<vmem>>, vector<16xf32>,
      %max3A = arith.constant 1.000000e-30 : f32
      %max3A_1170 = vector.broadcast %max3A : f32 to vector<16xf32>
      %max3A_1171 = arith.maximumf %add3A_1163, %max3A_1170 : vector<16xf32>
      %bitcast3A = vector.bitcast %max3A_1171 : vector<16xf32> to vector<16xi32>
      %shift_right_arithmetic3A_1172 = arith.constant 1 : i32
      %shift_right_arithmetic3A_1173 = vector.broadcast %shift_right_arithmetic3A_1172 : i32 to vector<16xi32>
      %shift_right_arithmetic3A_1174 = arith.shrsi %bitcast3A, %shift_right_arithmetic3A_1173 : vector<16xi32>
      %sub3A = arith.constant 1597463007 : i32
      %sub3A_1175 = vector.broadcast %sub3A : i32 to vector<16xi32>
      %sub3A_1176 = arith.subi %sub3A_1175, %shift_right_arithmetic3A_1174 : vector<16xi32>
      %bitcast3A_1177 = vector.bitcast %sub3A_1176 : vector<16xi32> to vector<16xf32>
      %mul3A_1178 = arith.constant 5.000000e-01 : f32
      %mul3A_1179 = vector.broadcast %mul3A_1178 : f32 to vector<16xf32>
      %mul3A_1180 = arith.mulf %mul3A_1179, %max3A_1171 : vector<16xf32>
      %mul3A_1181 = arith.mulf %mul3A_1180, %bitcast3A_1177 : vector<16xf32>
      %mul3A_1182 = arith.mulf %mul3A_1181, %bitcast3A_1177 : vector<16xf32>
      %sub3A_1183 = arith.constant 1.500000e+00 : f32
      %sub3A_1184 = vector.broadcast %sub3A_1183 : f32 to vector<16xf32>
      %sub3A_1185 = arith.subf %sub3A_1184, %mul3A_1182 : vector<16xf32>
      %mul3A_1186 = arith.mulf %bitcast3A_1177, %sub3A_1185 : vector<16xf32>
      %mul3A_1187 = arith.mulf %mul3A_1180, %mul3A_1186 : vector<16xf32>
      %mul3A_1188 = arith.mulf %mul3A_1187, %mul3A_1186 : vector<16xf32>
      %sub3A_1189 = arith.constant 1.500000e+00 : f32
      %sub3A_1190 = vector.broadcast %sub3A_1189 : f32 to vector<16xf32>
      %sub3A_1191 = arith.subf %sub3A_1190, %mul3A_1188 : vector<16xf32>
      %mul3A_1192 = arith.mulf %mul3A_1186, %sub3A_1191 : vector<16xf32>
      %mul3A_1193 = arith.mulf %mul3A_1180, %mul3A_1192 : vector<16xf32>
      %mul3A_1194 = arith.mulf %mul3A_1193, %mul3A_1192 : vector<16xf32>
      %sub3A_1195 = arith.constant 1.500000e+00 : f32
      %sub3A_1196 = vector.broadcast %sub3A_1195 : f32 to vector<16xf32>
      %sub3A_1197 = arith.subf %sub3A_1196, %mul3A_1194 : vector<16xf32>
      %mul3A_1198 = arith.mulf %mul3A_1192, %sub3A_1197 : vector<16xf32>
      %mul3A_1199 = arith.mulf %add3A_1163, %mul3A_1198 : vector<16xf32>
      %max3A_1200 = arith.constant 1.000000e-24 : f32
      %max3A_1201 = vector.broadcast %max3A_1200 : f32 to vector<16xf32>
      %max3A_1202 = arith.maximumf %add3A_1165, %max3A_1201 : vector<16xf32>
      %bitcast3A_1203 = vector.bitcast %max3A_1202 : vector<16xf32> to vector<16xi32>
      %shift_right_arithmetic3A_1204 = arith.constant 1 : i32
      %shift_right_arithmetic3A_1205 = vector.broadcast %shift_right_arithmetic3A_1204 : i32 to vector<16xi32>
      %shift_right_arithmetic3A_1206 = arith.shrsi %bitcast3A_1203, %shift_right_arithmetic3A_1205 : vector<16xi32>
      %sub3A_1207 = arith.constant 1597463007 : i32
      %sub3A_1208 = vector.broadcast %sub3A_1207 : i32 to vector<16xi32>
      %sub3A_1209 = arith.subi %sub3A_1208, %shift_right_arithmetic3A_1206 : vector<16xi32>
      %bitcast3A_1210 = vector.bitcast %sub3A_1209 : vector<16xi32> to vector<16xf32>
      %mul3A_1211 = arith.constant 5.000000e-01 : f32
      %mul3A_1212 = vector.broadcast %mul3A_1211 : f32 to vector<16xf32>
      %mul3A_1213 = arith.mulf %mul3A_1212, %max3A_1202 : vector<16xf32>
      %mul3A_1214 = arith.mulf %mul3A_1213, %bitcast3A_1210 : vector<16xf32>
      %mul3A_1215 = arith.mulf %mul3A_1214, %bitcast3A_1210 : vector<16xf32>
      %sub3A_1216 = arith.constant 1.500000e+00 : f32
      %sub3A_1217 = vector.broadcast %sub3A_1216 : f32 to vector<16xf32>
      %sub3A_1218 = arith.subf %sub3A_1217, %mul3A_1215 : vector<16xf32>
      %mul3A_1219 = arith.mulf %bitcast3A_1210, %sub3A_1218 : vector<16xf32>
      %mul3A_1220 = arith.mulf %mul3A_1213, %mul3A_1219 : vector<16xf32>
      %mul3A_1221 = arith.mulf %mul3A_1220, %mul3A_1219 : vector<16xf32>
      %sub3A_1222 = arith.constant 1.500000e+00 : f32
      %sub3A_1223 = vector.broadcast %sub3A_1222 : f32 to vector<16xf32>
      %sub3A_1224 = arith.subf %sub3A_1223, %mul3A_1221 : vector<16xf32>
      %mul3A_1225 = arith.mulf %mul3A_1219, %sub3A_1224 : vector<16xf32>
      %mul3A_1226 = arith.mulf %mul3A_1213, %mul3A_1225 : vector<16xf32>
      %mul3A_1227 = arith.mulf %mul3A_1226, %mul3A_1225 : vector<16xf32>
      %sub3A_1228 = arith.constant 1.500000e+00 : f32
      %sub3A_1229 = vector.broadcast %sub3A_1228 : f32 to vector<16xf32>
      %sub3A_1230 = arith.subf %sub3A_1229, %mul3A_1227 : vector<16xf32>
      %mul3A_1231 = arith.mulf %mul3A_1225, %sub3A_1230 : vector<16xf32>
      %broadcast_in_dim3A_1232 = arith.constant 0.000000e+00 : f32
      %broadcast_in_dim3A_1233 = vector.broadcast %broadcast_in_dim3A_1232 : f32 to vector<16xf32>
      %get3A_1234 = arith.constant 0 : i32
      %get3A_1235 = arith.index_cast %get3A_1234 : i32 to index
      %get3A_1236 = arith.index_cast %mul3A_24 : i32 to index
      %get3A_1237 = tpu.vector_load %arg19[%get3A_1235, %get3A_1236] {strides = array<i32>} : memref<32x512xf32, #tpu.memory_space<vmem>>, vector<16xf32>,
      %mul3A_1238 = arith.mulf %get3A_1237, %mul3A_1231 : vector<16xf32>
      %swap3A_1239 = arith.constant 0 : i32
      %swap3A_1240 = arith.index_cast %swap3A_1239 : i32 to index
      %swap3A_1241 = arith.index_cast %mul3A_24 : i32 to index
      %swap3A_1242 = tpu.vector_load %arg19[%swap3A_1240, %swap3A_1241] {strides = array<i32>} : memref<32x512xf32, #tpu.memory_space<vmem>>, vector<16xf32>,
      tpu.vector_store %arg19[%swap3A_1240, %swap3A_1241], %mul3A_1238 {strides = array<i32>} : memref<32x512xf32, #tpu.memory_space<vmem>>, vector<16xf32>,
      %broadcast_in_dim3A_1243 = arith.constant 1.000000e+00 : f32
      %broadcast_in_dim3A_1244 = vector.broadcast %broadcast_in_dim3A_1243 : f32 to vector<16xf32>
      %slice3A_1245 = vector.extract_strided_slice %get3A_5 {offsets = [0], sizes = [1], strides = [1]} : vector<16xf32> to vector<1xf32>
      %squeeze3A_1246 = vector.extract %slice3A_1245[0] : f32 from vector<1xf32>
      %mul3A_1247 = vector.broadcast %squeeze3A_1246 : f32 to vector<16xf32>
      %mul3A_1248 = arith.mulf %broadcast_in_dim3A_1244, %mul3A_1247 : vector<16xf32>
      %mul3A_1249 = arith.mulf %mul3A_1238, %mul3A_1248 : vector<16xf32>
      %add3A_1250 = arith.addf %broadcast_in_dim3A_1233, %mul3A_1249 : vector<16xf32>
      %get3A_1251 = arith.constant 1 : i32
      %get3A_1252 = arith.index_cast %get3A_1251 : i32 to index
      %get3A_1253 = arith.index_cast %mul3A_24 : i32 to index
      %get3A_1254 = tpu.vector_load %arg19[%get3A_1252, %get3A_1253] {strides = array<i32>} : memref<32x512xf32, #tpu.memory_space<vmem>>, vector<16xf32>,
      %mul3A_1255 = arith.mulf %get3A_1254, %mul3A_1231 : vector<16xf32>
      %swap3A_1256 = arith.constant 1 : i32
      %swap3A_1257 = arith.index_cast %swap3A_1256 : i32 to index
      %swap3A_1258 = arith.index_cast %mul3A_24 : i32 to index
      %swap3A_1259 = tpu.vector_load %arg19[%swap3A_1257, %swap3A_1258] {strides = array<i32>} : memref<32x512xf32, #tpu.memory_space<vmem>>, vector<16xf32>,
      tpu.vector_store %arg19[%swap3A_1257, %swap3A_1258], %mul3A_1255 {strides = array<i32>} : memref<32x512xf32, #tpu.memory_space<vmem>>, vector<16xf32>,
      %broadcast_in_dim3A_1260 = arith.constant 1.000000e+00 : f32
      %broadcast_in_dim3A_1261 = vector.broadcast %broadcast_in_dim3A_1260 : f32 to vector<16xf32>
      %slice3A_1262 = vector.extract_strided_slice %get3A_5 {offsets = [1], sizes = [1], strides = [1]} : vector<16xf32> to vector<1xf32>
      %squeeze3A_1263 = vector.extract %slice3A_1262[0] : f32 from vector<1xf32>
      %mul3A_1264 = vector.broadcast %squeeze3A_1263 : f32 to vector<16xf32>
      %mul3A_1265 = arith.mulf %broadcast_in_dim3A_1261, %mul3A_1264 : vector<16xf32>
      %mul3A_1266 = arith.mulf %mul3A_1255, %mul3A_1265 : vector<16xf32>
      %add3A_1267 = arith.addf %add3A_1250, %mul3A_1266 : vector<16xf32>
      %get3A_1268 = arith.constant 2 : i32
      %get3A_1269 = arith.index_cast %get3A_1268 : i32 to index
      %get3A_1270 = arith.index_cast %mul3A_24 : i32 to index
      %get3A_1271 = tpu.vector_load %arg19[%get3A_1269, %get3A_1270] {strides = array<i32>} : memref<32x512xf32, #tpu.memory_space<vmem>>, vector<16xf32>,
      %mul3A_1272 = arith.mulf %get3A_1271, %mul3A_1231 : vector<16xf32>
      %swap3A_1273 = arith.constant 2 : i32
      %swap3A_1274 = arith.index_cast %swap3A_1273 : i32 to index
      %swap3A_1275 = arith.index_cast %mul3A_24 : i32 to index
      %swap3A_1276 = tpu.vector_load %arg19[%swap3A_1274, %swap3A_1275] {strides = array<i32>} : memref<32x512xf32, #tpu.memory_space<vmem>>, vector<16xf32>,
      tpu.vector_store %arg19[%swap3A_1274, %swap3A_1275], %mul3A_1272 {strides = array<i32>} : memref<32x512xf32, #tpu.memory_space<vmem>>, vector<16xf32>,
      %broadcast_in_dim3A_1277 = arith.constant 1.000000e+00 : f32
      %broadcast_in_dim3A_1278 = vector.broadcast %broadcast_in_dim3A_1277 : f32 to vector<16xf32>
      %slice3A_1279 = vector.extract_strided_slice %get3A_5 {offsets = [2], sizes = [1], strides = [1]} : vector<16xf32> to vector<1xf32>
      %squeeze3A_1280 = vector.extract %slice3A_1279[0] : f32 from vector<1xf32>
      %mul3A_1281 = vector.broadcast %squeeze3A_1280 : f32 to vector<16xf32>
      %mul3A_1282 = arith.mulf %broadcast_in_dim3A_1278, %mul3A_1281 : vector<16xf32>
      %mul3A_1283 = arith.mulf %mul3A_1272, %mul3A_1282 : vector<16xf32>
      %add3A_1284 = arith.addf %add3A_1267, %mul3A_1283 : vector<16xf32>
      %get3A_1285 = arith.constant 3 : i32
      %get3A_1286 = arith.index_cast %get3A_1285 : i32 to index
      %get3A_1287 = arith.index_cast %mul3A_24 : i32 to index
      %get3A_1288 = tpu.vector_load %arg19[%get3A_1286, %get3A_1287] {strides = array<i32>} : memref<32x512xf32, #tpu.memory_space<vmem>>, vector<16xf32>,
      %mul3A_1289 = arith.mulf %get3A_1288, %mul3A_1231 : vector<16xf32>
      %swap3A_1290 = arith.constant 3 : i32
      %swap3A_1291 = arith.index_cast %swap3A_1290 : i32 to index
      %swap3A_1292 = arith.index_cast %mul3A_24 : i32 to index
      %swap3A_1293 = tpu.vector_load %arg19[%swap3A_1291, %swap3A_1292] {strides = array<i32>} : memref<32x512xf32, #tpu.memory_space<vmem>>, vector<16xf32>,
      tpu.vector_store %arg19[%swap3A_1291, %swap3A_1292], %mul3A_1289 {strides = array<i32>} : memref<32x512xf32, #tpu.memory_space<vmem>>, vector<16xf32>,
      %broadcast_in_dim3A_1294 = arith.constant 1.000000e+00 : f32
      %broadcast_in_dim3A_1295 = vector.broadcast %broadcast_in_dim3A_1294 : f32 to vector<16xf32>
      %slice3A_1296 = vector.extract_strided_slice %get3A_5 {offsets = [3], sizes = [1], strides = [1]} : vector<16xf32> to vector<1xf32>
      %squeeze3A_1297 = vector.extract %slice3A_1296[0] : f32 from vector<1xf32>
      %mul3A_1298 = vector.broadcast %squeeze3A_1297 : f32 to vector<16xf32>
      %mul3A_1299 = arith.mulf %broadcast_in_dim3A_1295, %mul3A_1298 : vector<16xf32>
      %mul3A_1300 = arith.mulf %mul3A_1289, %mul3A_1299 : vector<16xf32>
      %add3A_1301 = arith.addf %add3A_1284, %mul3A_1300 : vector<16xf32>
      %get3A_1302 = arith.constant 4 : i32
      %get3A_1303 = arith.index_cast %get3A_1302 : i32 to index
      %get3A_1304 = arith.index_cast %mul3A_24 : i32 to index
      %get3A_1305 = tpu.vector_load %arg19[%get3A_1303, %get3A_1304] {strides = array<i32>} : memref<32x512xf32, #tpu.memory_space<vmem>>, vector<16xf32>,
      %mul3A_1306 = arith.mulf %get3A_1305, %mul3A_1231 : vector<16xf32>
      %swap3A_1307 = arith.constant 4 : i32
      %swap3A_1308 = arith.index_cast %swap3A_1307 : i32 to index
      %swap3A_1309 = arith.index_cast %mul3A_24 : i32 to index
      %swap3A_1310 = tpu.vector_load %arg19[%swap3A_1308, %swap3A_1309] {strides = array<i32>} : memref<32x512xf32, #tpu.memory_space<vmem>>, vector<16xf32>,
      tpu.vector_store %arg19[%swap3A_1308, %swap3A_1309], %mul3A_1306 {strides = array<i32>} : memref<32x512xf32, #tpu.memory_space<vmem>>, vector<16xf32>,
      %broadcast_in_dim3A_1311 = arith.constant 1.000000e+00 : f32
      %broadcast_in_dim3A_1312 = vector.broadcast %broadcast_in_dim3A_1311 : f32 to vector<16xf32>
      %slice3A_1313 = vector.extract_strided_slice %get3A_5 {offsets = [4], sizes = [1], strides = [1]} : vector<16xf32> to vector<1xf32>
      %squeeze3A_1314 = vector.extract %slice3A_1313[0] : f32 from vector<1xf32>
      %mul3A_1315 = vector.broadcast %squeeze3A_1314 : f32 to vector<16xf32>
      %mul3A_1316 = arith.mulf %broadcast_in_dim3A_1312, %mul3A_1315 : vector<16xf32>
      %mul3A_1317 = arith.mulf %mul3A_1306, %mul3A_1316 : vector<16xf32>
      %add3A_1318 = arith.addf %add3A_1301, %mul3A_1317 : vector<16xf32>
      %get3A_1319 = arith.constant 5 : i32
      %get3A_1320 = arith.index_cast %get3A_1319 : i32 to index
      %get3A_1321 = arith.index_cast %mul3A_24 : i32 to index
      %get3A_1322 = tpu.vector_load %arg19[%get3A_1320, %get3A_1321] {strides = array<i32>} : memref<32x512xf32, #tpu.memory_space<vmem>>, vector<16xf32>,
      %mul3A_1323 = arith.mulf %get3A_1322, %mul3A_1231 : vector<16xf32>
      %swap3A_1324 = arith.constant 5 : i32
      %swap3A_1325 = arith.index_cast %swap3A_1324 : i32 to index
      %swap3A_1326 = arith.index_cast %mul3A_24 : i32 to index
      %swap3A_1327 = tpu.vector_load %arg19[%swap3A_1325, %swap3A_1326] {strides = array<i32>} : memref<32x512xf32, #tpu.memory_space<vmem>>, vector<16xf32>,
      tpu.vector_store %arg19[%swap3A_1325, %swap3A_1326], %mul3A_1323 {strides = array<i32>} : memref<32x512xf32, #tpu.memory_space<vmem>>, vector<16xf32>,
      %broadcast_in_dim3A_1328 = arith.constant 1.000000e+00 : f32
      %broadcast_in_dim3A_1329 = vector.broadcast %broadcast_in_dim3A_1328 : f32 to vector<16xf32>
      %slice3A_1330 = vector.extract_strided_slice %get3A_5 {offsets = [5], sizes = [1], strides = [1]} : vector<16xf32> to vector<1xf32>
      %squeeze3A_1331 = vector.extract %slice3A_1330[0] : f32 from vector<1xf32>
      %mul3A_1332 = vector.broadcast %squeeze3A_1331 : f32 to vector<16xf32>
      %mul3A_1333 = arith.mulf %broadcast_in_dim3A_1329, %mul3A_1332 : vector<16xf32>
      %mul3A_1334 = arith.mulf %mul3A_1323, %mul3A_1333 : vector<16xf32>
      %add3A_1335 = arith.addf %add3A_1318, %mul3A_1334 : vector<16xf32>
      %get3A_1336 = arith.constant 6 : i32
      %get3A_1337 = arith.index_cast %get3A_1336 : i32 to index
      %get3A_1338 = arith.index_cast %mul3A_24 : i32 to index
      %get3A_1339 = tpu.vector_load %arg19[%get3A_1337, %get3A_1338] {strides = array<i32>} : memref<32x512xf32, #tpu.memory_space<vmem>>, vector<16xf32>,
      %mul3A_1340 = arith.mulf %get3A_1339, %mul3A_1231 : vector<16xf32>
      %swap3A_1341 = arith.constant 6 : i32
      %swap3A_1342 = arith.index_cast %swap3A_1341 : i32 to index
      %swap3A_1343 = arith.index_cast %mul3A_24 : i32 to index
      %swap3A_1344 = tpu.vector_load %arg19[%swap3A_1342, %swap3A_1343] {strides = array<i32>} : memref<32x512xf32, #tpu.memory_space<vmem>>, vector<16xf32>,
      tpu.vector_store %arg19[%swap3A_1342, %swap3A_1343], %mul3A_1340 {strides = array<i32>} : memref<32x512xf32, #tpu.memory_space<vmem>>, vector<16xf32>,
      %broadcast_in_dim3A_1345 = arith.constant 1.000000e+00 : f32
      %broadcast_in_dim3A_1346 = vector.broadcast %broadcast_in_dim3A_1345 : f32 to vector<16xf32>
      %slice3A_1347 = vector.extract_strided_slice %get3A_5 {offsets = [6], sizes = [1], strides = [1]} : vector<16xf32> to vector<1xf32>
      %squeeze3A_1348 = vector.extract %slice3A_1347[0] : f32 from vector<1xf32>
      %mul3A_1349 = vector.broadcast %squeeze3A_1348 : f32 to vector<16xf32>
      %mul3A_1350 = arith.mulf %broadcast_in_dim3A_1346, %mul3A_1349 : vector<16xf32>
      %mul3A_1351 = arith.mulf %mul3A_1340, %mul3A_1350 : vector<16xf32>
      %add3A_1352 = arith.addf %add3A_1335, %mul3A_1351 : vector<16xf32>
      %get3A_1353 = arith.constant 7 : i32
      %get3A_1354 = arith.index_cast %get3A_1353 : i32 to index
      %get3A_1355 = arith.index_cast %mul3A_24 : i32 to index
      %get3A_1356 = tpu.vector_load %arg19[%get3A_1354, %get3A_1355] {strides = array<i32>} : memref<32x512xf32, #tpu.memory_space<vmem>>, vector<16xf32>,
      %mul3A_1357 = arith.mulf %get3A_1356, %mul3A_1231 : vector<16xf32>
      %swap3A_1358 = arith.constant 7 : i32
      %swap3A_1359 = arith.index_cast %swap3A_1358 : i32 to index
      %swap3A_1360 = arith.index_cast %mul3A_24 : i32 to index
      %swap3A_1361 = tpu.vector_load %arg19[%swap3A_1359, %swap3A_1360] {strides = array<i32>} : memref<32x512xf32, #tpu.memory_space<vmem>>, vector<16xf32>,
      tpu.vector_store %arg19[%swap3A_1359, %swap3A_1360], %mul3A_1357 {strides = array<i32>} : memref<32x512xf32, #tpu.memory_space<vmem>>, vector<16xf32>,
      %broadcast_in_dim3A_1362 = arith.constant 1.000000e+00 : f32
      %broadcast_in_dim3A_1363 = vector.broadcast %broadcast_in_dim3A_1362 : f32 to vector<16xf32>
      %slice3A_1364 = vector.extract_strided_slice %get3A_5 {offsets = [7], sizes = [1], strides = [1]} : vector<16xf32> to vector<1xf32>
      %squeeze3A_1365 = vector.extract %slice3A_1364[0] : f32 from vector<1xf32>
      %mul3A_1366 = vector.broadcast %squeeze3A_1365 : f32 to vector<16xf32>
      %mul3A_1367 = arith.mulf %broadcast_in_dim3A_1363, %mul3A_1366 : vector<16xf32>
      %mul3A_1368 = arith.mulf %mul3A_1357, %mul3A_1367 : vector<16xf32>
      %add3A_1369 = arith.addf %add3A_1352, %mul3A_1368 : vector<16xf32>
      %get3A_1370 = arith.constant 8 : i32
      %get3A_1371 = arith.index_cast %get3A_1370 : i32 to index
      %get3A_1372 = arith.index_cast %mul3A_24 : i32 to index
      %get3A_1373 = tpu.vector_load %arg19[%get3A_1371, %get3A_1372] {strides = array<i32>} : memref<32x512xf32, #tpu.memory_space<vmem>>, vector<16xf32>,
      %mul3A_1374 = arith.mulf %get3A_1373, %mul3A_1231 : vector<16xf32>
      %swap3A_1375 = arith.constant 8 : i32
      %swap3A_1376 = arith.index_cast %swap3A_1375 : i32 to index
      %swap3A_1377 = arith.index_cast %mul3A_24 : i32 to index
      %swap3A_1378 = tpu.vector_load %arg19[%swap3A_1376, %swap3A_1377] {strides = array<i32>} : memref<32x512xf32, #tpu.memory_space<vmem>>, vector<16xf32>,
      tpu.vector_store %arg19[%swap3A_1376, %swap3A_1377], %mul3A_1374 {strides = array<i32>} : memref<32x512xf32, #tpu.memory_space<vmem>>, vector<16xf32>,
      %broadcast_in_dim3A_1379 = arith.constant 1.000000e+00 : f32
      %broadcast_in_dim3A_1380 = vector.broadcast %broadcast_in_dim3A_1379 : f32 to vector<16xf32>
      %slice3A_1381 = vector.extract_strided_slice %get3A_5 {offsets = [8], sizes = [1], strides = [1]} : vector<16xf32> to vector<1xf32>
      %squeeze3A_1382 = vector.extract %slice3A_1381[0] : f32 from vector<1xf32>
      %mul3A_1383 = vector.broadcast %squeeze3A_1382 : f32 to vector<16xf32>
      %mul3A_1384 = arith.mulf %broadcast_in_dim3A_1380, %mul3A_1383 : vector<16xf32>
      %mul3A_1385 = arith.mulf %mul3A_1374, %mul3A_1384 : vector<16xf32>
      %add3A_1386 = arith.addf %add3A_1369, %mul3A_1385 : vector<16xf32>
      %get3A_1387 = arith.constant 9 : i32
      %get3A_1388 = arith.index_cast %get3A_1387 : i32 to index
      %get3A_1389 = arith.index_cast %mul3A_24 : i32 to index
      %get3A_1390 = tpu.vector_load %arg19[%get3A_1388, %get3A_1389] {strides = array<i32>} : memref<32x512xf32, #tpu.memory_space<vmem>>, vector<16xf32>,
      %mul3A_1391 = arith.mulf %get3A_1390, %mul3A_1231 : vector<16xf32>
      %swap3A_1392 = arith.constant 9 : i32
      %swap3A_1393 = arith.index_cast %swap3A_1392 : i32 to index
      %swap3A_1394 = arith.index_cast %mul3A_24 : i32 to index
      %swap3A_1395 = tpu.vector_load %arg19[%swap3A_1393, %swap3A_1394] {strides = array<i32>} : memref<32x512xf32, #tpu.memory_space<vmem>>, vector<16xf32>,
      tpu.vector_store %arg19[%swap3A_1393, %swap3A_1394], %mul3A_1391 {strides = array<i32>} : memref<32x512xf32, #tpu.memory_space<vmem>>, vector<16xf32>,
      %broadcast_in_dim3A_1396 = arith.constant 1.000000e+00 : f32
      %broadcast_in_dim3A_1397 = vector.broadcast %broadcast_in_dim3A_1396 : f32 to vector<16xf32>
      %slice3A_1398 = vector.extract_strided_slice %get3A_5 {offsets = [9], sizes = [1], strides = [1]} : vector<16xf32> to vector<1xf32>
      %squeeze3A_1399 = vector.extract %slice3A_1398[0] : f32 from vector<1xf32>
      %mul3A_1400 = vector.broadcast %squeeze3A_1399 : f32 to vector<16xf32>
      %mul3A_1401 = arith.mulf %broadcast_in_dim3A_1397, %mul3A_1400 : vector<16xf32>
      %mul3A_1402 = arith.mulf %mul3A_1391, %mul3A_1401 : vector<16xf32>
      %add3A_1403 = arith.addf %add3A_1386, %mul3A_1402 : vector<16xf32>
      %get3A_1404 = arith.constant 10 : i32
      %get3A_1405 = arith.index_cast %get3A_1404 : i32 to index
      %get3A_1406 = arith.index_cast %mul3A_24 : i32 to index
      %get3A_1407 = tpu.vector_load %arg19[%get3A_1405, %get3A_1406] {strides = array<i32>} : memref<32x512xf32, #tpu.memory_space<vmem>>, vector<16xf32>,
      %mul3A_1408 = arith.mulf %get3A_1407, %mul3A_1231 : vector<16xf32>
      %swap3A_1409 = arith.constant 10 : i32
      %swap3A_1410 = arith.index_cast %swap3A_1409 : i32 to index
      %swap3A_1411 = arith.index_cast %mul3A_24 : i32 to index
      %swap3A_1412 = tpu.vector_load %arg19[%swap3A_1410, %swap3A_1411] {strides = array<i32>} : memref<32x512xf32, #tpu.memory_space<vmem>>, vector<16xf32>,
      tpu.vector_store %arg19[%swap3A_1410, %swap3A_1411], %mul3A_1408 {strides = array<i32>} : memref<32x512xf32, #tpu.memory_space<vmem>>, vector<16xf32>,
      %broadcast_in_dim3A_1413 = arith.constant 1.000000e+00 : f32
      %broadcast_in_dim3A_1414 = vector.broadcast %broadcast_in_dim3A_1413 : f32 to vector<16xf32>
      %slice3A_1415 = vector.extract_strided_slice %get3A_5 {offsets = [10], sizes = [1], strides = [1]} : vector<16xf32> to vector<1xf32>
      %squeeze3A_1416 = vector.extract %slice3A_1415[0] : f32 from vector<1xf32>
      %mul3A_1417 = vector.broadcast %squeeze3A_1416 : f32 to vector<16xf32>
      %mul3A_1418 = arith.mulf %broadcast_in_dim3A_1414, %mul3A_1417 : vector<16xf32>
      %mul3A_1419 = arith.mulf %mul3A_1408, %mul3A_1418 : vector<16xf32>
      %add3A_1420 = arith.addf %add3A_1403, %mul3A_1419 : vector<16xf32>
      %get3A_1421 = arith.constant 11 : i32
      %get3A_1422 = arith.index_cast %get3A_1421 : i32 to index
      %get3A_1423 = arith.index_cast %mul3A_24 : i32 to index
      %get3A_1424 = tpu.vector_load %arg19[%get3A_1422, %get3A_1423] {strides = array<i32>} : memref<32x512xf32, #tpu.memory_space<vmem>>, vector<16xf32>,
      %mul3A_1425 = arith.mulf %get3A_1424, %mul3A_1231 : vector<16xf32>
      %swap3A_1426 = arith.constant 11 : i32
      %swap3A_1427 = arith.index_cast %swap3A_1426 : i32 to index
      %swap3A_1428 = arith.index_cast %mul3A_24 : i32 to index
      %swap3A_1429 = tpu.vector_load %arg19[%swap3A_1427, %swap3A_1428] {strides = array<i32>} : memref<32x512xf32, #tpu.memory_space<vmem>>, vector<16xf32>,
      tpu.vector_store %arg19[%swap3A_1427, %swap3A_1428], %mul3A_1425 {strides = array<i32>} : memref<32x512xf32, #tpu.memory_space<vmem>>, vector<16xf32>,
      %broadcast_in_dim3A_1430 = arith.constant 1.000000e+00 : f32
      %broadcast_in_dim3A_1431 = vector.broadcast %broadcast_in_dim3A_1430 : f32 to vector<16xf32>
      %slice3A_1432 = vector.extract_strided_slice %get3A_5 {offsets = [11], sizes = [1], strides = [1]} : vector<16xf32> to vector<1xf32>
      %squeeze3A_1433 = vector.extract %slice3A_1432[0] : f32 from vector<1xf32>
      %mul3A_1434 = vector.broadcast %squeeze3A_1433 : f32 to vector<16xf32>
      %mul3A_1435 = arith.mulf %broadcast_in_dim3A_1431, %mul3A_1434 : vector<16xf32>
      %mul3A_1436 = arith.mulf %mul3A_1425, %mul3A_1435 : vector<16xf32>
      %add3A_1437 = arith.addf %add3A_1420, %mul3A_1436 : vector<16xf32>
      %get3A_1438 = arith.constant 12 : i32
      %get3A_1439 = arith.index_cast %get3A_1438 : i32 to index
      %get3A_1440 = arith.index_cast %mul3A_24 : i32 to index
      %get3A_1441 = tpu.vector_load %arg19[%get3A_1439, %get3A_1440] {strides = array<i32>} : memref<32x512xf32, #tpu.memory_space<vmem>>, vector<16xf32>,
      %mul3A_1442 = arith.mulf %get3A_1441, %mul3A_1231 : vector<16xf32>
      %swap3A_1443 = arith.constant 12 : i32
      %swap3A_1444 = arith.index_cast %swap3A_1443 : i32 to index
      %swap3A_1445 = arith.index_cast %mul3A_24 : i32 to index
      %swap3A_1446 = tpu.vector_load %arg19[%swap3A_1444, %swap3A_1445] {strides = array<i32>} : memref<32x512xf32, #tpu.memory_space<vmem>>, vector<16xf32>,
      tpu.vector_store %arg19[%swap3A_1444, %swap3A_1445], %mul3A_1442 {strides = array<i32>} : memref<32x512xf32, #tpu.memory_space<vmem>>, vector<16xf32>,
      %broadcast_in_dim3A_1447 = arith.constant 1.000000e+00 : f32
      %broadcast_in_dim3A_1448 = vector.broadcast %broadcast_in_dim3A_1447 : f32 to vector<16xf32>
      %slice3A_1449 = vector.extract_strided_slice %get3A_5 {offsets = [12], sizes = [1], strides = [1]} : vector<16xf32> to vector<1xf32>
      %squeeze3A_1450 = vector.extract %slice3A_1449[0] : f32 from vector<1xf32>
      %mul3A_1451 = vector.broadcast %squeeze3A_1450 : f32 to vector<16xf32>
      %mul3A_1452 = arith.mulf %broadcast_in_dim3A_1448, %mul3A_1451 : vector<16xf32>
      %mul3A_1453 = arith.mulf %mul3A_1442, %mul3A_1452 : vector<16xf32>
      %add3A_1454 = arith.addf %add3A_1437, %mul3A_1453 : vector<16xf32>
      %get3A_1455 = arith.constant 13 : i32
      %get3A_1456 = arith.index_cast %get3A_1455 : i32 to index
      %get3A_1457 = arith.index_cast %mul3A_24 : i32 to index
      %get3A_1458 = tpu.vector_load %arg19[%get3A_1456, %get3A_1457] {strides = array<i32>} : memref<32x512xf32, #tpu.memory_space<vmem>>, vector<16xf32>,
      %mul3A_1459 = arith.mulf %get3A_1458, %mul3A_1231 : vector<16xf32>
      %swap3A_1460 = arith.constant 13 : i32
      %swap3A_1461 = arith.index_cast %swap3A_1460 : i32 to index
      %swap3A_1462 = arith.index_cast %mul3A_24 : i32 to index
      %swap3A_1463 = tpu.vector_load %arg19[%swap3A_1461, %swap3A_1462] {strides = array<i32>} : memref<32x512xf32, #tpu.memory_space<vmem>>, vector<16xf32>,
      tpu.vector_store %arg19[%swap3A_1461, %swap3A_1462], %mul3A_1459 {strides = array<i32>} : memref<32x512xf32, #tpu.memory_space<vmem>>, vector<16xf32>,
      %broadcast_in_dim3A_1464 = arith.constant 1.000000e+00 : f32
      %broadcast_in_dim3A_1465 = vector.broadcast %broadcast_in_dim3A_1464 : f32 to vector<16xf32>
      %slice3A_1466 = vector.extract_strided_slice %get3A_5 {offsets = [13], sizes = [1], strides = [1]} : vector<16xf32> to vector<1xf32>
      %squeeze3A_1467 = vector.extract %slice3A_1466[0] : f32 from vector<1xf32>
      %mul3A_1468 = vector.broadcast %squeeze3A_1467 : f32 to vector<16xf32>
      %mul3A_1469 = arith.mulf %broadcast_in_dim3A_1465, %mul3A_1468 : vector<16xf32>
      %mul3A_1470 = arith.mulf %mul3A_1459, %mul3A_1469 : vector<16xf32>
      %add3A_1471 = arith.addf %add3A_1454, %mul3A_1470 : vector<16xf32>
      %get3A_1472 = arith.constant 14 : i32
      %get3A_1473 = arith.index_cast %get3A_1472 : i32 to index
      %get3A_1474 = arith.index_cast %mul3A_24 : i32 to index
      %get3A_1475 = tpu.vector_load %arg19[%get3A_1473, %get3A_1474] {strides = array<i32>} : memref<32x512xf32, #tpu.memory_space<vmem>>, vector<16xf32>,
      %mul3A_1476 = arith.mulf %get3A_1475, %mul3A_1231 : vector<16xf32>
      %swap3A_1477 = arith.constant 14 : i32
      %swap3A_1478 = arith.index_cast %swap3A_1477 : i32 to index
      %swap3A_1479 = arith.index_cast %mul3A_24 : i32 to index
      %swap3A_1480 = tpu.vector_load %arg19[%swap3A_1478, %swap3A_1479] {strides = array<i32>} : memref<32x512xf32, #tpu.memory_space<vmem>>, vector<16xf32>,
      tpu.vector_store %arg19[%swap3A_1478, %swap3A_1479], %mul3A_1476 {strides = array<i32>} : memref<32x512xf32, #tpu.memory_space<vmem>>, vector<16xf32>,
      %broadcast_in_dim3A_1481 = arith.constant 1.000000e+00 : f32
      %broadcast_in_dim3A_1482 = vector.broadcast %broadcast_in_dim3A_1481 : f32 to vector<16xf32>
      %slice3A_1483 = vector.extract_strided_slice %get3A_5 {offsets = [14], sizes = [1], strides = [1]} : vector<16xf32> to vector<1xf32>
      %squeeze3A_1484 = vector.extract %slice3A_1483[0] : f32 from vector<1xf32>
      %mul3A_1485 = vector.broadcast %squeeze3A_1484 : f32 to vector<16xf32>
      %mul3A_1486 = arith.mulf %broadcast_in_dim3A_1482, %mul3A_1485 : vector<16xf32>
      %mul3A_1487 = arith.mulf %mul3A_1476, %mul3A_1486 : vector<16xf32>
      %add3A_1488 = arith.addf %add3A_1471, %mul3A_1487 : vector<16xf32>
      %get3A_1489 = arith.constant 15 : i32
      %get3A_1490 = arith.index_cast %get3A_1489 : i32 to index
      %get3A_1491 = arith.index_cast %mul3A_24 : i32 to index
      %get3A_1492 = tpu.vector_load %arg19[%get3A_1490, %get3A_1491] {strides = array<i32>} : memref<32x512xf32, #tpu.memory_space<vmem>>, vector<16xf32>,
      %mul3A_1493 = arith.mulf %get3A_1492, %mul3A_1231 : vector<16xf32>
      %swap3A_1494 = arith.constant 15 : i32
      %swap3A_1495 = arith.index_cast %swap3A_1494 : i32 to index
      %swap3A_1496 = arith.index_cast %mul3A_24 : i32 to index
      %swap3A_1497 = tpu.vector_load %arg19[%swap3A_1495, %swap3A_1496] {strides = array<i32>} : memref<32x512xf32, #tpu.memory_space<vmem>>, vector<16xf32>,
      tpu.vector_store %arg19[%swap3A_1495, %swap3A_1496], %mul3A_1493 {strides = array<i32>} : memref<32x512xf32, #tpu.memory_space<vmem>>, vector<16xf32>,
      %broadcast_in_dim3A_1498 = arith.constant 1.000000e+00 : f32
      %broadcast_in_dim3A_1499 = vector.broadcast %broadcast_in_dim3A_1498 : f32 to vector<16xf32>
      %slice3A_1500 = vector.extract_strided_slice %get3A_5 {offsets = [15], sizes = [1], strides = [1]} : vector<16xf32> to vector<1xf32>
      %squeeze3A_1501 = vector.extract %slice3A_1500[0] : f32 from vector<1xf32>
      %mul3A_1502 = vector.broadcast %squeeze3A_1501 : f32 to vector<16xf32>
      %mul3A_1503 = arith.mulf %broadcast_in_dim3A_1499, %mul3A_1502 : vector<16xf32>
      %mul3A_1504 = arith.mulf %mul3A_1493, %mul3A_1503 : vector<16xf32>
      %add3A_1505 = arith.addf %add3A_1488, %mul3A_1504 : vector<16xf32>
      %get3A_1506 = arith.constant 16 : i32
      %get3A_1507 = arith.index_cast %get3A_1506 : i32 to index
      %get3A_1508 = arith.index_cast %mul3A_24 : i32 to index
      %get3A_1509 = tpu.vector_load %arg19[%get3A_1507, %get3A_1508] {strides = array<i32>} : memref<32x512xf32, #tpu.memory_space<vmem>>, vector<16xf32>,
      %mul3A_1510 = arith.mulf %get3A_1509, %mul3A_1231 : vector<16xf32>
      %swap3A_1511 = arith.constant 16 : i32
      %swap3A_1512 = arith.index_cast %swap3A_1511 : i32 to index
      %swap3A_1513 = arith.index_cast %mul3A_24 : i32 to index
      %swap3A_1514 = tpu.vector_load %arg19[%swap3A_1512, %swap3A_1513] {strides = array<i32>} : memref<32x512xf32, #tpu.memory_space<vmem>>, vector<16xf32>,
      tpu.vector_store %arg19[%swap3A_1512, %swap3A_1513], %mul3A_1510 {strides = array<i32>} : memref<32x512xf32, #tpu.memory_space<vmem>>, vector<16xf32>,
      %broadcast_in_dim3A_1515 = arith.constant 1.000000e+00 : f32
      %broadcast_in_dim3A_1516 = vector.broadcast %broadcast_in_dim3A_1515 : f32 to vector<16xf32>
      %slice3A_1517 = vector.extract_strided_slice %get3A_9 {offsets = [0], sizes = [1], strides = [1]} : vector<16xf32> to vector<1xf32>
      %squeeze3A_1518 = vector.extract %slice3A_1517[0] : f32 from vector<1xf32>
      %mul3A_1519 = vector.broadcast %squeeze3A_1518 : f32 to vector<16xf32>
      %mul3A_1520 = arith.mulf %broadcast_in_dim3A_1516, %mul3A_1519 : vector<16xf32>
      %mul3A_1521 = arith.mulf %mul3A_1510, %mul3A_1520 : vector<16xf32>
      %add3A_1522 = arith.addf %add3A_1505, %mul3A_1521 : vector<16xf32>
      %get3A_1523 = arith.constant 17 : i32
      %get3A_1524 = arith.index_cast %get3A_1523 : i32 to index
      %get3A_1525 = arith.index_cast %mul3A_24 : i32 to index
      %get3A_1526 = tpu.vector_load %arg19[%get3A_1524, %get3A_1525] {strides = array<i32>} : memref<32x512xf32, #tpu.memory_space<vmem>>, vector<16xf32>,
      %mul3A_1527 = arith.mulf %get3A_1526, %mul3A_1231 : vector<16xf32>
      %swap3A_1528 = arith.constant 17 : i32
      %swap3A_1529 = arith.index_cast %swap3A_1528 : i32 to index
      %swap3A_1530 = arith.index_cast %mul3A_24 : i32 to index
      %swap3A_1531 = tpu.vector_load %arg19[%swap3A_1529, %swap3A_1530] {strides = array<i32>} : memref<32x512xf32, #tpu.memory_space<vmem>>, vector<16xf32>,
      tpu.vector_store %arg19[%swap3A_1529, %swap3A_1530], %mul3A_1527 {strides = array<i32>} : memref<32x512xf32, #tpu.memory_space<vmem>>, vector<16xf32>,
      %broadcast_in_dim3A_1532 = arith.constant 1.000000e+00 : f32
      %broadcast_in_dim3A_1533 = vector.broadcast %broadcast_in_dim3A_1532 : f32 to vector<16xf32>
      %slice3A_1534 = vector.extract_strided_slice %get3A_9 {offsets = [1], sizes = [1], strides = [1]} : vector<16xf32> to vector<1xf32>
      %squeeze3A_1535 = vector.extract %slice3A_1534[0] : f32 from vector<1xf32>
      %mul3A_1536 = vector.broadcast %squeeze3A_1535 : f32 to vector<16xf32>
      %mul3A_1537 = arith.mulf %broadcast_in_dim3A_1533, %mul3A_1536 : vector<16xf32>
      %mul3A_1538 = arith.mulf %mul3A_1527, %mul3A_1537 : vector<16xf32>
      %add3A_1539 = arith.addf %add3A_1522, %mul3A_1538 : vector<16xf32>
      %get3A_1540 = arith.constant 18 : i32
      %get3A_1541 = arith.index_cast %get3A_1540 : i32 to index
      %get3A_1542 = arith.index_cast %mul3A_24 : i32 to index
      %get3A_1543 = tpu.vector_load %arg19[%get3A_1541, %get3A_1542] {strides = array<i32>} : memref<32x512xf32, #tpu.memory_space<vmem>>, vector<16xf32>,
      %mul3A_1544 = arith.mulf %get3A_1543, %mul3A_1231 : vector<16xf32>
      %swap3A_1545 = arith.constant 18 : i32
      %swap3A_1546 = arith.index_cast %swap3A_1545 : i32 to index
      %swap3A_1547 = arith.index_cast %mul3A_24 : i32 to index
      %swap3A_1548 = tpu.vector_load %arg19[%swap3A_1546, %swap3A_1547] {strides = array<i32>} : memref<32x512xf32, #tpu.memory_space<vmem>>, vector<16xf32>,
      tpu.vector_store %arg19[%swap3A_1546, %swap3A_1547], %mul3A_1544 {strides = array<i32>} : memref<32x512xf32, #tpu.memory_space<vmem>>, vector<16xf32>,
      %broadcast_in_dim3A_1549 = arith.constant 1.000000e+00 : f32
      %broadcast_in_dim3A_1550 = vector.broadcast %broadcast_in_dim3A_1549 : f32 to vector<16xf32>
      %slice3A_1551 = vector.extract_strided_slice %get3A_9 {offsets = [2], sizes = [1], strides = [1]} : vector<16xf32> to vector<1xf32>
      %squeeze3A_1552 = vector.extract %slice3A_1551[0] : f32 from vector<1xf32>
      %mul3A_1553 = vector.broadcast %squeeze3A_1552 : f32 to vector<16xf32>
      %mul3A_1554 = arith.mulf %broadcast_in_dim3A_1550, %mul3A_1553 : vector<16xf32>
      %mul3A_1555 = arith.mulf %mul3A_1544, %mul3A_1554 : vector<16xf32>
      %add3A_1556 = arith.addf %add3A_1539, %mul3A_1555 : vector<16xf32>
      %get3A_1557 = arith.constant 19 : i32
      %get3A_1558 = arith.index_cast %get3A_1557 : i32 to index
      %get3A_1559 = arith.index_cast %mul3A_24 : i32 to index
      %get3A_1560 = tpu.vector_load %arg19[%get3A_1558, %get3A_1559] {strides = array<i32>} : memref<32x512xf32, #tpu.memory_space<vmem>>, vector<16xf32>,
      %mul3A_1561 = arith.mulf %get3A_1560, %mul3A_1231 : vector<16xf32>
      %swap3A_1562 = arith.constant 19 : i32
      %swap3A_1563 = arith.index_cast %swap3A_1562 : i32 to index
      %swap3A_1564 = arith.index_cast %mul3A_24 : i32 to index
      %swap3A_1565 = tpu.vector_load %arg19[%swap3A_1563, %swap3A_1564] {strides = array<i32>} : memref<32x512xf32, #tpu.memory_space<vmem>>, vector<16xf32>,
      tpu.vector_store %arg19[%swap3A_1563, %swap3A_1564], %mul3A_1561 {strides = array<i32>} : memref<32x512xf32, #tpu.memory_space<vmem>>, vector<16xf32>,
      %broadcast_in_dim3A_1566 = arith.constant 1.000000e+00 : f32
      %broadcast_in_dim3A_1567 = vector.broadcast %broadcast_in_dim3A_1566 : f32 to vector<16xf32>
      %slice3A_1568 = vector.extract_strided_slice %get3A_9 {offsets = [3], sizes = [1], strides = [1]} : vector<16xf32> to vector<1xf32>
      %squeeze3A_1569 = vector.extract %slice3A_1568[0] : f32 from vector<1xf32>
      %mul3A_1570 = vector.broadcast %squeeze3A_1569 : f32 to vector<16xf32>
      %mul3A_1571 = arith.mulf %broadcast_in_dim3A_1567, %mul3A_1570 : vector<16xf32>
      %mul3A_1572 = arith.mulf %mul3A_1561, %mul3A_1571 : vector<16xf32>
      %add3A_1573 = arith.addf %add3A_1556, %mul3A_1572 : vector<16xf32>
      %get3A_1574 = arith.constant 20 : i32
      %get3A_1575 = arith.index_cast %get3A_1574 : i32 to index
      %get3A_1576 = arith.index_cast %mul3A_24 : i32 to index
      %get3A_1577 = tpu.vector_load %arg19[%get3A_1575, %get3A_1576] {strides = array<i32>} : memref<32x512xf32, #tpu.memory_space<vmem>>, vector<16xf32>,
      %mul3A_1578 = arith.mulf %get3A_1577, %mul3A_1231 : vector<16xf32>
      %swap3A_1579 = arith.constant 20 : i32
      %swap3A_1580 = arith.index_cast %swap3A_1579 : i32 to index
      %swap3A_1581 = arith.index_cast %mul3A_24 : i32 to index
      %swap3A_1582 = tpu.vector_load %arg19[%swap3A_1580, %swap3A_1581] {strides = array<i32>} : memref<32x512xf32, #tpu.memory_space<vmem>>, vector<16xf32>,
      tpu.vector_store %arg19[%swap3A_1580, %swap3A_1581], %mul3A_1578 {strides = array<i32>} : memref<32x512xf32, #tpu.memory_space<vmem>>, vector<16xf32>,
      %broadcast_in_dim3A_1583 = arith.constant 1.000000e+00 : f32
      %broadcast_in_dim3A_1584 = vector.broadcast %broadcast_in_dim3A_1583 : f32 to vector<16xf32>
      %slice3A_1585 = vector.extract_strided_slice %get3A_9 {offsets = [4], sizes = [1], strides = [1]} : vector<16xf32> to vector<1xf32>
      %squeeze3A_1586 = vector.extract %slice3A_1585[0] : f32 from vector<1xf32>
      %mul3A_1587 = vector.broadcast %squeeze3A_1586 : f32 to vector<16xf32>
      %mul3A_1588 = arith.mulf %broadcast_in_dim3A_1584, %mul3A_1587 : vector<16xf32>
      %mul3A_1589 = arith.mulf %mul3A_1578, %mul3A_1588 : vector<16xf32>
      %add3A_1590 = arith.addf %add3A_1573, %mul3A_1589 : vector<16xf32>
      %get3A_1591 = arith.constant 21 : i32
      %get3A_1592 = arith.index_cast %get3A_1591 : i32 to index
      %get3A_1593 = arith.index_cast %mul3A_24 : i32 to index
      %get3A_1594 = tpu.vector_load %arg19[%get3A_1592, %get3A_1593] {strides = array<i32>} : memref<32x512xf32, #tpu.memory_space<vmem>>, vector<16xf32>,
      %mul3A_1595 = arith.mulf %get3A_1594, %mul3A_1231 : vector<16xf32>
      %swap3A_1596 = arith.constant 21 : i32
      %swap3A_1597 = arith.index_cast %swap3A_1596 : i32 to index
      %swap3A_1598 = arith.index_cast %mul3A_24 : i32 to index
      %swap3A_1599 = tpu.vector_load %arg19[%swap3A_1597, %swap3A_1598] {strides = array<i32>} : memref<32x512xf32, #tpu.memory_space<vmem>>, vector<16xf32>,
      tpu.vector_store %arg19[%swap3A_1597, %swap3A_1598], %mul3A_1595 {strides = array<i32>} : memref<32x512xf32, #tpu.memory_space<vmem>>, vector<16xf32>,
      %broadcast_in_dim3A_1600 = arith.constant 1.000000e+00 : f32
      %broadcast_in_dim3A_1601 = vector.broadcast %broadcast_in_dim3A_1600 : f32 to vector<16xf32>
      %slice3A_1602 = vector.extract_strided_slice %get3A_9 {offsets = [5], sizes = [1], strides = [1]} : vector<16xf32> to vector<1xf32>
      %squeeze3A_1603 = vector.extract %slice3A_1602[0] : f32 from vector<1xf32>
      %mul3A_1604 = vector.broadcast %squeeze3A_1603 : f32 to vector<16xf32>
      %mul3A_1605 = arith.mulf %broadcast_in_dim3A_1601, %mul3A_1604 : vector<16xf32>
      %mul3A_1606 = arith.mulf %mul3A_1595, %mul3A_1605 : vector<16xf32>
      %add3A_1607 = arith.addf %add3A_1590, %mul3A_1606 : vector<16xf32>
      %get3A_1608 = arith.constant 22 : i32
      %get3A_1609 = arith.index_cast %get3A_1608 : i32 to index
      %get3A_1610 = arith.index_cast %mul3A_24 : i32 to index
      %get3A_1611 = tpu.vector_load %arg19[%get3A_1609, %get3A_1610] {strides = array<i32>} : memref<32x512xf32, #tpu.memory_space<vmem>>, vector<16xf32>,
      %mul3A_1612 = arith.mulf %get3A_1611, %mul3A_1231 : vector<16xf32>
      %swap3A_1613 = arith.constant 22 : i32
      %swap3A_1614 = arith.index_cast %swap3A_1613 : i32 to index
      %swap3A_1615 = arith.index_cast %mul3A_24 : i32 to index
      %swap3A_1616 = tpu.vector_load %arg19[%swap3A_1614, %swap3A_1615] {strides = array<i32>} : memref<32x512xf32, #tpu.memory_space<vmem>>, vector<16xf32>,
      tpu.vector_store %arg19[%swap3A_1614, %swap3A_1615], %mul3A_1612 {strides = array<i32>} : memref<32x512xf32, #tpu.memory_space<vmem>>, vector<16xf32>,
      %broadcast_in_dim3A_1617 = arith.constant 1.000000e+00 : f32
      %broadcast_in_dim3A_1618 = vector.broadcast %broadcast_in_dim3A_1617 : f32 to vector<16xf32>
      %slice3A_1619 = vector.extract_strided_slice %get3A_9 {offsets = [6], sizes = [1], strides = [1]} : vector<16xf32> to vector<1xf32>
      %squeeze3A_1620 = vector.extract %slice3A_1619[0] : f32 from vector<1xf32>
      %mul3A_1621 = vector.broadcast %squeeze3A_1620 : f32 to vector<16xf32>
      %mul3A_1622 = arith.mulf %broadcast_in_dim3A_1618, %mul3A_1621 : vector<16xf32>
      %mul3A_1623 = arith.mulf %mul3A_1612, %mul3A_1622 : vector<16xf32>
      %add3A_1624 = arith.addf %add3A_1607, %mul3A_1623 : vector<16xf32>
      %get3A_1625 = arith.constant 23 : i32
      %get3A_1626 = arith.index_cast %get3A_1625 : i32 to index
      %get3A_1627 = arith.index_cast %mul3A_24 : i32 to index
      %get3A_1628 = tpu.vector_load %arg19[%get3A_1626, %get3A_1627] {strides = array<i32>} : memref<32x512xf32, #tpu.memory_space<vmem>>, vector<16xf32>,
      %mul3A_1629 = arith.mulf %get3A_1628, %mul3A_1231 : vector<16xf32>
      %swap3A_1630 = arith.constant 23 : i32
      %swap3A_1631 = arith.index_cast %swap3A_1630 : i32 to index
      %swap3A_1632 = arith.index_cast %mul3A_24 : i32 to index
      %swap3A_1633 = tpu.vector_load %arg19[%swap3A_1631, %swap3A_1632] {strides = array<i32>} : memref<32x512xf32, #tpu.memory_space<vmem>>, vector<16xf32>,
      tpu.vector_store %arg19[%swap3A_1631, %swap3A_1632], %mul3A_1629 {strides = array<i32>} : memref<32x512xf32, #tpu.memory_space<vmem>>, vector<16xf32>,
      %broadcast_in_dim3A_1634 = arith.constant 1.000000e+00 : f32
      %broadcast_in_dim3A_1635 = vector.broadcast %broadcast_in_dim3A_1634 : f32 to vector<16xf32>
      %slice3A_1636 = vector.extract_strided_slice %get3A_9 {offsets = [7], sizes = [1], strides = [1]} : vector<16xf32> to vector<1xf32>
      %squeeze3A_1637 = vector.extract %slice3A_1636[0] : f32 from vector<1xf32>
      %mul3A_1638 = vector.broadcast %squeeze3A_1637 : f32 to vector<16xf32>
      %mul3A_1639 = arith.mulf %broadcast_in_dim3A_1635, %mul3A_1638 : vector<16xf32>
      %mul3A_1640 = arith.mulf %mul3A_1629, %mul3A_1639 : vector<16xf32>
      %add3A_1641 = arith.addf %add3A_1624, %mul3A_1640 : vector<16xf32>
      %get3A_1642 = arith.constant 24 : i32
      %get3A_1643 = arith.index_cast %get3A_1642 : i32 to index
      %get3A_1644 = arith.index_cast %mul3A_24 : i32 to index
      %get3A_1645 = tpu.vector_load %arg19[%get3A_1643, %get3A_1644] {strides = array<i32>} : memref<32x512xf32, #tpu.memory_space<vmem>>, vector<16xf32>,
      %mul3A_1646 = arith.mulf %get3A_1645, %mul3A_1231 : vector<16xf32>
      %swap3A_1647 = arith.constant 24 : i32
      %swap3A_1648 = arith.index_cast %swap3A_1647 : i32 to index
      %swap3A_1649 = arith.index_cast %mul3A_24 : i32 to index
      %swap3A_1650 = tpu.vector_load %arg19[%swap3A_1648, %swap3A_1649] {strides = array<i32>} : memref<32x512xf32, #tpu.memory_space<vmem>>, vector<16xf32>,
      tpu.vector_store %arg19[%swap3A_1648, %swap3A_1649], %mul3A_1646 {strides = array<i32>} : memref<32x512xf32, #tpu.memory_space<vmem>>, vector<16xf32>,
      %broadcast_in_dim3A_1651 = arith.constant 1.000000e+00 : f32
      %broadcast_in_dim3A_1652 = vector.broadcast %broadcast_in_dim3A_1651 : f32 to vector<16xf32>
      %slice3A_1653 = vector.extract_strided_slice %get3A_9 {offsets = [8], sizes = [1], strides = [1]} : vector<16xf32> to vector<1xf32>
      %squeeze3A_1654 = vector.extract %slice3A_1653[0] : f32 from vector<1xf32>
      %mul3A_1655 = vector.broadcast %squeeze3A_1654 : f32 to vector<16xf32>
      %mul3A_1656 = arith.mulf %broadcast_in_dim3A_1652, %mul3A_1655 : vector<16xf32>
      %mul3A_1657 = arith.mulf %mul3A_1646, %mul3A_1656 : vector<16xf32>
      %add3A_1658 = arith.addf %add3A_1641, %mul3A_1657 : vector<16xf32>
      %get3A_1659 = arith.constant 25 : i32
      %get3A_1660 = arith.index_cast %get3A_1659 : i32 to index
      %get3A_1661 = arith.index_cast %mul3A_24 : i32 to index
      %get3A_1662 = tpu.vector_load %arg19[%get3A_1660, %get3A_1661] {strides = array<i32>} : memref<32x512xf32, #tpu.memory_space<vmem>>, vector<16xf32>,
      %mul3A_1663 = arith.mulf %get3A_1662, %mul3A_1231 : vector<16xf32>
      %swap3A_1664 = arith.constant 25 : i32
      %swap3A_1665 = arith.index_cast %swap3A_1664 : i32 to index
      %swap3A_1666 = arith.index_cast %mul3A_24 : i32 to index
      %swap3A_1667 = tpu.vector_load %arg19[%swap3A_1665, %swap3A_1666] {strides = array<i32>} : memref<32x512xf32, #tpu.memory_space<vmem>>, vector<16xf32>,
      tpu.vector_store %arg19[%swap3A_1665, %swap3A_1666], %mul3A_1663 {strides = array<i32>} : memref<32x512xf32, #tpu.memory_space<vmem>>, vector<16xf32>,
      %broadcast_in_dim3A_1668 = arith.constant 1.000000e+00 : f32
      %broadcast_in_dim3A_1669 = vector.broadcast %broadcast_in_dim3A_1668 : f32 to vector<16xf32>
      %slice3A_1670 = vector.extract_strided_slice %get3A_9 {offsets = [9], sizes = [1], strides = [1]} : vector<16xf32> to vector<1xf32>
      %squeeze3A_1671 = vector.extract %slice3A_1670[0] : f32 from vector<1xf32>
      %mul3A_1672 = vector.broadcast %squeeze3A_1671 : f32 to vector<16xf32>
      %mul3A_1673 = arith.mulf %broadcast_in_dim3A_1669, %mul3A_1672 : vector<16xf32>
      %mul3A_1674 = arith.mulf %mul3A_1663, %mul3A_1673 : vector<16xf32>
      %add3A_1675 = arith.addf %add3A_1658, %mul3A_1674 : vector<16xf32>
      %get3A_1676 = arith.constant 26 : i32
      %get3A_1677 = arith.index_cast %get3A_1676 : i32 to index
      %get3A_1678 = arith.index_cast %mul3A_24 : i32 to index
      %get3A_1679 = tpu.vector_load %arg19[%get3A_1677, %get3A_1678] {strides = array<i32>} : memref<32x512xf32, #tpu.memory_space<vmem>>, vector<16xf32>,
      %mul3A_1680 = arith.mulf %get3A_1679, %mul3A_1231 : vector<16xf32>
      %swap3A_1681 = arith.constant 26 : i32
      %swap3A_1682 = arith.index_cast %swap3A_1681 : i32 to index
      %swap3A_1683 = arith.index_cast %mul3A_24 : i32 to index
      %swap3A_1684 = tpu.vector_load %arg19[%swap3A_1682, %swap3A_1683] {strides = array<i32>} : memref<32x512xf32, #tpu.memory_space<vmem>>, vector<16xf32>,
      tpu.vector_store %arg19[%swap3A_1682, %swap3A_1683], %mul3A_1680 {strides = array<i32>} : memref<32x512xf32, #tpu.memory_space<vmem>>, vector<16xf32>,
      %broadcast_in_dim3A_1685 = arith.constant 1.000000e+00 : f32
      %broadcast_in_dim3A_1686 = vector.broadcast %broadcast_in_dim3A_1685 : f32 to vector<16xf32>
      %slice3A_1687 = vector.extract_strided_slice %get3A_9 {offsets = [10], sizes = [1], strides = [1]} : vector<16xf32> to vector<1xf32>
      %squeeze3A_1688 = vector.extract %slice3A_1687[0] : f32 from vector<1xf32>
      %mul3A_1689 = vector.broadcast %squeeze3A_1688 : f32 to vector<16xf32>
      %mul3A_1690 = arith.mulf %broadcast_in_dim3A_1686, %mul3A_1689 : vector<16xf32>
      %mul3A_1691 = arith.mulf %mul3A_1680, %mul3A_1690 : vector<16xf32>
      %add3A_1692 = arith.addf %add3A_1675, %mul3A_1691 : vector<16xf32>
      %get3A_1693 = arith.constant 27 : i32
      %get3A_1694 = arith.index_cast %get3A_1693 : i32 to index
      %get3A_1695 = arith.index_cast %mul3A_24 : i32 to index
      %get3A_1696 = tpu.vector_load %arg19[%get3A_1694, %get3A_1695] {strides = array<i32>} : memref<32x512xf32, #tpu.memory_space<vmem>>, vector<16xf32>,
      %mul3A_1697 = arith.mulf %get3A_1696, %mul3A_1231 : vector<16xf32>
      %swap3A_1698 = arith.constant 27 : i32
      %swap3A_1699 = arith.index_cast %swap3A_1698 : i32 to index
      %swap3A_1700 = arith.index_cast %mul3A_24 : i32 to index
      %swap3A_1701 = tpu.vector_load %arg19[%swap3A_1699, %swap3A_1700] {strides = array<i32>} : memref<32x512xf32, #tpu.memory_space<vmem>>, vector<16xf32>,
      tpu.vector_store %arg19[%swap3A_1699, %swap3A_1700], %mul3A_1697 {strides = array<i32>} : memref<32x512xf32, #tpu.memory_space<vmem>>, vector<16xf32>,
      %broadcast_in_dim3A_1702 = arith.constant 1.000000e+00 : f32
      %broadcast_in_dim3A_1703 = vector.broadcast %broadcast_in_dim3A_1702 : f32 to vector<16xf32>
      %slice3A_1704 = vector.extract_strided_slice %get3A_9 {offsets = [11], sizes = [1], strides = [1]} : vector<16xf32> to vector<1xf32>
      %squeeze3A_1705 = vector.extract %slice3A_1704[0] : f32 from vector<1xf32>
      %mul3A_1706 = vector.broadcast %squeeze3A_1705 : f32 to vector<16xf32>
      %mul3A_1707 = arith.mulf %broadcast_in_dim3A_1703, %mul3A_1706 : vector<16xf32>
      %mul3A_1708 = arith.mulf %mul3A_1697, %mul3A_1707 : vector<16xf32>
      %add3A_1709 = arith.addf %add3A_1692, %mul3A_1708 : vector<16xf32>
      %get3A_1710 = arith.constant 28 : i32
      %get3A_1711 = arith.index_cast %get3A_1710 : i32 to index
      %get3A_1712 = arith.index_cast %mul3A_24 : i32 to index
      %get3A_1713 = tpu.vector_load %arg19[%get3A_1711, %get3A_1712] {strides = array<i32>} : memref<32x512xf32, #tpu.memory_space<vmem>>, vector<16xf32>,
      %mul3A_1714 = arith.mulf %get3A_1713, %mul3A_1231 : vector<16xf32>
      %swap3A_1715 = arith.constant 28 : i32
      %swap3A_1716 = arith.index_cast %swap3A_1715 : i32 to index
      %swap3A_1717 = arith.index_cast %mul3A_24 : i32 to index
      %swap3A_1718 = tpu.vector_load %arg19[%swap3A_1716, %swap3A_1717] {strides = array<i32>} : memref<32x512xf32, #tpu.memory_space<vmem>>, vector<16xf32>,
      tpu.vector_store %arg19[%swap3A_1716, %swap3A_1717], %mul3A_1714 {strides = array<i32>} : memref<32x512xf32, #tpu.memory_space<vmem>>, vector<16xf32>,
      %broadcast_in_dim3A_1719 = arith.constant 1.000000e+00 : f32
      %broadcast_in_dim3A_1720 = vector.broadcast %broadcast_in_dim3A_1719 : f32 to vector<16xf32>
      %slice3A_1721 = vector.extract_strided_slice %get3A_9 {offsets = [12], sizes = [1], strides = [1]} : vector<16xf32> to vector<1xf32>
      %squeeze3A_1722 = vector.extract %slice3A_1721[0] : f32 from vector<1xf32>
      %mul3A_1723 = vector.broadcast %squeeze3A_1722 : f32 to vector<16xf32>
      %mul3A_1724 = arith.mulf %broadcast_in_dim3A_1720, %mul3A_1723 : vector<16xf32>
      %mul3A_1725 = arith.mulf %mul3A_1714, %mul3A_1724 : vector<16xf32>
      %add3A_1726 = arith.addf %add3A_1709, %mul3A_1725 : vector<16xf32>
      %get3A_1727 = arith.constant 29 : i32
      %get3A_1728 = arith.index_cast %get3A_1727 : i32 to index
      %get3A_1729 = arith.index_cast %mul3A_24 : i32 to index
      %get3A_1730 = tpu.vector_load %arg19[%get3A_1728, %get3A_1729] {strides = array<i32>} : memref<32x512xf32, #tpu.memory_space<vmem>>, vector<16xf32>,
      %mul3A_1731 = arith.mulf %get3A_1730, %mul3A_1231 : vector<16xf32>
      %swap3A_1732 = arith.constant 29 : i32
      %swap3A_1733 = arith.index_cast %swap3A_1732 : i32 to index
      %swap3A_1734 = arith.index_cast %mul3A_24 : i32 to index
      %swap3A_1735 = tpu.vector_load %arg19[%swap3A_1733, %swap3A_1734] {strides = array<i32>} : memref<32x512xf32, #tpu.memory_space<vmem>>, vector<16xf32>,
      tpu.vector_store %arg19[%swap3A_1733, %swap3A_1734], %mul3A_1731 {strides = array<i32>} : memref<32x512xf32, #tpu.memory_space<vmem>>, vector<16xf32>,
      %broadcast_in_dim3A_1736 = arith.constant 1.000000e+00 : f32
      %broadcast_in_dim3A_1737 = vector.broadcast %broadcast_in_dim3A_1736 : f32 to vector<16xf32>
      %slice3A_1738 = vector.extract_strided_slice %get3A_9 {offsets = [13], sizes = [1], strides = [1]} : vector<16xf32> to vector<1xf32>
      %squeeze3A_1739 = vector.extract %slice3A_1738[0] : f32 from vector<1xf32>
      %mul3A_1740 = vector.broadcast %squeeze3A_1739 : f32 to vector<16xf32>
      %mul3A_1741 = arith.mulf %broadcast_in_dim3A_1737, %mul3A_1740 : vector<16xf32>
      %mul3A_1742 = arith.mulf %mul3A_1731, %mul3A_1741 : vector<16xf32>
      %add3A_1743 = arith.addf %add3A_1726, %mul3A_1742 : vector<16xf32>
      %get3A_1744 = arith.constant 30 : i32
      %get3A_1745 = arith.index_cast %get3A_1744 : i32 to index
      %get3A_1746 = arith.index_cast %mul3A_24 : i32 to index
      %get3A_1747 = tpu.vector_load %arg19[%get3A_1745, %get3A_1746] {strides = array<i32>} : memref<32x512xf32, #tpu.memory_space<vmem>>, vector<16xf32>,
      %mul3A_1748 = arith.mulf %get3A_1747, %mul3A_1231 : vector<16xf32>
      %swap3A_1749 = arith.constant 30 : i32
      %swap3A_1750 = arith.index_cast %swap3A_1749 : i32 to index
      %swap3A_1751 = arith.index_cast %mul3A_24 : i32 to index
      %swap3A_1752 = tpu.vector_load %arg19[%swap3A_1750, %swap3A_1751] {strides = array<i32>} : memref<32x512xf32, #tpu.memory_space<vmem>>, vector<16xf32>,
      tpu.vector_store %arg19[%swap3A_1750, %swap3A_1751], %mul3A_1748 {strides = array<i32>} : memref<32x512xf32, #tpu.memory_space<vmem>>, vector<16xf32>,
      %broadcast_in_dim3A_1753 = arith.constant 1.000000e+00 : f32
      %broadcast_in_dim3A_1754 = vector.broadcast %broadcast_in_dim3A_1753 : f32 to vector<16xf32>
      %slice3A_1755 = vector.extract_strided_slice %get3A_9 {offsets = [14], sizes = [1], strides = [1]} : vector<16xf32> to vector<1xf32>
      %squeeze3A_1756 = vector.extract %slice3A_1755[0] : f32 from vector<1xf32>
      %mul3A_1757 = vector.broadcast %squeeze3A_1756 : f32 to vector<16xf32>
      %mul3A_1758 = arith.mulf %broadcast_in_dim3A_1754, %mul3A_1757 : vector<16xf32>
      %mul3A_1759 = arith.mulf %mul3A_1748, %mul3A_1758 : vector<16xf32>
      %add3A_1760 = arith.addf %add3A_1743, %mul3A_1759 : vector<16xf32>
      %get3A_1761 = arith.constant 31 : i32
      %get3A_1762 = arith.index_cast %get3A_1761 : i32 to index
      %get3A_1763 = arith.index_cast %mul3A_24 : i32 to index
      %get3A_1764 = tpu.vector_load %arg19[%get3A_1762, %get3A_1763] {strides = array<i32>} : memref<32x512xf32, #tpu.memory_space<vmem>>, vector<16xf32>,
      %mul3A_1765 = arith.mulf %get3A_1764, %mul3A_1231 : vector<16xf32>
      %swap3A_1766 = arith.constant 31 : i32
      %swap3A_1767 = arith.index_cast %swap3A_1766 : i32 to index
      %swap3A_1768 = arith.index_cast %mul3A_24 : i32 to index
      %swap3A_1769 = tpu.vector_load %arg19[%swap3A_1767, %swap3A_1768] {strides = array<i32>} : memref<32x512xf32, #tpu.memory_space<vmem>>, vector<16xf32>,
      tpu.vector_store %arg19[%swap3A_1767, %swap3A_1768], %mul3A_1765 {strides = array<i32>} : memref<32x512xf32, #tpu.memory_space<vmem>>, vector<16xf32>,
      %broadcast_in_dim3A_1770 = arith.constant 1.000000e+00 : f32
      %broadcast_in_dim3A_1771 = vector.broadcast %broadcast_in_dim3A_1770 : f32 to vector<16xf32>
      %slice3A_1772 = vector.extract_strided_slice %get3A_9 {offsets = [15], sizes = [1], strides = [1]} : vector<16xf32> to vector<1xf32>
      %squeeze3A_1773 = vector.extract %slice3A_1772[0] : f32 from vector<1xf32>
      %mul3A_1774 = vector.broadcast %squeeze3A_1773 : f32 to vector<16xf32>
      %mul3A_1775 = arith.mulf %broadcast_in_dim3A_1771, %mul3A_1774 : vector<16xf32>
      %mul3A_1776 = arith.mulf %mul3A_1765, %mul3A_1775 : vector<16xf32>
      %add3A_1777 = arith.addf %add3A_1760, %mul3A_1776 : vector<16xf32>
      %mul3A_1778 = arith.mulf %mul3A_1199, %add3A_1777 : vector<16xf32>
      %add3A_1779 = arith.addf %mul3A_1778, %mul3A_16 : vector<16xf32>
      %neg3A = arith.constant 0.000000e+00 : f32
      %neg3A_1780 = vector.broadcast %neg3A : f32 to vector<16xf32>
      %neg3A_1781 = arith.subf %neg3A_1780, %add3A_1779 : vector<16xf32>
      %exp3A = math.exp %neg3A_1781 : vector<16xf32>
      %add3A_1782 = arith.constant 1.000000e+00 : f32
      %add3A_1783 = vector.broadcast %add3A_1782 : f32 to vector<16xf32>
      %add3A_1784 = arith.addf %add3A_1783, %exp3A : vector<16xf32>
      %div3A = arith.constant 1.000000e+00 : f32
      %div3A_1785 = vector.broadcast %div3A : f32 to vector<16xf32>
      %div3A_1786 = arith.divf %div3A_1785, %add3A_1784 : vector<16xf32>
      %swap3A_1787 = arith.index_cast %mul3A_24 : i32 to index
      %swap3A_1788 = tpu.vector_load %arg17[%swap3A_1787] {strides = array<i32>} : memref<512xf32, #tpu.memory_space<vmem>>, vector<16xf32>,
      tpu.vector_store %arg17[%swap3A_1787], %mul3A_1199 {strides = array<i32>} : memref<512xf32, #tpu.memory_space<vmem>>, vector<16xf32>,
      %swap3A_1789 = arith.index_cast %mul3A_24 : i32 to index
      %swap3A_1790 = tpu.vector_load %arg18[%swap3A_1789] {strides = array<i32>} : memref<512xf32, #tpu.memory_space<vmem>>, vector<16xf32>,
      tpu.vector_store %arg18[%swap3A_1789], %div3A_1786 {strides = array<i32>} : memref<512xf32, #tpu.memory_space<vmem>>, vector<16xf32>,
    }
    %scan3A_21 = arith.constant 32 : i32
    "tpu.region"() ({
      %run_scoped3A = tpu.sem_alloc : memref<!tpu.dma_semaphore, #tpu.memory_space<semaphore_mem>>
      %dma_start3A = tpu.memref_slice %arg6[%mul3A_2] : memref<16384xf32, #tpu.memory_space<hbm>> -> memref<512xf32, #tpu.memory_space<hbm>>
      %dma_start3A_22 = tpu.memref_slice %arg6[%mul3A_2] : memref<16384xf32, #tpu.memory_space<hbm>> -> memref<512xf32, #tpu.memory_space<hbm>>
      tpu.enqueue_dma source(%arg18 : memref<512xf32, #tpu.memory_space<vmem>>) target(%dma_start3A_22 : memref<512xf32, #tpu.memory_space<hbm>>) target_semaphore(%run_scoped3A : memref<!tpu.dma_semaphore, #tpu.memory_space<semaphore_mem>>)
      %dma_wait3A = tpu.memref_slice %arg6[%mul3A_2] : memref<16384xf32, #tpu.memory_space<hbm>> -> memref<512xf32, #tpu.memory_space<hbm>>
      %dma_wait3A_23 = tpu.memref_slice %arg6[%mul3A_2] : memref<16384xf32, #tpu.memory_space<hbm>> -> memref<512xf32, #tpu.memory_space<hbm>>
      tpu.wait_dma2 semaphore(%run_scoped3A : memref<!tpu.dma_semaphore, #tpu.memory_space<semaphore_mem>>) src(%arg18 : memref<512xf32, #tpu.memory_space<vmem>>) dst(%dma_wait3A_23 : memref<512xf32, #tpu.memory_space<hbm>>)
      tpu.yield
    }) : () -> ()
    "tpu.region"() ({
      %run_scoped3A = tpu.sem_alloc : memref<!tpu.dma_semaphore, #tpu.memory_space<semaphore_mem>>
      %dma_start3A = tpu.memref_slice %arg7[%mul3A_2] : memref<16384xf32, #tpu.memory_space<hbm>> -> memref<512xf32, #tpu.memory_space<hbm>>
      %dma_start3A_22 = tpu.memref_slice %arg7[%mul3A_2] : memref<16384xf32, #tpu.memory_space<hbm>> -> memref<512xf32, #tpu.memory_space<hbm>>
      tpu.enqueue_dma source(%arg17 : memref<512xf32, #tpu.memory_space<vmem>>) target(%dma_start3A_22 : memref<512xf32, #tpu.memory_space<hbm>>) target_semaphore(%run_scoped3A : memref<!tpu.dma_semaphore, #tpu.memory_space<semaphore_mem>>)
      %dma_wait3A = tpu.memref_slice %arg7[%mul3A_2] : memref<16384xf32, #tpu.memory_space<hbm>> -> memref<512xf32, #tpu.memory_space<hbm>>
      %dma_wait3A_23 = tpu.memref_slice %arg7[%mul3A_2] : memref<16384xf32, #tpu.memory_space<hbm>> -> memref<512xf32, #tpu.memory_space<hbm>>
      tpu.wait_dma2 semaphore(%run_scoped3A : memref<!tpu.dma_semaphore, #tpu.memory_space<semaphore_mem>>) src(%arg17 : memref<512xf32, #tpu.memory_space<vmem>>) dst(%dma_wait3A_23 : memref<512xf32, #tpu.memory_space<hbm>>)
      tpu.yield
    }) : () -> ()
    "tpu.region"() ({
      %run_scoped3A = tpu.sem_alloc : memref<!tpu.dma_semaphore, #tpu.memory_space<semaphore_mem>>
      %dma_start3A = arith.constant 0 : i32
      %dma_start3A_22 = tpu.memref_slice %arg8[%dma_start3A, %mul3A_2] : memref<32x16384xf32, #tpu.memory_space<hbm>> -> memref<32x512xf32, #tpu.memory_space<hbm>>
      %dma_start3A_23 = arith.constant 0 : i32
      %dma_start3A_24 = tpu.memref_slice %arg8[%dma_start3A_23, %mul3A_2] : memref<32x16384xf32, #tpu.memory_space<hbm>> -> memref<32x512xf32, #tpu.memory_space<hbm>>
      tpu.enqueue_dma source(%arg19 : memref<32x512xf32, #tpu.memory_space<vmem>>) target(%dma_start3A_24 : memref<32x512xf32, #tpu.memory_space<hbm>>) target_semaphore(%run_scoped3A : memref<!tpu.dma_semaphore, #tpu.memory_space<semaphore_mem>>)
      %dma_wait3A = arith.constant 0 : i32
      %dma_wait3A_25 = tpu.memref_slice %arg8[%dma_wait3A, %mul3A_2] : memref<32x16384xf32, #tpu.memory_space<hbm>> -> memref<32x512xf32, #tpu.memory_space<hbm>>
      %dma_wait3A_26 = arith.constant 0 : i32
      %dma_wait3A_27 = tpu.memref_slice %arg8[%dma_wait3A_26, %mul3A_2] : memref<32x16384xf32, #tpu.memory_space<hbm>> -> memref<32x512xf32, #tpu.memory_space<hbm>>
      tpu.wait_dma2 semaphore(%run_scoped3A : memref<!tpu.dma_semaphore, #tpu.memory_space<semaphore_mem>>) src(%arg19 : memref<32x512xf32, #tpu.memory_space<vmem>>) dst(%dma_wait3A_27 : memref<32x512xf32, #tpu.memory_space<hbm>>)
      tpu.yield
    }) : () -> ()
    return
  }
}

</mosaic_0001>

<sc_bundles>
// kernel: _run.3.cloned.1.call-start
scs
__scs_entry_jumppad:
0x0: {  	(pc) =	sbr.rel $0x88, $3  }
0x1: {  	(tag) =	ssettag $0x0;
	lr =	simm.s32 $0x1  }
0x2: {  	[smem:$0x3F9D] =	sst lr;
	_ =	strace $0xD0000000  }
0x3: {  	_ = 	snop  }
0x4: {  	_ = 	snop  }
0x5: {  	_ = 	snop  }
0x6: {  	_ = 	snop  }
0x7: {  	_ = 	snop  }
__scs_overlays_trampoline_lowered:
0x8: {  	[smem:$0x3FAC] =	sst s0  }
0x9: {  	[smem:$0x3FAD] =	sst s1  }
0xa: {  	[smem:$0x3FAE] =	sst s2  }
0xb: {  	[smem:$0x3FAF] =	sst s3  }
0xc: {  	[smem:$0x3FB0] =	sst s4  }
0xd: {  	[smem:$0x3FB1] =	sst s5  }
0xe: {  	[smem:$0x3FB2] =	sst s6  }
0xf: {  	[smem:$0x3FB3] =	sst s7  }
0x10: {  	[smem:$0x3FB4] =	sst s8  }
0x11: {  	[smem:$0x3FB5] =	sst s9;
	s0 =	simm.s32 @!p0 $0x0  }
0x12: {  	s1 =	sld [smem:$0x3F9B];
	s0 =	simm.s32 @p0 $0x1  }
0x13: {  	[smem:$0x3FB6] =	sst s0;
	s0 =	simm.s32 @!p1 $0x0  }
0x14: {  	s2 =	sld [smem:$0x3F9A];
	s0 =	simm.s32 @p1 $0x1  }
0x15: {  	[smem:$0x3FB7] =	sst s0;
	s0 =	simm.s32 @!p2 $0x0  }
0x16: {  	s3 =	sld [smem:$0x3FDB];
	s0 =	simm.s32 @p2 $0x1  }
0x17: {  	s4 =	simm.s32 $0x1BF5;
	[smem:$0x3FB9] =	sst s0  }
0x18: {  	s0 =	sld [smem:$0x3F9C];
	_ =	swait.ge [sflag:s4], $0x0  }
0x19: {  	s7 =	sld [smem:$0x3F9D]  }
0x1a: {  	s8 =	sadd.s32 $0xFFFFE003, lr  }
0x1b: {  	s9 =	sadd.s32 $0xFFFFFEF7, lr;
	s5 =	simm.s32 $0xFFFFFFFF;
	p2 =	slt.u32 s8, $0xFFFFF086  }
0x1c: {  	p1 =	slt.u32 s9, $0xF7A;
	s5 =	simm.s32 @!p2 $0x0  }
0x1d: {  	s5 =	simm.s32 @p1 $0x1;
	p0 =	seq.s32 s7, s2  }
0x1e: {  	s7 =	smul.u32 @!p0 $0xF7A, s2;
	p2 =	seq.s32 @!p0 s5, $0x0  }
0x1f: {  	s9 =	smul.u32 $0xF7A, s1;
	s8 =	simm.s32 @!p0 $0x1BF5;
	p2 =	por !p2, p0  }
0x20: {  	[sflag:s8] =	ssyncset.s32 @!p0 $0xFFFFF086;
	s6 =	sadd.s32 @!p0 s3, s7;
	s7 =	simm.s32 @!p0 $0x108  }
0x21: {  	s3 =	sadd.s32 s3, s9;
	s6 =	sadd.s32 @!p0 $0x88, s6;
	s7 =	simm.s32 @p2 $0x1082  }
0x22: {  	[simem:s7], [sflag:s8] =	dma.local @!p0 [hbm:s6], $0xF7A  }
0x23: {  	s9 =	sor.u32 $0xD0000000, s2;
	s6 =	simm.s32 $0x108;
	_ =	swait.ge @!p0 [sflag:s8], $0x0  }
0x24: {  	s3 =	sadd.s32 $0x88, s3;
	s6 =	simm.s32 @!p1 $0x1082;
	[sflag:s4] =	ssyncset.s32 $0xFFFFF086  }
0x25: {  	[simem:s6], [sflag:s4] =	dma.local [hbm:s3], $0xF7A  }
0x26: {  	[smem:$0x3F9D] =	sst s1;
	(tag) =	ssettag s2;
	_ =	strace s9  }
0x27: {  	s1 =	sld [smem:$0x3FAD]  }
0x28: {  	s2 =	sld [smem:$0x3FAE]  }
0x29: {  	s4 =	sld [smem:$0x3FB0]  }
0x2a: {  	p0 =	seq.s32 s5, $0x0;
	s5 =	sld [smem:$0x3FB1]  }
0x2b: {  	s6 =	sld [smem:$0x3FB2]  }
0x2c: {  	s7 =	sld [smem:$0x3FB3]  }
0x2d: {  	s3 =	simm.s32 $0x108;
	s8 =	sld [smem:$0x3FB4]  }
0x2e: {  	s3 =	simm.s32 @!p0 $0x1082;
	s9 =	sld [smem:$0x3FB5]  }
0x2f: {  	lr =	sadd.s32 s0, s3;
	s0 =	sld [smem:$0x3FAC]  }
0x30: {  	s3 =	sld [smem:$0x3FAF]  }
0x31: {  	[smem:$0x3FB8] =	sst s10  }
0x32: {  	s10 =	sld [smem:$0x3FB6];
	_ =	sdelay $0x3  }
0x33: {  	p0 =	seq.s32 s10, $0x1;
	s10 =	sld [smem:$0x3FB8];
	_ =	sdelay $0x3  }
0x34: {  	[smem:$0x3FB8] =	sst s10  }
0x35: {  	s10 =	sld [smem:$0x3FB7];
	_ =	sdelay $0x3  }
0x36: {  	p1 =	seq.s32 s10, $0x1;
	s10 =	sld [smem:$0x3FB8];
	_ =	sdelay $0x3  }
0x37: {  	[smem:$0x3FB8] =	sst s10  }
0x38: {  	s10 =	sld [smem:$0x3FB9]  }
0x39: {  	_ = 	snop;
	(pc) =	sbr.ind lr, $3  }
0x3a: {  	_ = 	snop  }
0x3b: {  	_ = 	snop  }
0x3c: {  	p2 =	seq.s32 s10, $0x1;
	s10 =	sld [smem:$0x3FB8]  }
0x3d: {  	_ =	shalt  }
0x3e: {  	_ =	shalt  }
0x3f: {  	_ =	shalt  }
0x40: {  	_ =	shalt  }
0x41: {  	_ =	shalt  }
0x42: {  	_ =	shalt  }
0x43: {  	_ =	shalt  }
0x44: {  	_ =	shalt  }
0x45: {  	_ =	shalt  }
0x46: {  	_ =	shalt  }
0x47: {  	_ =	shalt  }
0x48: {  	_ =	shalt  }
0x49: {  	_ =	shalt  }
0x4a: {  	_ =	shalt  }
0x4b: {  	_ =	shalt  }
0x4c: {  	_ =	shalt  }
0x4d: {  	_ =	shalt  }
0x4e: {  	_ =	shalt  }
0x4f: {  	_ =	shalt  }
0x50: {  	_ =	shalt  }
0x51: {  	_ =	shalt  }
0x52: {  	_ =	shalt  }
0x53: {  	_ =	shalt  }
0x54: {  	_ =	shalt  }
0x55: {  	_ =	shalt  }
0x56: {  	_ =	shalt  }
0x57: {  	_ =	shalt  }
0x58: {  	_ =	shalt  }
0x59: {  	_ =	shalt  }
0x5a: {  	_ =	shalt  }
0x5b: {  	_ =	shalt  }
0x5c: {  	_ =	shalt  }
0x5d: {  	_ =	shalt  }
0x5e: {  	_ =	shalt  }
0x5f: {  	_ =	shalt  }
0x60: {  	_ =	shalt  }
0x61: {  	_ =	shalt  }
0x62: {  	_ =	shalt  }
0x63: {  	_ =	shalt  }
0x64: {  	_ =	shalt  }
0x65: {  	_ =	shalt  }
0x66: {  	_ =	shalt  }
0x67: {  	_ =	shalt  }
0x68: {  	_ =	shalt  }
0x69: {  	_ =	shalt  }
0x6a: {  	_ =	shalt  }
0x6b: {  	_ =	shalt  }
0x6c: {  	_ =	shalt  }
0x6d: {  	_ =	shalt  }
0x6e: {  	_ =	shalt  }
0x6f: {  	_ =	shalt  }
0x70: {  	_ =	shalt  }
0x71: {  	_ =	shalt  }
0x72: {  	_ =	shalt  }
0x73: {  	_ =	shalt  }
0x74: {  	_ =	shalt  }
0x75: {  	_ =	shalt  }
0x76: {  	_ =	shalt  }
0x77: {  	_ =	shalt  }
0x78: {  	_ =	shalt  }
0x79: {  	_ =	shalt  }
0x7a: {  	_ =	shalt  }
0x7b: {  	_ =	shalt  }
0x7c: {  	_ =	shalt  }
0x7d: {  	_ =	shalt  }
0x7e: {  	_ =	shalt  }
0x7f: {  	_ =	shalt  }
0x80: {  	_ =	shalt  }
0x81: {  	_ =	shalt  }
0x82: {  	_ =	shalt  }
0x83: {  	_ =	shalt  }
0x84: {  	_ =	shalt  }
0x85: {  	_ =	shalt  }
0x86: {  	_ =	shalt  }
0x87: {  	_ =	shalt  }
.Lfunc_end0:
.L_simem_size_0:
called_computation_lowered:
.L_overlay_start_0:
0x88: {  	s2 =	sld [smem:$0x3FD9]  }
0x89: {  	s3 =	sld [smem:$0x3FFE];
	_ =	sdelay $0x1  }
0x8a: {  	s1 =	srdreg.scid  }
0x8b: {  	s0 =	sand.u32 $0x1, s1  }
0x8c: {  	s15 =	sshll.u32 s0, $0xA;
	s2 =	sadd.s32 s3, s2  }
0x8d: {  	s2 =	sadd.s32 s2, s15  }
0x8e: {  	[smem:$0x3FC4] =	sst s2  }
0x8f: {  	_ = 	snop  }
0x90: {  	s2 =	sld [smem:$0x3FC9]  }
0x91: {  	s16 =	sld [smem:$0x3FD0]  }
0x92: {  	s4 =	sld [smem:$0x3FC8]  }
0x93: {  	s5 =	sld [smem:$0x3FC7]  }
0x94: {  	s7 =	simm.s32 $0xA;
	s8 =	simm.s32 $0x10;
	s6 =	sld [smem:$0x3FC6]  }
0x95: {  	[smem:s8], [sflag:s7] =	dma.local [hbm:s16], $0x1  }
0x96: {  	_ =	swait.eq [sflag:s7], $0x1  }
0x97: {  	s17 =	sld [smem:$0x10];
	[sflag:s7] =	ssyncset.done $0x0  }
0x98: {  	s18 =	sld [smem:$0x11];
	[sflag:s7] =	ssyncadd.s32 $0xFFFFFFFF  }
0x99: {  	s19 =	sld [smem:$0x12];
	(tm) =	ssettm $0x1  }
0x9a: {  	s9 =	sld [smem:$0x3FFB];
	_ =	sdelay $0x3  }
0x9b: {  	_ =	strace s9  }
0x9c: {  	s9 =	sld [smem:$0x3FFC];
	_ =	sdelay $0x3  }
0x9d: {  	_ =	strace s9  }
0x9e: {  	s9 =	sld [smem:$0x3FFD];
	_ =	sdelay $0x3  }
0x9f: {  	_ =	strace s9  }
0xa0: {  	_ =	strace $0x8FFFFFFF  }
0xa1: {  	s20 =	sld [smem:$0x3FDB];
	_ =	sdelay $0x1  }
0xa2: {  	s10 =	simm.s32 $_scs_section_size  }
0xa3: {  	s11 =	simm.s32 $_size__tile_overlayer_lowered;
	s12 =	simm.s32 $_tile_overlayer_lowered  }
0xa4: {  	s23 =	simm.s32 $0x1BFF;
	s22 =	sshll.u32 s12, $0x1;
	s9 =	sadd.s32 s10, s20  }
0xa5: {  	s13 =	simm.s32 $0x0;
	s21 =	sshll.u32 s11, $0x1;
	s11 =	sadd.s32 s22, s9  }
0xa6: {  	[timem:s13], [sflag:s23] =	dma.local [hbm:s11], s21  }
0xa7: {  	_ =	swait.ge [sflag:s23], s21  }
0xa8: {  	s10 =	ssub.s32 $0x0, s21;
	[sflag:s23] =	ssyncset.done $0x0  }
0xa9: {  	[sflag:s23] =	ssyncadd.s32 s10;
	_ =	sdelay $0x1  }
0xaa: {  	s24 =	simm.s32 $0x1B8B  }
0xab: {  	_ =	swait.ge [sflag:s24], $0x1  }
0xac: {  	[sflag:s24] =	ssyncset.done $0x0  }
0xad: {  	s25 =	simm.s32 $0x1B8E;
	[sflag:s24] =	ssyncadd.s32 $0xFFFFFFFF  }
0xae: {  	s26 =	simm.s32 $execute0_lowered;
	[smem:$0x3FD2] =	sst s25  }
0xaf: {  	s10 =	sshll.u32 s26, $0x1;
	_ =	strace $0x80000046;
	[dreg:$0x1] =	wrdreg $0xFFFFFFFF  }
0xb0: {  	s28 =	simm.s32 $_size_execute0_lowered;
	s9 =	sadd.s32 s9, s10;
	[dreg:$0x0] =	wrdreg $0x0  }
0xb1: {  	s10 =	sshll.u32 s28, $0x1;
	[dreg:$0x2] =	wrdreg s9  }
0xb2: {  	[dreg:$0x3] =	wrdreg s10  }
0xb3: {  	[dreg:$0x4] =	wrdreg $0xC0  }
0xb4: {  	_ =	task [dreg:s13], $0x5FFFF  }
0xb5: {  	[dreg:$0x1] =	wrdreg $0xFFFFFFFF  }
0xb6: {  	[dreg:$0x0] =	wrdreg $0x60  }
0xb7: {  	[dreg:$0x2] =	wrdreg s2  }
0xb8: {  	[dreg:$0x3] =	wrdreg s4  }
0xb9: {  	[dreg:$0x4] =	wrdreg s5  }
0xba: {  	[dreg:$0x5] =	wrdreg s6  }
0xbb: {  	[dreg:$0x6] =	wrdreg s17  }
0xbc: {  	[dreg:$0x7] =	wrdreg s18  }
0xbd: {  	[dreg:$0x8] =	wrdreg s19  }
0xbe: {  	[dreg:$0x9] =	wrdreg $0x2000  }
0xbf: {  	[dreg:$0xa] =	wrdreg $0x42000  }
0xc0: {  	[dreg:$0xb] =	wrdreg $0x82000  }
0xc1: {  	[dreg:$0xc] =	wrdreg $0xC2000  }
0xc2: {  	[dreg:$0xd] =	wrdreg $0x9  }
0xc3: {  	_ =	task.clear_ibuf [dreg:s13], $0xEFFFF;
	_ =	strace $0x90000046  }
0xc4: {  	s29 =	simm.s32 $0x9;
	_ =	strace $0x80000048  }
0xc5: {  	_ =	swait.ge [sflag:s29], $0x1  }
0xc6: {  	[sflag:s29] =	ssyncadd.s32 $0xFFFFFFFF  }
0xc7: {  	_ =	strace $0x90000048  }
0xc8: {  	_ =	sfence  }
0xc9: {  	s30 =	sld [smem:$0x0];
	_ =	sdelay $0x2  }
0xca: {  	s31 =	sshll.u32 s1, $0xD;
	s1 =	sshrl.u32 s1, $0x2  }
0xcb: {  	s3 =	sand.u32 $0x4000, s31;
	s1 =	sadd.s32 s1, s30  }
0xcc: {  	s0 =	sor.u32 s3, s0;
	s1 =	sshll.u32 s1, $0x11  }
0xcd: {  	s0 =	sor.u32 s1, s0  }
0xce: {  	s0 =	sadd.s32 $0x8F2B, s0  }
0xcf: {  	[sflag:s0] =	ssyncadd.remote.s32 $0x1  }
0xd0: {  	_ =	sfence.sel $0xFFFF  }
0xd1: {  	[dreg:$0x0] =	wrdreg $0xFFFFFFFF;
	(pc) =	sbr.abs _section_cstart, $3  }
0xd2: {  	[dreg:$0x1] =	wrdreg $0xFFFFFFFF  }
0xd3: {  	_ =	task.clear_ibuf [dreg:s13], $0x2FFFF;
	_ =	strace $0x9FFFFFFF  }
0xd4: {  	(tm) =	ssettm $0x7FFFFFFF  }
0xd5: {  	_ =	shalt  }
tec
execute0_lowered:
.L_overlay_start_1:
0x0: {  	(tag) =	ssettag $0x1  }
0x1: {  	s2 =	rddreg [dreg:$0x0]  }
0x2: {  	s0 =	rddreg [dreg:$0x1]  }
0x3: {  	s1 =	rddreg [dreg:$0x2]  }
0x4: {  	s3 =	rddreg [dreg:$0x4]  }
0x5: {  	s4 =	rddreg [dreg:$0x7]  }
0x6: {  	s6 =	rddreg [dreg:$0x8]  }
0x7: {  	s8 =	rddreg [dreg:$0x9]  }
0x8: {  	s5 =	srdreg.scid;
	s9 =	rddreg [dreg:$0xa]  }
0x9: {  	s13 =	stileid.u32;
	s30 =	simm.s32 $0x0;
	s25 =	rddreg [dreg:$0x5]  }
0xa: {  	s26 =	rddreg [dreg:$0x6];
	s28 =	simm.s32 $0x80;
	s29 =	simm.s32 $0x1  }
0xb: {  	s31 =	simm.s32 $0x2;
	s5 =	sand.u32 $0x1, s5;
	s7 =	sshll.u32 s13, $0x1  }
0xc: {  	[smem:$0x7FF] =	sst s30;
	s13 =	sshll.u32 s13, $0xE;
	s7 =	sor.u32 s5, s7  }
0xd: {  	s5 =	ssub.s32 $0x2, s5;
	s24 =	sor.u32 $0x1000, s13;
	s16 =	sor.u32 $0x2000, s13  }
0xe: {  	s17 =	sor.u32 $0x3000, s13;
	s20 =	sadd.s32 s13, s8;
	s21 =	sadd.s32 s13, s9  }
0xf: {  	s10 =	sshll.u32 s7, $0x9;
	s11 =	sshll.u32 s7, $0x7;
	s23 =	sshrl.u32 s5, $0x1  }
0x10: {  	s14 =	sadd.s32 s24, s4;
	s15 =	sadd.s32 s24, s6;
	s18 =	sadd.s32 s16, s4  }
0x11: {  	s19 =	sadd.s32 s16, s6;
	s22 =	sadd.s32 s24, s8;
	s7 =	sshll.u32 s7, $0x6  }
0x12: {  	s20 =	sshrl.u32 s20, $0x3;
	s21 =	sshrl.u32 s21, $0x3;
	s12 =	sand.u32 $0x3000, s10  }
0x13: {  	s11 =	sand.u32 $0x380, s11;
	s5 =	ssub.s32 s5, s23;
	s23 =	sadd.s32 s16, s8  }
0x14: {  	s8 =	sadd.s32 s17, s8;
	s3 =	sadd.s32 s3, s7;
	s14 =	sshrl.u32 s14, $0x3  }
0x15: {  	s15 =	sshrl.u32 s15, $0x3;
	s22 =	sshrl.u32 s22, $0x3;
	s11 =	sor.u32 s11, s12  }
0x16: {  	s12 =	sadd.s32 s13, s6;
	s6 =	sadd.s32 s17, s6;
	[dreg:$0xd] =	wrdreg s3  }
0x17: {  	s23 =	sshrl.u32 s23, $0x3;
	s3 =	simm.s32 $0xF4280;
	s11 =	sshrl.u32 s11, $0x3  }
0x18: {  	s12 =	sshrl.u32 s12, $0x3;
	s2 =	sadd.s32 s2, s11;
	s11 =	sadd.s32 s13, s4  }
0x19: {  	s4 =	sadd.s32 s17, s4;
	s13 =	sadd.s32 s25, s7;
	s25 =	smax.u32 s5, $0x1  }
0x1a: {  	s5 =	simm.s32 $0x3;
	[dreg:$0xc] =	wrdreg s2;
	s2 =	sadd.s32 s24, s9  }
0x1b: {  	s24 =	sadd.s32 s16, s9;
	s9 =	sadd.s32 s17, s9;
	[dreg:$0xe] =	wrdreg s13  }
0x1c: {  	s17 =	sadd.s32 s26, s10;
	s26 =	sshrl.u32 s11, $0x3;
	s16 =	sshrl.u32 s18, $0x3  }
0x1d: {  	s18 =	sshrl.u32 s4, $0x3;
	s4 =	simm.s32 $0x0;
	[dreg:$0xf] =	wrdreg s17  }
0x1e: {  	s17 =	sshrl.u32 s19, $0x3;
	_ =	strace $0x80000047;
	[dreg:$0x10] =	wrdreg s25  }
0x1f: {  	s19 =	sshrl.u32 s6, $0x3;
	s2 =	sshrl.u32 s2, $0x3;
	[dreg:$0x11] =	wrdreg s26  }
0x20: {  	s13 =	sshrl.u32 s9, $0x3;
	s6 =	simm.s32 $0x8;
	[dreg:$0x12] =	wrdreg s2  }
0x21: {  	s25 =	sshrl.u32 s24, $0x3;
	s24 =	smov.u32 s0;
	s26 =	sshrl.u32 s8, $0x3  }
.LBB2_1:
0x22: {  	[dreg:$0x13] =	wrdreg s4  }
0x23: {  	s2 =	rddreg [dreg:$0xc];
	s9 =	simm.s32 $0x400  }
0x24: {  	[tilespmem:s30], [sflag:$0x3] =	stream.strided.gather [hbm4b:s2+s28], $0x200, s9, s28, $0x38;
	[tilespmem:$0x16A00] =	vst v63  }
0x25: {  	_ =	swait.ge [sflag:s5], $0x200  }
0x26: {  	[sflag:s5] =	ssyncset.done $0x0  }
0x27: {  	[sflag:s5] =	ssyncadd.s32 $0xFFFFFE00  }
0x28: {  	s11 =	simm.s32 $0x12200;
	s10 =	rddreg [dreg:$0x3]  }
0x29: {  	[tilespmem:s11], [sflag:$0x3] =	stream.linear.gather [hbm4b:s10+s30], $0x400, $0x38;
	[tilespmem:$0x16A00] =	vst v63  }
0x2a: {  	_ =	swait.ge [sflag:s5], $0x400  }
0x2b: {  	[sflag:s5] =	ssyncset.done $0x0  }
0x2c: {  	[sflag:s5] =	ssyncadd.s32 $0xFFFFFC00  }
0x2d: {  	v0 =	vld [tilespmem:$0x12200];
	_ =	sdelay $0x4  }
0x2e: {  	v1 =	vbroadcast v0, $0x0  }
0x2f: {  	v44 =	vbroadcast v0, $0x1  }
0x30: {  	v45 =	vbroadcast v0, $0x2;
	[tilespmem:$0x1FEA0] =	vst v1  }
0x31: {  	v46 =	vbroadcast v0, $0x3;
	[tilespmem:$0x1FEB0] =	vst v44  }
0x32: {  	v47 =	vbroadcast v0, $0x4;
	[tilespmem:$0x1FEC0] =	vst v45  }
0x33: {  	v48 =	vbroadcast v0, $0x5;
	[tilespmem:$0x1FED0] =	vst v46  }
0x34: {  	v49 =	vbroadcast v0, $0x6;
	[tilespmem:$0x1FEE0] =	vst v47  }
0x35: {  	v50 =	vbroadcast v0, $0x7;
	[tilespmem:$0x1FEF0] =	vst v48  }
0x36: {  	v51 =	vbroadcast v0, $0x8;
	[tilespmem:$0x1FF00] =	vst v49  }
0x37: {  	v52 =	vbroadcast v0, $0x9;
	[tilespmem:$0x1FF10] =	vst v50  }
0x38: {  	v53 =	vbroadcast v0, $0xA;
	[tilespmem:$0x1FF20] =	vst v51  }
0x39: {  	v32 =	vld [tilespmem:$0x12210];
	v54 =	vbroadcast v0, $0xB;
	[tilespmem:$0x1FF30] =	vst v52  }
0x3a: {  	v55 =	vbroadcast v0, $0xC;
	[tilespmem:$0x1FF40] =	vst v53  }
0x3b: {  	v56 =	vbroadcast v0, $0xD;
	[tilespmem:$0x1FF50] =	vst v54  }
0x3c: {  	v57 =	vbroadcast v0, $0xE;
	[tilespmem:$0x1FF60] =	vst v55  }
0x3d: {  	v0 =	vbroadcast v0, $0xF;
	[tilespmem:$0x1FF70] =	vst v56  }
0x3e: {  	v58 =	vbroadcast v32, $0x0;
	v59 =	vbroadcast v32, $0x1;
	[tilespmem:$0x1FF80] =	vst v57  }
0x3f: {  	v60 =	vbroadcast v32, $0x2;
	v61 =	vbroadcast v32, $0x3;
	[tilespmem:$0x1FF90] =	vst v0  }
0x40: {  	v62 =	vbroadcast v32, $0x4;
	v63 =	vbroadcast v32, $0x5;
	[tilespmem:$0x1FFA0] =	vst v58  }
0x41: {  	v22 =	vbroadcast v32, $0x6;
	v23 =	vbroadcast v32, $0x7;
	[tilespmem:$0x1FFB0] =	vst v59  }
0x42: {  	v24 =	vbroadcast v32, $0x8;
	v25 =	vbroadcast v32, $0x9;
	[tilespmem:$0x1FFC0] =	vst v60  }
0x43: {  	v26 =	vbroadcast v32, $0xA;
	v27 =	vbroadcast v32, $0xB;
	[tilespmem:$0x1FFD0] =	vst v61  }
0x44: {  	s8 =	simm.s32 $0x12600;
	s4 =	simm.s32 $0x0;
	v28 =	vbroadcast v32, $0xC;
	v29 =	vbroadcast v32, $0xD;
	[tilespmem:$0x1FFE0] =	vst v62  }
0x45: {  	s2 =	simm.s32 $0x12800;
	s9 =	simm.s32 $0x0;
	s10 =	simm.s32 $0x0;
	v30 =	vld.msk [tilespmem:$0x12280 ss:$0x0], $0xffff;
	v31 =	vbroadcast v32, $0xE;
	v32 =	vbroadcast v32, $0xF;
	[tilespmem:$0x1FFF0] =	vst v63  }
.LBB2_2:
0x46: {  	v0 =	vld [tilespmem:s9+$0x0];
	_ =	sdelay $0x4  }
0x47: {  	v0 =	vand.u32 $0xFFFFFF80, v0  }
0x48: {  	(v2sf) =	vpush v0, $0x0;
	_ =	sdelay $0xd  }
0x49: {  	[dreg:$0x14] =	wrdreg s2;
	s5 =	stileid.u32  }
0x4a: {  	s0 =	rddreg [dreg:$0x11];
	s30 =	sshll.u32 s5, $0x6;
	s7 =	spop (v2sf)  }
0x4b: {  	s5 =	sor.u32 $0x1C01, s30;
	s11 =	sadd.s32 s24, s7;
	s2 =	sadd.s32 s1, s7  }
0x4c: {  	[spmem:s0@s28], [sflag:s5] =	dma.strided [hbm:s11@s3], $0x200, s6, $0x10   }
0x4d: {  	[spmem:s12@s28], [sflag:s5] =	dma.strided [hbm:s2@s3], $0x200, s6, $0x10   }
0x4e: {  	(v2sf) =	vpush v0, $0x1;
	_ =	sdelay $0xe  }
0x4f: {  	s2 =	spop (v2sf)  }
0x50: {  	s7 =	sadd.s32 s24, s2;
	s2 =	sadd.s32 s1, s2  }
0x51: {  	[spmem:s14@s28], [sflag:s5] =	dma.strided [hbm:s7@s3], $0x200, s6, $0x10   }
0x52: {  	[spmem:s15@s28], [sflag:s5] =	dma.strided [hbm:s2@s3], $0x200, s6, $0x10   }
0x53: {  	(v2sf) =	vpush v0, $0x2;
	_ =	sdelay $0xe  }
0x54: {  	s2 =	spop (v2sf)  }
0x55: {  	s7 =	sadd.s32 s24, s2;
	s2 =	sadd.s32 s1, s2  }
0x56: {  	[spmem:s16@s28], [sflag:s5] =	dma.strided [hbm:s7@s3], $0x200, s6, $0x10   }
0x57: {  	[spmem:s17@s28], [sflag:s5] =	dma.strided [hbm:s2@s3], $0x200, s6, $0x10   }
0x58: {  	(v2sf) =	vpush v0, $0x3;
	_ =	sdelay $0xe  }
0x59: {  	s2 =	spop (v2sf)  }
0x5a: {  	s7 =	sadd.s32 s24, s2;
	s2 =	sadd.s32 s1, s2  }
0x5b: {  	[spmem:s18@s28], [sflag:s5] =	dma.strided [hbm:s7@s3], $0x200, s6, $0x10   }
0x5c: {  	[spmem:s19@s28], [sflag:s5] =	dma.strided [hbm:s2@s3], $0x200, s6, $0x10   }
0x5d: {  	(v2sf) =	vpush v0, $0x4;
	_ =	sdelay $0xc  }
0x5e: {  	s7 =	smov.u32 s19;
	s19 =	smov.u32 s18  }
0x5f: {  	s18 =	smov.u32 s17;
	s17 =	smov.u32 s16;
	s16 =	smov.u32 s15  }
0x60: {  	s15 =	smov.u32 s14;
	s14 =	smov.u32 s12;
	s11 =	spop (v2sf)  }
0x61: {  	s2 =	sor.u32 $0x1C02, s30;
	s12 =	sadd.s32 s24, s11;
	s11 =	sadd.s32 s1, s11  }
0x62: {  	[spmem:s20@s28], [sflag:s2] =	dma.strided [hbm:s12@s3], $0x200, s6, $0x10   }
0x63: {  	[spmem:s21@s28], [sflag:s2] =	dma.strided [hbm:s11@s3], $0x200, s6, $0x10   }
0x64: {  	(v2sf) =	vpush v0, $0x5;
	_ =	sdelay $0xe  }
0x65: {  	s11 =	spop (v2sf)  }
0x66: {  	s30 =	sadd.s32 s24, s11  }
0x67: {  	[spmem:s22@s28], [sflag:s2] =	dma.strided [hbm:s30@s3], $0x200, s6, $0x10   }
0x68: {  	s11 =	sadd.s32 s1, s11;
	s30 =	rddreg [dreg:$0x12]  }
0x69: {  	[spmem:s30@s28], [sflag:s2] =	dma.strided [hbm:s11@s3], $0x200, s6, $0x10   }
0x6a: {  	(v2sf) =	vpush v0, $0x6;
	_ =	sdelay $0xe  }
0x6b: {  	s11 =	spop (v2sf)  }
0x6c: {  	s12 =	sadd.s32 s24, s11;
	s11 =	sadd.s32 s1, s11  }
0x6d: {  	[spmem:s23@s28], [sflag:s2] =	dma.strided [hbm:s12@s3], $0x200, s6, $0x10   }
0x6e: {  	[spmem:s25@s28], [sflag:s2] =	dma.strided [hbm:s11@s3], $0x200, s6, $0x10   }
0x6f: {  	(v2sf) =	vpush v0, $0x7;
	_ =	sdelay $0xe  }
0x70: {  	s11 =	spop (v2sf)  }
0x71: {  	s12 =	sadd.s32 s24, s11;
	s11 =	sadd.s32 s1, s11  }
0x72: {  	[spmem:s26@s28], [sflag:s2] =	dma.strided [hbm:s12@s3], $0x200, s6, $0x10   }
0x73: {  	[spmem:s13@s28], [sflag:s2] =	dma.strided [hbm:s11@s3], $0x200, s6, $0x10   }
0x74: {  	_ =	swait.ge [sflag:s29], $0x200  }
0x75: {  	[sflag:s29] =	ssyncset.done $0x0  }
0x76: {  	[sflag:s29] =	ssyncadd.s32 $0xFFFFFE00  }
0x77: {  	_ =	swait.ge [sflag:s29], $0x200  }
0x78: {  	[sflag:s29] =	ssyncset.done $0x0  }
0x79: {  	[sflag:s29] =	ssyncadd.s32 $0xFFFFFE00  }
0x7a: {  	_ =	swait.ge [sflag:s29], $0x200  }
0x7b: {  	[sflag:s29] =	ssyncset.done $0x0  }
0x7c: {  	[sflag:s29] =	ssyncadd.s32 $0xFFFFFE00  }
0x7d: {  	_ =	swait.ge [sflag:s29], $0x200  }
0x7e: {  	[sflag:s29] =	ssyncset.done $0x0  }
0x7f: {  	[sflag:s29] =	ssyncadd.s32 $0xFFFFFE00  }
0x80: {  	_ =	swait.ge [sflag:s29], $0x200  }
0x81: {  	[sflag:s29] =	ssyncset.done $0x0  }
0x82: {  	[sflag:s29] =	ssyncadd.s32 $0xFFFFFE00  }
0x83: {  	_ =	swait.ge [sflag:s29], $0x200  }
0x84: {  	[sflag:s29] =	ssyncset.done $0x0  }
0x85: {  	[sflag:s29] =	ssyncadd.s32 $0xFFFFFE00  }
0x86: {  	_ =	swait.ge [sflag:s29], $0x200  }
0x87: {  	[sflag:s29] =	ssyncset.done $0x0  }
0x88: {  	[sflag:s29] =	ssyncadd.s32 $0xFFFFFE00  }
0x89: {  	_ =	swait.ge [sflag:s29], $0x200  }
0x8a: {  	(v2sf) =	vpush v0, $0x8;
	_ =	sdelay $0xe  }
0x8b: {  	[sflag:s29] =	ssyncset.done $0x0;
	s11 =	spop (v2sf)  }
0x8c: {  	[sflag:s29] =	ssyncadd.s32 $0xFFFFFE00;
	s12 =	sadd.s32 s24, s11;
	s11 =	sadd.s32 s1, s11  }
0x8d: {  	[spmem:s0@s28], [sflag:s5] =	dma.strided [hbm:s12@s3], $0x200, s6, $0x10   }
0x8e: {  	[spmem:s14@s28], [sflag:s5] =	dma.strided [hbm:s11@s3], $0x200, s6, $0x10   }
0x8f: {  	(v2sf) =	vpush v0, $0x9;
	_ =	sdelay $0xe  }
0x90: {  	s11 =	spop (v2sf)  }
0x91: {  	s0 =	sadd.s32 s24, s11;
	s11 =	sadd.s32 s1, s11  }
0x92: {  	[spmem:s15@s28], [sflag:s5] =	dma.strided [hbm:s0@s3], $0x200, s6, $0x10   }
0x93: {  	[spmem:s16@s28], [sflag:s5] =	dma.strided [hbm:s11@s3], $0x200, s6, $0x10   }
0x94: {  	(v2sf) =	vpush v0, $0xA;
	_ =	sdelay $0xe  }
0x95: {  	s11 =	spop (v2sf)  }
0x96: {  	s0 =	sadd.s32 s24, s11;
	s11 =	sadd.s32 s1, s11  }
0x97: {  	[spmem:s17@s28], [sflag:s5] =	dma.strided [hbm:s0@s3], $0x200, s6, $0x10   }
0x98: {  	[spmem:s18@s28], [sflag:s5] =	dma.strided [hbm:s11@s3], $0x200, s6, $0x10   }
0x99: {  	(v2sf) =	vpush v0, $0xB;
	_ =	sdelay $0xe  }
0x9a: {  	s11 =	spop (v2sf)  }
0x9b: {  	s0 =	sadd.s32 s24, s11;
	s11 =	sadd.s32 s1, s11  }
0x9c: {  	[spmem:s19@s28], [sflag:s5] =	dma.strided [hbm:s0@s3], $0x200, s6, $0x10   }
0x9d: {  	[spmem:s7@s28], [sflag:s5] =	dma.strided [hbm:s11@s3], $0x200, s6, $0x10   }
0x9e: {  	_ =	swait.ge [sflag:s31], $0x200  }
0x9f: {  	[sflag:s31] =	ssyncset.done $0x0  }
0xa0: {  	[sflag:s31] =	ssyncadd.s32 $0xFFFFFE00  }
0xa1: {  	_ =	swait.ge [sflag:s31], $0x200  }
0xa2: {  	[sflag:s31] =	ssyncset.done $0x0  }
0xa3: {  	[sflag:s31] =	ssyncadd.s32 $0xFFFFFE00  }
0xa4: {  	_ =	swait.ge [sflag:s31], $0x200  }
0xa5: {  	[sflag:s31] =	ssyncset.done $0x0  }
0xa6: {  	[sflag:s31] =	ssyncadd.s32 $0xFFFFFE00  }
0xa7: {  	_ =	swait.ge [sflag:s31], $0x200  }
0xa8: {  	[sflag:s31] =	ssyncset.done $0x0  }
0xa9: {  	[sflag:s31] =	ssyncadd.s32 $0xFFFFFE00  }
0xaa: {  	_ =	swait.ge [sflag:s31], $0x200  }
0xab: {  	[sflag:s31] =	ssyncset.done $0x0  }
0xac: {  	[sflag:s31] =	ssyncadd.s32 $0xFFFFFE00  }
0xad: {  	_ =	swait.ge [sflag:s31], $0x200  }
0xae: {  	[sflag:s31] =	ssyncset.done $0x0  }
0xaf: {  	[sflag:s31] =	ssyncadd.s32 $0xFFFFFE00  }
0xb0: {  	_ =	swait.ge [sflag:s31], $0x200  }
0xb1: {  	[sflag:s31] =	ssyncset.done $0x0  }
0xb2: {  	[sflag:s31] =	ssyncadd.s32 $0xFFFFFE00  }
0xb3: {  	_ =	swait.ge [sflag:s31], $0x200  }
0xb4: {  	(v2sf) =	vpush v0, $0xC;
	_ =	sdelay $0xc  }
0xb5: {  	s12 =	smov.u32 s14;
	s14 =	smov.u32 s15;
	s15 =	smov.u32 s16  }
0xb6: {  	s16 =	smov.u32 s17;
	s17 =	smov.u32 s18;
	s18 =	smov.u32 s19  }
0xb7: {  	s19 =	smov.u32 s7;
	[sflag:s31] =	ssyncset.done $0x0;
	s7 =	spop (v2sf)  }
0xb8: {  	[sflag:s31] =	ssyncadd.s32 $0xFFFFFE00;
	s0 =	sadd.s32 s24, s7;
	s5 =	sadd.s32 s1, s7  }
0xb9: {  	[spmem:s20@s28], [sflag:s2] =	dma.strided [hbm:s0@s3], $0x200, s6, $0x10   }
0xba: {  	[spmem:s21@s28], [sflag:s2] =	dma.strided [hbm:s5@s3], $0x200, s6, $0x10   }
0xbb: {  	(v2sf) =	vpush v0, $0xD;
	_ =	sdelay $0xe  }
0xbc: {  	s5 =	spop (v2sf)  }
0xbd: {  	s7 =	sadd.s32 s24, s5;
	s5 =	sadd.s32 s1, s5  }
0xbe: {  	[spmem:s22@s28], [sflag:s2] =	dma.strided [hbm:s7@s3], $0x200, s6, $0x10   }
0xbf: {  	[spmem:s30@s28], [sflag:s2] =	dma.strided [hbm:s5@s3], $0x200, s6, $0x10   }
0xc0: {  	(v2sf) =	vpush v0, $0xE;
	_ =	sdelay $0xe  }
0xc1: {  	s5 =	spop (v2sf)  }
0xc2: {  	s0 =	sadd.s32 s24, s5;
	s5 =	sadd.s32 s1, s5  }
0xc3: {  	[spmem:s23@s28], [sflag:s2] =	dma.strided [hbm:s0@s3], $0x200, s6, $0x10   }
0xc4: {  	[spmem:s25@s28], [sflag:s2] =	dma.strided [hbm:s5@s3], $0x200, s6, $0x10   }
0xc5: {  	(v2sf) =	vpush v0, $0xF;
	_ =	sdelay $0xe  }
0xc6: {  	s5 =	spop (v2sf)  }
0xc7: {  	s7 =	sadd.s32 s24, s5;
	s5 =	sadd.s32 s1, s5  }
0xc8: {  	[spmem:s26@s28], [sflag:s2] =	dma.strided [hbm:s7@s3], $0x200, s6, $0x10   }
0xc9: {  	[spmem:s13@s28], [sflag:s2] =	dma.strided [hbm:s5@s3], $0x200, s6, $0x10   }
0xca: {  	_ =	swait.ge [sflag:s29], $0x200  }
0xcb: {  	[sflag:s29] =	ssyncset.done $0x0  }
0xcc: {  	[sflag:s29] =	ssyncadd.s32 $0xFFFFFE00  }
0xcd: {  	_ =	swait.ge [sflag:s29], $0x200  }
0xce: {  	[sflag:s29] =	ssyncset.done $0x0  }
0xcf: {  	[sflag:s29] =	ssyncadd.s32 $0xFFFFFE00  }
0xd0: {  	_ =	swait.ge [sflag:s29], $0x200  }
0xd1: {  	[sflag:s29] =	ssyncset.done $0x0  }
0xd2: {  	[sflag:s29] =	ssyncadd.s32 $0xFFFFFE00  }
0xd3: {  	_ =	swait.ge [sflag:s29], $0x200  }
0xd4: {  	[sflag:s29] =	ssyncset.done $0x0  }
0xd5: {  	[sflag:s29] =	ssyncadd.s32 $0xFFFFFE00  }
0xd6: {  	_ =	swait.ge [sflag:s29], $0x200  }
0xd7: {  	[sflag:s29] =	ssyncset.done $0x0  }
0xd8: {  	[sflag:s29] =	ssyncadd.s32 $0xFFFFFE00  }
0xd9: {  	_ =	swait.ge [sflag:s29], $0x200  }
0xda: {  	[sflag:s29] =	ssyncset.done $0x0  }
0xdb: {  	[sflag:s29] =	ssyncadd.s32 $0xFFFFFE00  }
0xdc: {  	_ =	swait.ge [sflag:s29], $0x200  }
0xdd: {  	[sflag:s29] =	ssyncset.done $0x0  }
0xde: {  	[sflag:s29] =	ssyncadd.s32 $0xFFFFFE00  }
0xdf: {  	_ =	swait.ge [sflag:s29], $0x200  }
0xe0: {  	[sflag:s29] =	ssyncset.done $0x0  }
0xe1: {  	[sflag:s29] =	ssyncadd.s32 $0xFFFFFE00  }
0xe2: {  	_ =	swait.ge [sflag:s31], $0x200  }
0xe3: {  	[sflag:s31] =	ssyncset.done $0x0  }
0xe4: {  	[sflag:s31] =	ssyncadd.s32 $0xFFFFFE00  }
0xe5: {  	_ =	swait.ge [sflag:s31], $0x200  }
0xe6: {  	[sflag:s31] =	ssyncset.done $0x0  }
0xe7: {  	[sflag:s31] =	ssyncadd.s32 $0xFFFFFE00  }
0xe8: {  	_ =	swait.ge [sflag:s31], $0x200  }
0xe9: {  	[sflag:s31] =	ssyncset.done $0x0  }
0xea: {  	[sflag:s31] =	ssyncadd.s32 $0xFFFFFE00  }
0xeb: {  	_ =	swait.ge [sflag:s31], $0x200  }
0xec: {  	[sflag:s31] =	ssyncset.done $0x0  }
0xed: {  	[sflag:s31] =	ssyncadd.s32 $0xFFFFFE00  }
0xee: {  	_ =	swait.ge [sflag:s31], $0x200  }
0xef: {  	[sflag:s31] =	ssyncset.done $0x0  }
0xf0: {  	[sflag:s31] =	ssyncadd.s32 $0xFFFFFE00  }
0xf1: {  	_ =	swait.ge [sflag:s31], $0x200  }
0xf2: {  	[sflag:s31] =	ssyncset.done $0x0  }
0xf3: {  	[sflag:s31] =	ssyncadd.s32 $0xFFFFFE00  }
0xf4: {  	_ =	swait.ge [sflag:s31], $0x200  }
0xf5: {  	[sflag:s31] =	ssyncset.done $0x0  }
0xf6: {  	[sflag:s31] =	ssyncadd.s32 $0xFFFFFE00  }
0xf7: {  	_ =	swait.ge [sflag:s31], $0x200  }
0xf8: {  	[sflag:s31] =	ssyncset.done $0x0  }
0xf9: {  	[sflag:s31] =	ssyncadd.s32 $0xFFFFFE00  }
0xfa: {  	v63 =	vld [tilespmem:$0x10200];
	_ =	sdelay $0x1  }
0xfb: {  	v33 =	vld [tilespmem:$0x11200];
	_ =	sdelay $0x2  }
0xfc: {  	v0 =	vmul.f32 $5.000000000e-01, v63;
	_ =	sdelay $0x1  }
0xfd: {  	s30 =	sand.u32 $0x70, s4;
	s0 =	sand.u32 $0xC00, s10;
	v0 =	vadd.f32 v33, v0  }
0xfe: {  	s5 =	sor.u32 s30, s0  }
0xff: {  	[tilespmem:s5+$0x12A00] =	vst v0  }
0x100: {  	v35 =	vld [tilespmem:$0x10280];
	_ =	sdelay $0x1  }
0x101: {  	v34 =	vld [tilespmem:$0x11280];
	_ =	sdelay $0x2  }
0x102: {  	v35 =	vmul.f32 $5.000000000e-01, v35;
	_ =	sdelay $0x1  }
0x103: {  	v53 =	vadd.f32 v34, v35  }
0x104: {  	s7 =	sadd.s32 $0x12A00, s5  }
0x105: {  	[tilespmem:s7+$0x80] =	vst v53  }
0x106: {  	v36 =	vld [tilespmem:$0x10300];
	_ =	sdelay $0x1  }
0x107: {  	v35 =	vld [tilespmem:$0x11300];
	_ =	sdelay $0x2  }
0x108: {  	v36 =	vmul.f32 $5.000000000e-01, v36;
	_ =	sdelay $0x1  }
0x109: {  	v60 =	vadd.f32 v35, v36;
	_ =	sdelay $0x1  }
0x10a: {  	[tilespmem:s7+$0x100] =	vst v60  }
0x10b: {  	v37 =	vld [tilespmem:$0x10380];
	_ =	sdelay $0x1  }
0x10c: {  	v36 =	vld [tilespmem:$0x11380];
	_ =	sdelay $0x2  }
0x10d: {  	v37 =	vmul.f32 $5.000000000e-01, v37;
	_ =	sdelay $0x1  }
0x10e: {  	v61 =	vadd.f32 v36, v37;
	_ =	sdelay $0x1  }
0x10f: {  	[tilespmem:s7+$0x180] =	vst v61  }
0x110: {  	v38 =	vld [tilespmem:$0x10400];
	_ =	sdelay $0x1  }
0x111: {  	v37 =	vld [tilespmem:$0x11400];
	_ =	sdelay $0x2  }
0x112: {  	v38 =	vmul.f32 $5.000000000e-01, v38;
	_ =	sdelay $0x1  }
0x113: {  	v62 =	vadd.f32 v37, v38;
	_ =	sdelay $0x1  }
0x114: {  	[tilespmem:s7+$0x200] =	vst v62  }
0x115: {  	v39 =	vld [tilespmem:$0x10480];
	_ =	sdelay $0x1  }
0x116: {  	v38 =	vld [tilespmem:$0x11480];
	_ =	sdelay $0x2  }
0x117: {  	v39 =	vmul.f32 $5.000000000e-01, v39;
	_ =	sdelay $0x1  }
0x118: {  	v63 =	vadd.f32 v38, v39;
	_ =	sdelay $0x1  }
0x119: {  	[tilespmem:s7+$0x280] =	vst v63  }
0x11a: {  	v40 =	vld [tilespmem:$0x10500];
	_ =	sdelay $0x1  }
0x11b: {  	v39 =	vld [tilespmem:$0x11500];
	_ =	sdelay $0x2  }
0x11c: {  	v40 =	vmul.f32 $5.000000000e-01, v40;
	_ =	sdelay $0x1  }
0x11d: {  	v1 =	vadd.f32 v39, v40;
	_ =	sdelay $0x1  }
0x11e: {  	[tilespmem:s7+$0x300] =	vst v1  }
0x11f: {  	v41 =	vld [tilespmem:$0x10580];
	_ =	sdelay $0x1  }
0x120: {  	v40 =	vld [tilespmem:$0x11580];
	_ =	sdelay $0x2  }
0x121: {  	v41 =	vmul.f32 $5.000000000e-01, v41;
	_ =	sdelay $0x1  }
0x122: {  	s11 =	sor.u32 s10, s4;
	v2 =	vadd.f32 v40, v41  }
0x123: {  	s2 =	sor.u32 $0x380, s11  }
0x124: {  	[tilespmem:s2+$0x12A00] =	vst v2  }
0x125: {  	v3 =	vld [tilespmem:$0x10600];
	_ =	sdelay $0x1  }
0x126: {  	v54 =	vld [tilespmem:$0x11600];
	_ =	sdelay $0x2  }
0x127: {  	v41 =	vmul.f32 $5.000000000e-01, v3;
	_ =	sdelay $0x1  }
0x128: {  	v3 =	vadd.f32 v54, v41;
	_ =	sdelay $0x1  }
0x129: {  	[tilespmem:s5+$0x13A00] =	vst v3  }
0x12a: {  	v4 =	vld [tilespmem:$0x10680];
	_ =	sdelay $0x1  }
0x12b: {  	v56 =	vld [tilespmem:$0x11680];
	_ =	sdelay $0x2  }
0x12c: {  	v41 =	vmul.f32 $5.000000000e-01, v4;
	_ =	sdelay $0x1  }
0x12d: {  	v4 =	vadd.f32 v56, v41;
	_ =	sdelay $0x1  }
0x12e: {  	[tilespmem:s5+$0x13A80] =	vst v4  }
0x12f: {  	v5 =	vld [tilespmem:$0x10700];
	_ =	sdelay $0x1  }
0x130: {  	v57 =	vld [tilespmem:$0x11700];
	_ =	sdelay $0x2  }
0x131: {  	v41 =	vmul.f32 $5.000000000e-01, v5;
	_ =	sdelay $0x1  }
0x132: {  	v5 =	vadd.f32 v57, v41;
	_ =	sdelay $0x1  }
0x133: {  	[tilespmem:s5+$0x13B00] =	vst v5  }
0x134: {  	v6 =	vld [tilespmem:$0x10780];
	_ =	sdelay $0x1  }
0x135: {  	v58 =	vld [tilespmem:$0x11780];
	_ =	sdelay $0x2  }
0x136: {  	v41 =	vmul.f32 $5.000000000e-01, v6;
	_ =	sdelay $0x1  }
0x137: {  	v6 =	vadd.f32 v58, v41;
	_ =	sdelay $0x1  }
0x138: {  	[tilespmem:s5+$0x13B80] =	vst v6  }
0x139: {  	v7 =	vld [tilespmem:$0x10800];
	_ =	sdelay $0x1  }
0x13a: {  	v59 =	vld [tilespmem:$0x11800];
	_ =	sdelay $0x2  }
0x13b: {  	v41 =	vmul.f32 $5.000000000e-01, v7;
	_ =	sdelay $0x1  }
0x13c: {  	v7 =	vadd.f32 v59, v41;
	_ =	sdelay $0x1  }
0x13d: {  	[tilespmem:s5+$0x13C00] =	vst v7  }
0x13e: {  	v8 =	vld [tilespmem:$0x10880];
	_ =	sdelay $0x1  }
0x13f: {  	v55 =	vld [tilespmem:$0x11880];
	_ =	sdelay $0x2  }
0x140: {  	v41 =	vmul.f32 $5.000000000e-01, v8;
	_ =	sdelay $0x1  }
0x141: {  	v8 =	vadd.f32 v55, v41;
	_ =	sdelay $0x1  }
0x142: {  	[tilespmem:s5+$0x13C80] =	vst v8  }
0x143: {  	v9 =	vld [tilespmem:$0x10900];
	_ =	sdelay $0x1  }
0x144: {  	v47 =	vld [tilespmem:$0x11900];
	_ =	sdelay $0x2  }
0x145: {  	v41 =	vmul.f32 $5.000000000e-01, v9;
	_ =	sdelay $0x1  }
0x146: {  	v9 =	vadd.f32 v47, v41;
	_ =	sdelay $0x1  }
0x147: {  	[tilespmem:s5+$0x13D00] =	vst v9  }
0x148: {  	v10 =	vld [tilespmem:$0x10980];
	_ =	sdelay $0x1  }
0x149: {  	v42 =	vld [tilespmem:$0x11980];
	_ =	sdelay $0x2  }
0x14a: {  	v41 =	vmul.f32 $5.000000000e-01, v10;
	_ =	sdelay $0x1  }
0x14b: {  	v10 =	vadd.f32 v42, v41;
	_ =	sdelay $0x1  }
0x14c: {  	[tilespmem:s5+$0x13D80] =	vst v10  }
0x14d: {  	v11 =	vld [tilespmem:$0x10A00];
	_ =	sdelay $0x1  }
0x14e: {  	v44 =	vld [tilespmem:$0x11A00];
	_ =	sdelay $0x2  }
0x14f: {  	v41 =	vmul.f32 $5.000000000e-01, v11;
	_ =	sdelay $0x1  }
0x150: {  	v11 =	vadd.f32 v44, v41;
	_ =	sdelay $0x1  }
0x151: {  	[tilespmem:s5+$0x14A00] =	vst v11  }
0x152: {  	v12 =	vld [tilespmem:$0x10A80];
	_ =	sdelay $0x1  }
0x153: {  	v45 =	vld [tilespmem:$0x11A80];
	_ =	sdelay $0x2  }
0x154: {  	v41 =	vmul.f32 $5.000000000e-01, v12;
	_ =	sdelay $0x1  }
0x155: {  	v12 =	vadd.f32 v45, v41;
	_ =	sdelay $0x1  }
0x156: {  	[tilespmem:s5+$0x14A80] =	vst v12  }
0x157: {  	v13 =	vld [tilespmem:$0x10B00];
	_ =	sdelay $0x1  }
0x158: {  	v48 =	vld [tilespmem:$0x11B00];
	_ =	sdelay $0x2  }
0x159: {  	v41 =	vmul.f32 $5.000000000e-01, v13;
	_ =	sdelay $0x1  }
0x15a: {  	v13 =	vadd.f32 v48, v41;
	_ =	sdelay $0x1  }
0x15b: {  	[tilespmem:s5+$0x14B00] =	vst v13  }
0x15c: {  	v14 =	vld [tilespmem:$0x10B80];
	_ =	sdelay $0x1  }
0x15d: {  	v49 =	vld [tilespmem:$0x11B80];
	_ =	sdelay $0x2  }
0x15e: {  	v41 =	vmul.f32 $5.000000000e-01, v14;
	_ =	sdelay $0x1  }
0x15f: {  	v14 =	vadd.f32 v49, v41;
	_ =	sdelay $0x1  }
0x160: {  	[tilespmem:s5+$0x14B80] =	vst v14  }
0x161: {  	v15 =	vld [tilespmem:$0x10C00];
	_ =	sdelay $0x1  }
0x162: {  	v50 =	vld [tilespmem:$0x11C00];
	_ =	sdelay $0x2  }
0x163: {  	v41 =	vmul.f32 $5.000000000e-01, v15;
	_ =	sdelay $0x1  }
0x164: {  	v15 =	vadd.f32 v50, v41;
	_ =	sdelay $0x1  }
0x165: {  	[tilespmem:s5+$0x14C00] =	vst v15  }
0x166: {  	v16 =	vld [tilespmem:$0x10C80];
	_ =	sdelay $0x1  }
0x167: {  	v51 =	vld [tilespmem:$0x11C80];
	_ =	sdelay $0x2  }
0x168: {  	v41 =	vmul.f32 $5.000000000e-01, v16;
	_ =	sdelay $0x1  }
0x169: {  	v16 =	vadd.f32 v51, v41;
	_ =	sdelay $0x1  }
0x16a: {  	[tilespmem:s5+$0x14C80] =	vst v16  }
0x16b: {  	v17 =	vld [tilespmem:$0x10D00];
	_ =	sdelay $0x1  }
0x16c: {  	v52 =	vld [tilespmem:$0x11D00];
	_ =	sdelay $0x2  }
0x16d: {  	v41 =	vmul.f32 $5.000000000e-01, v17;
	_ =	sdelay $0x1  }
0x16e: {  	v17 =	vadd.f32 v52, v41;
	_ =	sdelay $0x1  }
0x16f: {  	[tilespmem:s5+$0x14D00] =	vst v17  }
0x170: {  	v18 =	vld [tilespmem:$0x10D80];
	_ =	sdelay $0x1  }
0x171: {  	v46 =	vld [tilespmem:$0x11D80];
	_ =	sdelay $0x2  }
0x172: {  	v41 =	vmul.f32 $5.000000000e-01, v18;
	_ =	sdelay $0x1  }
0x173: {  	v18 =	vadd.f32 v46, v41;
	_ =	sdelay $0x1  }
0x174: {  	[tilespmem:s5+$0x14D80] =	vst v18  }
0x175: {  	v19 =	vld [tilespmem:$0x10E00];
	_ =	sdelay $0x1  }
0x176: {  	v43 =	vld [tilespmem:$0x11E00];
	_ =	sdelay $0x2  }
0x177: {  	v41 =	vmul.f32 $5.000000000e-01, v19;
	_ =	sdelay $0x1  }
0x178: {  	v19 =	vadd.f32 v43, v41;
	_ =	sdelay $0x1  }
0x179: {  	[tilespmem:s5+$0x15A00] =	vst v19  }
0x17a: {  	v20 =	vld [tilespmem:$0x10E80];
	_ =	sdelay $0x1  }
0x17b: {  	v41 =	vld [tilespmem:$0x11E80];
	_ =	sdelay $0x2  }
0x17c: {  	v20 =	vmul.f32 $5.000000000e-01, v20;
	_ =	sdelay $0x1  }
0x17d: {  	v20 =	vadd.f32 v41, v20;
	_ =	sdelay $0x1  }
0x17e: {  	v0 =	vmul.f32 v0, v0;
	v53 =	vmul.f32 v53, v53;
	[tilespmem:s5+$0x15A80] =	vst v20  }
0x17f: {  	v21 =	vld [tilespmem:$0x10F00]  }
0x180: {  	v0 =	vadd.f32 v53, v0;
	v60 =	vmul.f32 v60, v60  }
0x181: {  	v53 =	vld [tilespmem:$0x11F00]  }
0x182: {  	v0 =	vadd.f32 v60, v0;
	v60 =	vmul.f32 v61, v61;
	_ =	sdelay $0x1  }
0x183: {  	v0 =	vadd.f32 v60, v0;
	v60 =	vmul.f32 v62, v62;
	v21 =	vmul.f32 $5.000000000e-01, v21;
	_ =	sdelay $0x1  }
0x184: {  	v0 =	vadd.f32 v60, v0;
	v60 =	vmul.f32 v63, v63;
	v21 =	vadd.f32 v53, v21;
	_ =	sdelay $0x1  }
0x185: {  	v0 =	vadd.f32 v60, v0;
	v1 =	vmul.f32 v1, v1;
	[tilespmem:s5+$0x15B00] =	vst v21  }
0x186: {  	v61 =	vld [tilespmem:$0x10F80]  }
0x187: {  	v0 =	vadd.f32 v1, v0;
	v1 =	vmul.f32 v2, v2  }
0x188: {  	v60 =	vld [tilespmem:$0x11F80]  }
0x189: {  	v0 =	vadd.f32 v1, v0;
	v63 =	vmul.f32 v3, v3;
	_ =	sdelay $0x1  }
0x18a: {  	v0 =	vadd.f32 v63, v0;
	v4 =	vmul.f32 v4, v4;
	v61 =	vmul.f32 $5.000000000e-01, v61;
	_ =	sdelay $0x1  }
0x18b: {  	v0 =	vadd.f32 v4, v0;
	v62 =	vmul.f32 v5, v5;
	v2 =	vadd.f32 v60, v61;
	_ =	sdelay $0x1  }
0x18c: {  	v0 =	vadd.f32 v62, v0;
	v63 =	vmul.f32 v6, v6;
	[tilespmem:s5+$0x15B80] =	vst v2  }
0x18d: {  	v3 =	vld [tilespmem:$0x11000]  }
0x18e: {  	v0 =	vadd.f32 v63, v0;
	v5 =	vmul.f32 v7, v7  }
0x18f: {  	v61 =	vld [tilespmem:$0x12000]  }
0x190: {  	v0 =	vadd.f32 v5, v0;
	v6 =	vmul.f32 v8, v8;
	_ =	sdelay $0x1  }
0x191: {  	v0 =	vadd.f32 v6, v0;
	v7 =	vmul.f32 v9, v9;
	v3 =	vmul.f32 $5.000000000e-01, v3;
	_ =	sdelay $0x1  }
0x192: {  	v0 =	vadd.f32 v7, v0;
	v8 =	vmul.f32 v10, v10;
	v3 =	vadd.f32 v61, v3;
	_ =	sdelay $0x1  }
0x193: {  	v0 =	vadd.f32 v8, v0;
	v9 =	vmul.f32 v11, v11;
	[tilespmem:s5+$0x15C00] =	vst v3  }
0x194: {  	v10 =	vld [tilespmem:$0x11080]  }
0x195: {  	v0 =	vadd.f32 v9, v0;
	v11 =	vmul.f32 v12, v12  }
0x196: {  	v62 =	vld [tilespmem:$0x12080]  }
0x197: {  	v0 =	vadd.f32 v11, v0;
	v12 =	vmul.f32 v13, v13;
	_ =	sdelay $0x1  }
0x198: {  	v0 =	vadd.f32 v12, v0;
	v13 =	vmul.f32 v14, v14;
	v4 =	vmul.f32 $5.000000000e-01, v10;
	_ =	sdelay $0x1  }
0x199: {  	v0 =	vadd.f32 v13, v0;
	v14 =	vmul.f32 v15, v15;
	v4 =	vadd.f32 v62, v4;
	_ =	sdelay $0x1  }
0x19a: {  	v0 =	vadd.f32 v14, v0;
	v15 =	vmul.f32 v16, v16;
	[tilespmem:s5+$0x15C80] =	vst v4  }
0x19b: {  	v16 =	vld [tilespmem:$0x11100]  }
0x19c: {  	v0 =	vadd.f32 v15, v0;
	v17 =	vmul.f32 v17, v17  }
0x19d: {  	v63 =	vld [tilespmem:$0x12100]  }
0x19e: {  	v0 =	vadd.f32 v17, v0;
	v18 =	vmul.f32 v18, v18;
	_ =	sdelay $0x1  }
0x19f: {  	v0 =	vadd.f32 v18, v0;
	v19 =	vmul.f32 v19, v19;
	v5 =	vmul.f32 $5.000000000e-01, v16;
	_ =	sdelay $0x1  }
0x1a0: {  	v0 =	vadd.f32 v19, v0;
	v8 =	vmul.f32 v20, v20;
	v5 =	vadd.f32 v63, v5;
	_ =	sdelay $0x1  }
0x1a1: {  	v0 =	vadd.f32 v8, v0;
	v9 =	vmul.f32 v21, v21;
	[tilespmem:s5+$0x15D00] =	vst v5  }
0x1a2: {  	v10 =	vld [tilespmem:$0x11180]  }
0x1a3: {  	v1 =	vadd.f32 v9, v0;
	v2 =	vmul.f32 v2, v2  }
0x1a4: {  	v0 =	vld [tilespmem:$0x12180]  }
0x1a5: {  	v1 =	vadd.f32 v2, v1;
	v11 =	vmul.f32 v3, v3;
	_ =	sdelay $0x1  }
0x1a6: {  	v1 =	vadd.f32 v11, v1;
	v12 =	vmul.f32 v4, v4;
	v13 =	vmul.f32 $5.000000000e-01, v10;
	_ =	sdelay $0x1  }
0x1a7: {  	v1 =	vadd.f32 v12, v1;
	v14 =	vmul.f32 v5, v5;
	v3 =	vadd.f32 v0, v13;
	_ =	sdelay $0x1  }
0x1a8: {  	v1 =	vadd.f32 v14, v1;
	v15 =	vmul.f32 v3, v3;
	_ =	sdelay $0x1  }
0x1a9: {  	v1 =	vadd.f32 v15, v1;
	_ =	sdelay $0x1  }
0x1aa: {  	v1 =	vmax.f32 v1, $1.000000020e-24  }
0x1ab: {  	v16 =	vshra.s32 v1, $0x1;
	v1 =	vmul.f32 $5.000000000e-01, v1  }
0x1ac: {  	v2 =	vsub.s32 $0x5F3759DF, v16  }
0x1ad: {  	v17 =	vmul.f32 v2, v1;
	_ =	sdelay $0x1  }
0x1ae: {  	v4 =	vmul.f32 v2, v17;
	_ =	sdelay $0x1  }
0x1af: {  	v4 =	vsub.f32 $1.500000000e+00, v4  }
0x1b0: {  	v18 =	vmul.f32 v33, v33;
	v19 =	vmul.f32 v34, v34  }
0x1b1: {  	v2 =	vmul.f32 v2, v4  }
0x1b2: {  	v33 =	vmul.f32 v35, v35;
	v5 =	vadd.f32 v19, v18  }
0x1b3: {  	v35 =	vmul.f32 v36, v36;
	v36 =	vmul.f32 v2, v1  }
0x1b4: {  	v34 =	vadd.f32 v33, v5  }
0x1b5: {  	v6 =	vmul.f32 v36, v2  }
0x1b6: {  	v37 =	vmul.f32 v37, v37;
	v4 =	vadd.f32 v35, v34  }
0x1b7: {  	v6 =	vsub.f32 $1.500000000e+00, v6  }
0x1b8: {  	v38 =	vmul.f32 v38, v38;
	v4 =	vadd.f32 v37, v4  }
0x1b9: {  	v2 =	vmul.f32 v6, v2  }
0x1ba: {  	v8 =	vmul.f32 v39, v39;
	v4 =	vadd.f32 v38, v4  }
0x1bb: {  	v1 =	vmul.f32 v2, v1  }
0x1bc: {  	v9 =	vmul.f32 v40, v40;
	v4 =	vadd.f32 v8, v4  }
0x1bd: {  	[tilespmem:s5+$0x15D80] =	vst v3;
	v1 =	vmul.f32 v1, v2  }
0x1be: {  	v10 =	vmul.f32 v54, v54;
	v13 =	vld [tilespmem:s7+$0x80];
	v4 =	vadd.f32 v9, v4  }
0x1bf: {  	v14 =	vld [tilespmem:s7+$0x100];
	v1 =	vsub.f32 $1.500000000e+00, v1  }
0x1c0: {  	v12 =	vmul.f32 v56, v56;
	v16 =	vld [tilespmem:s7+$0x180];
	v11 =	vadd.f32 v10, v4  }
0x1c1: {  	v17 =	vld [tilespmem:s7+$0x200];
	v33 =	vmul.f32 v1, v2  }
0x1c2: {  	v15 =	vmul.f32 v57, v57;
	v34 =	vld [tilespmem:s7+$0x280];
	v3 =	vadd.f32 v12, v11  }
0x1c3: {  	v35 =	vld [tilespmem:s7+$0x300];
	v5 =	vmul.f32 v33, v13  }
0x1c4: {  	v19 =	vmul.f32 v58, v58;
	v37 =	vld [tilespmem:s5+$0x12A00];
	v18 =	vadd.f32 v15, v3;
	v6 =	vmul.f32 v33, v14  }
0x1c5: {  	v40 =	vmul.f32 v42, v42;
	v7 =	vmul.f32 v33, v16;
	[tilespmem:s7+$0x80] =	vst v5  }
0x1c6: {  	v42 =	vld [tilespmem:$0x1FEA0];
	v36 =	vmul.f32 v59, v59;
	v2 =	vadd.f32 v19, v18;
	v1 =	vmul.f32 v33, v17;
	[tilespmem:s7+$0x100] =	vst v6  }
0x1c7: {  	v4 =	vmul.f32 v33, v34;
	[tilespmem:s7+$0x180] =	vst v7  }
0x1c8: {  	v54 =	vld [tilespmem:$0x1FEB0];
	v38 =	vmul.f32 v55, v55;
	v2 =	vadd.f32 v36, v2;
	v8 =	vmul.f32 v33, v35;
	[tilespmem:s7+$0x200] =	vst v1  }
0x1c9: {  	v9 =	vmul.f32 v33, v37;
	[tilespmem:s7+$0x280] =	vst v4  }
0x1ca: {  	v39 =	vmul.f32 v47, v47;
	v56 =	vld [tilespmem:$0x1FEC0];
	v2 =	vadd.f32 v38, v2;
	[tilespmem:s7+$0x300] =	vst v8  }
0x1cb: {  	v58 =	vld [tilespmem:$0x1FED0];
	[tilespmem:s5+$0x12A00] =	vst v9;
	v9 =	vmul.f32 v9, v42  }
0x1cc: {  	v47 =	vld [tilespmem:s2+$0x12A00];
	v2 =	vadd.f32 v39, v2  }
0x1cd: {  	v5 =	vmul.f32 v5, v54;
	v9 =	vadd.f32 $0.0e+00, v9  }
0x1ce: {  	v44 =	vmul.f32 v44, v44;
	v11 =	vld [tilespmem:$0x1FEE0];
	v2 =	vadd.f32 v40, v2  }
0x1cf: {  	v6 =	vmul.f32 v6, v56;
	v5 =	vadd.f32 v9, v5  }
0x1d0: {  	v55 =	vmul.f32 v45, v45;
	v14 =	vld [tilespmem:$0x1FEF0];
	v2 =	vadd.f32 v44, v2  }
0x1d1: {  	v5 =	vadd.f32 v5, v6;
	v6 =	vmul.f32 v7, v58;
	v59 =	vmul.f32 v33, v47  }
0x1d2: {  	v57 =	vmul.f32 v48, v48;
	v17 =	vld [tilespmem:$0x1FF00];
	v2 =	vadd.f32 v55, v2  }
0x1d3: {  	v35 =	vld [tilespmem:$0x1FF10];
	v1 =	vmul.f32 v1, v11;
	[tilespmem:s2+$0x12A00] =	vst v59;
	v5 =	vadd.f32 v5, v6  }
0x1d4: {  	v10 =	vmul.f32 v49, v49;
	v13 =	vld [tilespmem:s5+$0x13A00];
	v2 =	vadd.f32 v57, v2  }
0x1d5: {  	v4 =	vmul.f32 v4, v14;
	v16 =	vld [tilespmem:s5+$0x13A80];
	v1 =	vadd.f32 v5, v1  }
0x1d6: {  	v12 =	vmul.f32 v50, v50;
	v38 =	vld [tilespmem:$0x1FF20];
	v2 =	vadd.f32 v10, v2  }
0x1d7: {  	v19 =	vld [tilespmem:s5+$0x13B00];
	v1 =	vadd.f32 v1, v4;
	v4 =	vmul.f32 v8, v17  }
0x1d8: {  	v49 =	vmul.f32 v60, v60;
	v15 =	vmul.f32 v51, v51;
	v42 =	vld [tilespmem:$0x1FF30];
	v2 =	vadd.f32 v12, v2  }
0x1d9: {  	v37 =	vld [tilespmem:s5+$0x13B80];
	v1 =	vadd.f32 v1, v4;
	v4 =	vmul.f32 v59, v35;
	v34 =	vmul.f32 v33, v13  }
0x1da: {  	v45 =	vld [tilespmem:$0x1FF40];
	v18 =	vmul.f32 v52, v52;
	v5 =	vmul.f32 v33, v16  }
0x1db: {  	v40 =	vld [tilespmem:s5+$0x13C00];
	v2 =	vadd.f32 v15, v2;
	v1 =	vadd.f32 v1, v4;
	v4 =	vmul.f32 v34, v38  }
0x1dc: {  	v48 =	vld [tilespmem:$0x1FF50];
	v36 =	vmul.f32 v46, v46;
	v8 =	vmul.f32 v19, v33  }
0x1dd: {  	v44 =	vld [tilespmem:s5+$0x13C80];
	v2 =	vadd.f32 v18, v2;
	v1 =	vadd.f32 v1, v4;
	v4 =	vmul.f32 v5, v42  }
0x1de: {  	v51 =	vld [tilespmem:$0x1FF60];
	v39 =	vmul.f32 v43, v43;
	v6 =	vmul.f32 v37, v33  }
0x1df: {  	v47 =	vld [tilespmem:s5+$0x13D00];
	v2 =	vadd.f32 v36, v2;
	v1 =	vadd.f32 v1, v4;
	v4 =	vmul.f32 v8, v45  }
0x1e0: {  	v54 =	vld [tilespmem:$0x1FF70];
	v43 =	vmul.f32 v41, v41;
	v7 =	vmul.f32 v40, v33  }
0x1e1: {  	v50 =	vld [tilespmem:s5+$0x13D80];
	v2 =	vadd.f32 v39, v2;
	v1 =	vadd.f32 v1, v4;
	v4 =	vmul.f32 v6, v48  }
0x1e2: {  	v46 =	vmul.f32 v53, v53;
	v57 =	vld [tilespmem:$0x1FF80];
	v9 =	vmul.f32 v44, v33  }
0x1e3: {  	v53 =	vld [tilespmem:s5+$0x14A00];
	v2 =	vadd.f32 v43, v2;
	v1 =	vadd.f32 v1, v4;
	v4 =	vmul.f32 v7, v51  }
0x1e4: {  	v60 =	vld [tilespmem:$0x1FF90];
	v52 =	vmul.f32 v61, v61;
	v10 =	vmul.f32 v47, v33  }
0x1e5: {  	v56 =	vld [tilespmem:s5+$0x14A80];
	v2 =	vadd.f32 v46, v2;
	v1 =	vadd.f32 v1, v4;
	v4 =	vmul.f32 v9, v54  }
0x1e6: {  	v55 =	vmul.f32 v62, v62;
	v62 =	vld [tilespmem:$0x1FFA0];
	v11 =	vmul.f32 v50, v33  }
0x1e7: {  	v59 =	vld [tilespmem:s5+$0x14B00];
	v2 =	vadd.f32 v49, v2;
	v1 =	vadd.f32 v1, v4;
	v4 =	vmul.f32 v10, v57  }
0x1e8: {  	v12 =	vmul.f32 v53, v33;
	v19 =	vld [tilespmem:$0x1FFB0]  }
0x1e9: {  	v2 =	vadd.f32 v52, v2;
	v1 =	vadd.f32 v1, v4;
	v4 =	vmul.f32 v11, v60  }
0x1ea: {  	v58 =	vmul.f32 v63, v63;
	v13 =	vmul.f32 v56, v33;
	v37 =	vld [tilespmem:$0x1FFC0]  }
0x1eb: {  	v61 =	vld [tilespmem:s5+$0x14B80];
	v2 =	vadd.f32 v55, v2;
	v1 =	vadd.f32 v1, v4;
	v4 =	vmul.f32 v12, v62  }
0x1ec: {  	v0 =	vmul.f32 v0, v0;
	v63 =	vld [tilespmem:s5+$0x14C00];
	v14 =	vmul.f32 v59, v33  }
0x1ed: {  	v40 =	vld [tilespmem:$0x1FFD0];
	v2 =	vadd.f32 v58, v2;
	v1 =	vadd.f32 v1, v4;
	v4 =	vmul.f32 v13, v19  }
0x1ee: {  	v36 =	vld [tilespmem:s5+$0x14C80]  }
0x1ef: {  	v42 =	vld [tilespmem:$0x1FFE0];
	v0 =	vadd.f32 v0, v2;
	v1 =	vadd.f32 v1, v4;
	v4 =	vmul.f32 v14, v37  }
0x1f0: {  	v3 =	vmul.f32 v61, v33;
	v39 =	vld [tilespmem:s5+$0x14D00]  }
0x1f1: {  	v43 =	vld [tilespmem:$0x1FFF0];
	v2 =	vmul.f32 v63, v33;
	v35 =	vmax.f32 v0, $1.000000000e-30;
	v1 =	vadd.f32 v4, v1  }
0x1f2: {  	v4 =	vmul.f32 v3, v40;
	v38 =	vshra.s32 v35, $0x1;
	v15 =	vmul.f32 $5.000000000e-01, v35  }
0x1f3: {  	v41 =	vld [tilespmem:s5+$0x14D80];
	v16 =	vmul.f32 v36, v33;
	v17 =	vsub.s32 $0x5F3759DF, v38  }
0x1f4: {  	v21 =	vld [tilespmem:s5+$0x15A00];
	v1 =	vadd.f32 v4, v1;
	v4 =	vmul.f32 v2, v42;
	v20 =	vmul.f32 v17, v15  }
0x1f5: {  	v18 =	vmul.f32 v39, v33  }
0x1f6: {  	v1 =	vadd.f32 v4, v1;
	v4 =	vmul.f32 v16, v43;
	v20 =	vmul.f32 v17, v20  }
0x1f7: {  	v44 =	vld [tilespmem:s5+$0x15A80];
	v45 =	vmul.f32 v18, v22  }
0x1f8: {  	v46 =	vld [tilespmem:s5+$0x15B00];
	v19 =	vmul.f32 v41, v33;
	v1 =	vadd.f32 v4, v1;
	v20 =	vsub.f32 $1.500000000e+00, v20  }
0x1f9: {  	v21 =	vmul.f32 v21, v33  }
0x1fa: {  	v47 =	vmul.f32 v19, v23;
	v1 =	vadd.f32 v45, v1;
	v17 =	vmul.f32 v17, v20  }
0x1fb: {  	v48 =	vmul.f32 v21, v24;
	v20 =	vld [tilespmem:s5+$0x15B80]  }
0x1fc: {  	v50 =	vld [tilespmem:s5+$0x15C00];
	v35 =	vmul.f32 v44, v33;
	v1 =	vadd.f32 v47, v1;
	v49 =	vmul.f32 v17, v15  }
0x1fd: {  	v36 =	vmul.f32 v46, v33  }
0x1fe: {  	v52 =	vld [tilespmem:s5+$0x15C80];
	v51 =	vmul.f32 v35, v25;
	v1 =	vadd.f32 v48, v1;
	v37 =	vmul.f32 v49, v17  }
0x1ff: {  	v53 =	vmul.f32 v36, v26  }
0x200: {  	v1 =	vadd.f32 v51, v1;
	v20 =	vmul.f32 v20, v33;
	v37 =	vsub.f32 $1.500000000e+00, v37  }
0x201: {  	v55 =	vld [tilespmem:s5+$0x15D00];
	v38 =	vmul.f32 v50, v33  }
0x202: {  	v58 =	vld [tilespmem:s5+$0x15D80];
	v1 =	vadd.f32 v53, v1;
	v54 =	vmul.f32 v20, v27;
	v17 =	vmul.f32 v37, v17  }
0x203: {  	v57 =	vmul.f32 v52, v33  }
0x204: {  	v56 =	vmul.f32 v38, v28;
	v1 =	vadd.f32 v54, v1;
	v15 =	vmul.f32 v17, v15  }
0x205: {  	v59 =	vmul.f32 v57, v29  }
0x206: {  	v40 =	vmul.f32 v55, v33;
	v1 =	vadd.f32 v56, v1;
	v15 =	vmul.f32 v15, v17  }
0x207: {  	v61 =	vmul.f32 v58, v33  }
0x208: {  	v62 =	vmul.f32 v40, v31;
	v1 =	vadd.f32 v59, v1;
	v60 =	vsub.f32 $1.500000000e+00, v15;
	_ =	sdelay $0x1  }
0x209: {  	v63 =	vmul.f32 v61, v32;
	v1 =	vadd.f32 v62, v1;
	v4 =	vmul.f32 v60, v17;
	_ =	sdelay $0x1  }
0x20a: {  	v1 =	vadd.f32 v63, v1;
	v0 =	vmul.f32 v4, v0;
	_ =	sdelay $0x1  }
0x20b: {  	v1 =	vmul.f32 v1, v0;
	_ =	sdelay $0x1  }
0x20c: {  	v1 =	vadd.f32 v1, v30;
	_ =	sdelay $0x1  }
0x20d: {  	v1 =	vsub.f32 $0.0e+00, v1  }
0x20e: {  	[tilespmem:s5+$0x13A00] =	vst v34  }
0x20f: {  	[tilespmem:s5+$0x13A80] =	vst v5;
	v1 =	vmul.f32 $1.442695020e+00, v1  }
0x210: {  	[tilespmem:s5+$0x13B00] =	vst v8  }
0x211: {  	[tilespmem:s5+$0x13B80] =	vst v6;
	(erf) = vpow2.f32 v1  }
0x212: {  	[tilespmem:s5+$0x13C00] =	vst v7  }
0x213: {  	[tilespmem:s5+$0x13C80] =	vst v9  }
0x214: {  	[tilespmem:s5+$0x13D00] =	vst v10  }
0x215: {  	[tilespmem:s5+$0x13D80] =	vst v11  }
0x216: {  	[tilespmem:s5+$0x14A00] =	vst v12  }
0x217: {  	[tilespmem:s5+$0x14A80] =	vst v13  }
0x218: {  	[tilespmem:s5+$0x14B80] =	vst v3  }
0x219: {  	[tilespmem:s5+$0x15A00] =	vst v21  }
0x21a: {  	[tilespmem:s5+$0x14B00] =	vst v14;
	v1 =	vpop (erf)  }
0x21b: {  	[tilespmem:s5+$0x14C80] =	vst v16;
	v1 =	vadd.f32 $1.000000000e+00, v1  }
0x21c: {  	[tilespmem:s5+$0x14D00] =	vst v18  }
0x21d: {  	[tilespmem:s5+$0x15B00] =	vst v36;
	(erf) = vrcp.f32 v1  }
0x21e: {  	[tilespmem:s5+$0x14D80] =	vst v19  }
0x21f: {  	[tilespmem:s5+$0x15C80] =	vst v57  }
0x220: {  	[tilespmem:s5+$0x14C00] =	vst v2  }
0x221: {  	[tilespmem:s5+$0x15D00] =	vst v40  }
0x222: {  	p0 =	sne.s32 s4, $0x1F0;
	[tilespmem:s5+$0x15A80] =	vst v35  }
.Ltmp0:
0x223: {  	[tilespmem:s5+$0x15D80] =	vst v61;
	(pc) =	sbr.rel @p0 .LBB2_2-.Ltmp0, $4  }
0x224: {  	[tilespmem:s5+$0x15C00] =	vst v38  }
0x225: {  	s9 =	sadd.s32 $0x10, s9;
	[tilespmem:s5+$0x15B80] =	vst v20  }
0x226: {  	s4 =	sadd.s32 $0x10, s4;
	s10 =	sadd.s32 $0x80, s10;
	s30 =	rddreg [dreg:$0x14];
	[tilespmem:s8+$0x0] =	vst v0;
	v1 =	vpop (erf)  }
0x227: {  	s11 =	stileid.u32;
	s2 =	sadd.s32 $0x10, s30;
	s8 =	sadd.s32 $0x10, s8;
	[tilespmem:s30+$0x0] =	vst v1  }
0x228: {  	s30 =	simm.s32 $0x0  }
0x229: {  	s2 =	rddreg [dreg:$0xd];
	s4 =	simm.s32 $0x12800;
	s5 =	simm.s32 $0x3  }
0x22a: {  	[hbm4b:s2+s30] =	stream.linear.scatter [tilespmem:s4], [sflag:$0x3], $0x200, $0x38;
	[tilespmem:$0x16A00] =	vst v63  }
0x22b: {  	_ =	swait.ge [sflag:s5], $0x200  }
0x22c: {  	[sflag:s5] =	ssyncset.done $0x0  }
0x22d: {  	s9 =	simm.s32 $0x12600;
	s8 =	rddreg [dreg:$0xe];
	[sflag:s5] =	ssyncadd.s32 $0xFFFFFE00  }
0x22e: {  	[hbm4b:s8+s30] =	stream.linear.scatter [tilespmem:s9], [sflag:$0x3], $0x200, $0x38;
	[tilespmem:$0x16A00] =	vst v63  }
0x22f: {  	_ =	swait.ge [sflag:s5], $0x200  }
0x230: {  	s0 =	simm.s32 $0x1000;
	s7 =	simm.s32 $0x20000;
	[sflag:s5] =	ssyncset.done $0x0  }
0x231: {  	s8 =	simm.s32 $0x12A00;
	s10 =	rddreg [dreg:$0xf];
	[sflag:s5] =	ssyncadd.s32 $0xFFFFFE00  }
0x232: {  	[hbm4b:s10+s0] =	stream.strided.scatter [tilespmem:s8], [sflag:$0x3], $0x4000, s7, s0, $0x38;
	[tilespmem:$0x16A00] =	vst v63  }
0x233: {  	_ =	swait.ge [sflag:s5], $0x4000  }
0x234: {  	s9 =	rddreg [dreg:$0x13]  }
0x235: {  	s10 =	rddreg [dreg:$0x10];
	s4 =	sadd.s32 $0x1, s9  }
0x236: {  	p0 =	sne.s32 s4, s10  }
.Ltmp1:
0x237: {  	_ = 	snop;
	(pc) =	sbr.rel @p0 .LBB2_1-.Ltmp1, $3  }
0x238: {  	_ =	sdelay $0x1  }
0x239: {  	[sflag:s5] =	ssyncset.done $0x0  }
0x23a: {  	[sflag:s5] =	ssyncadd.s32 $0xFFFFC000  }
0x23b: {  	_ =	sfence.sel $0x180000  }
0x23c: {  	[bflag:$0x0] =	sbarrier.arrive $0xFFFF  }
0x23d: {  	_ =	strace $0x90000047  }
0x23e: {  	[bflag:$0x2] =	sbarrier.arrive $0xFFFF  }
0x23f: {  	p0 =	sne.s32 s11, $0x0;
	s0 =	rddreg [dreg:$0xb]  }
0x240: {  	s0 =	sadd.s32 @!p0 $0x100000, s0  }
0x241: {  	[sflag:s0] =	ssyncadd.tile.s32 @!p0 $0x1;
	_ =	shalt  }
.Lfunc_end2:
_tile_overlayer_lowered:
.L_overlay_start_2:
0x242: {  	(tag) =	ssettag $0x2  }
0x243: {  	s0 =	rddreg [dreg:$0x0];
	s2 =	stileid.u32  }
0x244: {  	s1 =	rddreg [dreg:$0x1];
	p0 =	sne.s32 s2, $0x0  }
0x245: {  	s3 =	rddreg [dreg:$0x2];
	[bflag:$0x3] =	sbarrier.arrive $0xFFFF;
	s2 =	simm.s32 @!p0 $0x1C03  }
0x246: {  	[timem:s3], [sflag:s2] =	dma.local @!p0 [hbm:s0], s1  }
0x247: {  	s0 =	simm.s32 @!p0 $0x3  }
0x248: {  	_ =	swait.ge @!p0 [sflag:s0], s1  }
0x249: {  	s1 =	ssub.s32 @!p0 $0x0, s1;
	[sflag:s0] =	ssyncset.done @!p0 $0x0  }
0x24a: {  	[sflag:s0] =	ssyncadd.s32 @!p0 s1  }
0x24b: {  	[bflag:$0x3] =	sbarrier.arrive $0xFFFF  }
0x24c: {  	_ =	shalt  }

</sc_bundles>
